<compile_context>
chip_gen: v7x
topology: tpu7x:2x2x1
jax: 0.10.2.dev20260603
libtpu: 0.0.44.dev20260713+nightly
codegen_flags: <defaults>
</compile_context>

<pallas_src>
import jax
import jax.numpy as jnp
from jax import lax
from jax.experimental import pallas as pl
from jax.experimental.pallas import tpu as pltpu
from jax.experimental.pallas import tpu_sc as plsc

_B = 16384
_D = 32
_NW = 32
_BPW = _B // _NW
_MU = 10000000.0 / (10000000.0 + 1000000.0 * 4.0)


def _mf_body(uid_hbm, iid_hbm, ue_hbm, ie_hbm, bu_hbm, bi_hbm, out_hbm,
             uid_v, iid_v, u_rows, i_rows, bu_v, bi_v, out_v, sem):
  wid = lax.axis_index("s") * 2 + lax.axis_index("c")
  base = wid * _BPW

  pltpu.sync_copy(uid_hbm.at[pl.ds(base, _BPW)], uid_v)
  pltpu.sync_copy(iid_hbm.at[pl.ds(base, _BPW)], iid_v)

  for j in range(_BPW // 128):
    sl = pl.ds(j * 128, 128)
    pltpu.async_copy(bu_hbm.at[uid_v.at[sl]], bu_v.at[sl], sem)
    pltpu.async_copy(bi_hbm.at[iid_v.at[sl]], bi_v.at[sl], sem)
  pltpu.make_async_copy(bu_hbm.at[pl.ds(0, _BPW)], bu_v, sem).wait()
  pltpu.make_async_copy(bi_hbm.at[pl.ds(0, _BPW)], bi_v, sem).wait()

  lane = lax.iota(jnp.int32, 16)
  bitrev = (((lane & 1) << 3) | ((lane & 2) << 1) |
            ((lane & 4) >> 1) | ((lane & 8) >> 3))

  def _perm(v, idx):
    return lax.gather(
        v, idx[:, None],
        lax.GatherDimensionNumbers(offset_dims=(), collapsed_slice_dims=(0,),
                                   start_index_map=(0,)),
        slice_sizes=(1,), mode=lax.GatherScatterMode.PROMISE_IN_BOUNDS)

  def _shuf(v, k):
    return _perm(v, lane ^ k)

  pp = _BPW // 2
  for p in range(2):
    pbase = p * pp

    def fire(g, carry, pbase=pbase):
      off = g * 16
      uvec = uid_v[pl.ds(pbase + off, 16)]
      ivec = iid_v[pl.ds(pbase + off, 16)]
      for r in range(16):
        pltpu.async_copy(ue_hbm.at[pl.ds(uvec[r], 1)],
                         u_rows.at[pl.ds(off + r, 1)], sem)
        pltpu.async_copy(ie_hbm.at[pl.ds(ivec[r], 1)],
                         i_rows.at[pl.ds(off + r, 1)], sem)
      return carry
    lax.fori_loop(0, pp // 16, fire, 0)
    pltpu.make_async_copy(ue_hbm.at[pl.ds(0, pp)], u_rows, sem).wait()
    pltpu.make_async_copy(ie_hbm.at[pl.ds(0, pp)], i_rows, sem).wait()

    def g_body(g, carry, pbase=pbase):
      off = g * 16
      vecs = []
      for r in range(16):
        row = off + r
        vecs.append(u_rows[row, pl.ds(0, 16)] * i_rows[row, pl.ds(0, 16)] +
                    u_rows[row, pl.ds(16, 16)] * i_rows[row, pl.ds(16, 16)])
      for k in (8, 4, 2, 1):
        m = (lane & k) == 0
        vecs = [jnp.where(m, x + _shuf(x, k), y + _shuf(y, k))
                for x, y in zip(vecs[0::2], vecs[1::2])]
      dots = _perm(vecs[0], bitrev)
      out_v[pl.ds(pbase + off, 16)] = (dots + bu_v[pl.ds(pbase + off, 16)] +
                                       bi_v[pl.ds(pbase + off, 16)] + _MU)
      return carry
    lax.fori_loop(0, pp // 16, g_body, 0)

  pltpu.sync_copy(out_v, out_hbm.at[pl.ds(base, _BPW)])


def kernel(x, user_embedding, item_embedding, b_u, b_i):
  uid = x[:, 0].astype(jnp.int32)
  iid = x[:, 1].astype(jnp.int32)
  mesh = plsc.VectorSubcoreMesh(core_axis_name="c", subcore_axis_name="s")
  mf = pl.kernel(
      _mf_body,
      out_type=jax.ShapeDtypeStruct((_B,), jnp.float32),
      mesh=mesh,
      scratch_types=[
          pltpu.VMEM((_BPW,), jnp.int32),
          pltpu.VMEM((_BPW,), jnp.int32),
          pltpu.VMEM((_BPW // 2, _D), jnp.float32),
          pltpu.VMEM((_BPW // 2, _D), jnp.float32),
          pltpu.VMEM((_BPW,), jnp.float32),
          pltpu.VMEM((_BPW,), jnp.float32),
          pltpu.VMEM((_BPW,), jnp.float32),
          pltpu.SemaphoreType.DMA,
      ],
  )
  return mf(uid, iid, user_embedding, item_embedding, b_u, b_i)

# --- scband reference (transcript-rebuilt; emitter-appended) ---
"""Pipeline reference for scband-mf-60455959658605 (READ-ONLY COPY).

The authoritative reference and input builder live on the scoring server;
editing this copy changes nothing except your own understanding.
"""

import jax, jax.numpy as jnp
import numpy as np

N_USERS = 1000000
N_ITEMS = 1000000
HIDDEN_DIM = 32
N_ROWS = 10000000
N_NEG = 4
BATCH = 16384


def setup_inputs(seed: int = 0) -> dict:
    key = jax.random.key(seed)
    k_x, k_ue, k_ie = jax.random.split(key, 3)
    x = jax.random.randint(k_x, (BATCH, 2), 0, N_USERS, dtype=jnp.int64)
    # xavier_normal for embeddings: std = sqrt(2/(fan_in+fan_out))
    std_u = float(np.sqrt(2.0 / (N_USERS + HIDDEN_DIM)))
    std_i = float(np.sqrt(2.0 / (N_ITEMS + HIDDEN_DIM)))
    user_embedding = jax.random.normal(k_ue, (N_USERS, HIDDEN_DIM), dtype=jnp.float32) * std_u
    item_embedding = jax.random.normal(k_ie, (N_ITEMS, HIDDEN_DIM), dtype=jnp.float32) * std_i
    b_u = jnp.zeros((N_USERS,), dtype=jnp.float32)
    b_i = jnp.zeros((N_ITEMS,), dtype=jnp.float32)
    return {"x": x, "user_embedding": user_embedding, "item_embedding": item_embedding, "b_u": b_u, "b_i": b_i}


def reference(x, user_embedding, item_embedding, b_u, b_i):
    mu = N_ROWS / (N_ROWS + N_USERS * N_NEG)
    uid = x[:, 0].astype(jnp.int64)
    iid = x[:, 1].astype(jnp.int64)
    user_x = jnp.take(user_embedding, uid, axis=0)
    item_x = jnp.take(item_embedding, iid, axis=0)
    dot = (user_x * item_x).sum(axis=1)
    return mu + dot + b_u[uid] + b_i[iid]

if __name__ == "__main__":
    import jax
    _d = setup_inputs()
    print(jax.jit(kernel)(*tuple(_d.values())))

</pallas_src>

<mosaic_0001>
#map = affine_map<(d0, d1) -> (0)>
#map1 = affine_map<(d0, d1) -> (0, 0)>
module attributes {stable_mosaic.version = 14 : i64} {
  func.func @_mf_body(%arg0: i32, %arg1: i32, %arg2: memref<16384xi32, #tpu.memory_space<hbm>>, %arg3: memref<16384xi32, #tpu.memory_space<hbm>>, %arg4: memref<1000000x32xf32, #tpu.memory_space<hbm>>, %arg5: memref<1000000x32xf32, #tpu.memory_space<hbm>>, %arg6: memref<1000000xf32, #tpu.memory_space<hbm>>, %arg7: memref<1000000xf32, #tpu.memory_space<hbm>>, %arg8: memref<16384xf32, #tpu.memory_space<hbm>>, %arg9: memref<512xi32, #tpu.memory_space<vmem>>, %arg10: memref<512xi32, #tpu.memory_space<vmem>>, %arg11: memref<256x32xf32, #tpu.memory_space<vmem>>, %arg12: memref<256x32xf32, #tpu.memory_space<vmem>>, %arg13: memref<512xf32, #tpu.memory_space<vmem>>, %arg14: memref<512xf32, #tpu.memory_space<vmem>>, %arg15: memref<512xf32, #tpu.memory_space<vmem>>, %arg16: memref<!tpu.dma_semaphore, #tpu.memory_space<semaphore_mem>>) attributes {dimension_semantics = [#tpu.dimension_semantics<core_parallel>, #tpu.dimension_semantics<subcore_parallel>], iteration_bounds = array<i64: 2, 16>, scalar_prefetch = 0 : i64, scratch_operands = 8 : i64, tpu.core_type = #tpu.core_type<sc_vector_subcore>, window_params = [{transform_indices = #map}, {transform_indices = #map}, {transform_indices = #map1}, {transform_indices = #map1}, {transform_indices = #map}, {transform_indices = #map}, {transform_indices = #map}]} {
    %mul3A = arith.constant 2 : i32
    %mul3A_0 = arith.muli %arg1, %mul3A : i32
    %add3A = arith.addi %mul3A_0, %arg0 : i32
    %mul3A_1 = arith.constant 512 : i32
    %mul3A_2 = arith.muli %add3A, %mul3A_1 : i32
    "tpu.region"() ({
      %run_scoped3A = tpu.sem_alloc : memref<!tpu.dma_semaphore, #tpu.memory_space<semaphore_mem>>
      %dma_start3A_127 = tpu.memref_slice %arg2[%mul3A_2] : memref<16384xi32, #tpu.memory_space<hbm>> -> memref<512xi32, #tpu.memory_space<hbm>>
      %dma_start3A_128 = tpu.memref_slice %arg2[%mul3A_2] : memref<16384xi32, #tpu.memory_space<hbm>> -> memref<512xi32, #tpu.memory_space<hbm>>
      tpu.enqueue_dma source(%dma_start3A_128 : memref<512xi32, #tpu.memory_space<hbm>>) target(%arg9 : memref<512xi32, #tpu.memory_space<vmem>>) target_semaphore(%run_scoped3A : memref<!tpu.dma_semaphore, #tpu.memory_space<semaphore_mem>>)
      %dma_wait3A_129 = tpu.memref_slice %arg2[%mul3A_2] : memref<16384xi32, #tpu.memory_space<hbm>> -> memref<512xi32, #tpu.memory_space<hbm>>
      %dma_wait3A_130 = tpu.memref_slice %arg2[%mul3A_2] : memref<16384xi32, #tpu.memory_space<hbm>> -> memref<512xi32, #tpu.memory_space<hbm>>
      tpu.wait_dma2 semaphore(%run_scoped3A : memref<!tpu.dma_semaphore, #tpu.memory_space<semaphore_mem>>) src(%dma_wait3A_130 : memref<512xi32, #tpu.memory_space<hbm>>) dst(%arg9 : memref<512xi32, #tpu.memory_space<vmem>>)
      tpu.yield
    }) : () -> ()
    "tpu.region"() ({
      %run_scoped3A = tpu.sem_alloc : memref<!tpu.dma_semaphore, #tpu.memory_space<semaphore_mem>>
      %dma_start3A_127 = tpu.memref_slice %arg3[%mul3A_2] : memref<16384xi32, #tpu.memory_space<hbm>> -> memref<512xi32, #tpu.memory_space<hbm>>
      %dma_start3A_128 = tpu.memref_slice %arg3[%mul3A_2] : memref<16384xi32, #tpu.memory_space<hbm>> -> memref<512xi32, #tpu.memory_space<hbm>>
      tpu.enqueue_dma source(%dma_start3A_128 : memref<512xi32, #tpu.memory_space<hbm>>) target(%arg10 : memref<512xi32, #tpu.memory_space<vmem>>) target_semaphore(%run_scoped3A : memref<!tpu.dma_semaphore, #tpu.memory_space<semaphore_mem>>)
      %dma_wait3A_129 = tpu.memref_slice %arg3[%mul3A_2] : memref<16384xi32, #tpu.memory_space<hbm>> -> memref<512xi32, #tpu.memory_space<hbm>>
      %dma_wait3A_130 = tpu.memref_slice %arg3[%mul3A_2] : memref<16384xi32, #tpu.memory_space<hbm>> -> memref<512xi32, #tpu.memory_space<hbm>>
      tpu.wait_dma2 semaphore(%run_scoped3A : memref<!tpu.dma_semaphore, #tpu.memory_space<semaphore_mem>>) src(%dma_wait3A_130 : memref<512xi32, #tpu.memory_space<hbm>>) dst(%arg10 : memref<512xi32, #tpu.memory_space<vmem>>)
      tpu.yield
    }) : () -> ()
    %dma_start3A = arith.constant 0 : i32
    %dma_start3A_3 = tpu.memref_slice %arg13[%dma_start3A] : memref<512xf32, #tpu.memory_space<vmem>> -> memref<128xf32, #tpu.memory_space<vmem>>
    %dma_start3A_4 = arith.constant 0 : i32
    %dma_start3A_5 = tpu.memref_slice %arg9[%dma_start3A_4] : memref<512xi32, #tpu.memory_space<vmem>> -> memref<128xi32, #tpu.memory_space<vmem>>
    %dma_start3A_6 = arith.constant 0 : i32
    %dma_start3A_7 = tpu.memref_slice %arg6[%dma_start3A_6] : memref<1000000xf32, #tpu.memory_space<hbm>> -> memref<1000000xf32, #tpu.memory_space<hbm>>
    tpu.enqueue_indirect_dma source(%dma_start3A_7 : memref<1000000xf32, #tpu.memory_space<hbm>>) target(%dma_start3A_3 : memref<128xf32, #tpu.memory_space<vmem>>) offsets(%dma_start3A_5 : memref<128xi32, #tpu.memory_space<vmem>>) semaphore(%arg16 : memref<!tpu.dma_semaphore, #tpu.memory_space<semaphore_mem>>)
    %dma_start3A_8 = arith.constant 0 : i32
    %dma_start3A_9 = tpu.memref_slice %arg14[%dma_start3A_8] : memref<512xf32, #tpu.memory_space<vmem>> -> memref<128xf32, #tpu.memory_space<vmem>>
    %dma_start3A_10 = arith.constant 0 : i32
    %dma_start3A_11 = tpu.memref_slice %arg10[%dma_start3A_10] : memref<512xi32, #tpu.memory_space<vmem>> -> memref<128xi32, #tpu.memory_space<vmem>>
    %dma_start3A_12 = arith.constant 0 : i32
    %dma_start3A_13 = tpu.memref_slice %arg7[%dma_start3A_12] : memref<1000000xf32, #tpu.memory_space<hbm>> -> memref<1000000xf32, #tpu.memory_space<hbm>>
    tpu.enqueue_indirect_dma source(%dma_start3A_13 : memref<1000000xf32, #tpu.memory_space<hbm>>) target(%dma_start3A_9 : memref<128xf32, #tpu.memory_space<vmem>>) offsets(%dma_start3A_11 : memref<128xi32, #tpu.memory_space<vmem>>) semaphore(%arg16 : memref<!tpu.dma_semaphore, #tpu.memory_space<semaphore_mem>>)
    %dma_start3A_14 = arith.constant 128 : i32
    %dma_start3A_15 = tpu.memref_slice %arg13[%dma_start3A_14] : memref<512xf32, #tpu.memory_space<vmem>> -> memref<128xf32, #tpu.memory_space<vmem>>
    %dma_start3A_16 = arith.constant 128 : i32
    %dma_start3A_17 = tpu.memref_slice %arg9[%dma_start3A_16] : memref<512xi32, #tpu.memory_space<vmem>> -> memref<128xi32, #tpu.memory_space<vmem>>
    %dma_start3A_18 = arith.constant 0 : i32
    %dma_start3A_19 = tpu.memref_slice %arg6[%dma_start3A_18] : memref<1000000xf32, #tpu.memory_space<hbm>> -> memref<1000000xf32, #tpu.memory_space<hbm>>
    tpu.enqueue_indirect_dma source(%dma_start3A_19 : memref<1000000xf32, #tpu.memory_space<hbm>>) target(%dma_start3A_15 : memref<128xf32, #tpu.memory_space<vmem>>) offsets(%dma_start3A_17 : memref<128xi32, #tpu.memory_space<vmem>>) semaphore(%arg16 : memref<!tpu.dma_semaphore, #tpu.memory_space<semaphore_mem>>)
    %dma_start3A_20 = arith.constant 128 : i32
    %dma_start3A_21 = tpu.memref_slice %arg14[%dma_start3A_20] : memref<512xf32, #tpu.memory_space<vmem>> -> memref<128xf32, #tpu.memory_space<vmem>>
    %dma_start3A_22 = arith.constant 128 : i32
    %dma_start3A_23 = tpu.memref_slice %arg10[%dma_start3A_22] : memref<512xi32, #tpu.memory_space<vmem>> -> memref<128xi32, #tpu.memory_space<vmem>>
    %dma_start3A_24 = arith.constant 0 : i32
    %dma_start3A_25 = tpu.memref_slice %arg7[%dma_start3A_24] : memref<1000000xf32, #tpu.memory_space<hbm>> -> memref<1000000xf32, #tpu.memory_space<hbm>>
    tpu.enqueue_indirect_dma source(%dma_start3A_25 : memref<1000000xf32, #tpu.memory_space<hbm>>) target(%dma_start3A_21 : memref<128xf32, #tpu.memory_space<vmem>>) offsets(%dma_start3A_23 : memref<128xi32, #tpu.memory_space<vmem>>) semaphore(%arg16 : memref<!tpu.dma_semaphore, #tpu.memory_space<semaphore_mem>>)
    %dma_start3A_26 = arith.constant 256 : i32
    %dma_start3A_27 = tpu.memref_slice %arg13[%dma_start3A_26] : memref<512xf32, #tpu.memory_space<vmem>> -> memref<128xf32, #tpu.memory_space<vmem>>
    %dma_start3A_28 = arith.constant 256 : i32
    %dma_start3A_29 = tpu.memref_slice %arg9[%dma_start3A_28] : memref<512xi32, #tpu.memory_space<vmem>> -> memref<128xi32, #tpu.memory_space<vmem>>
    %dma_start3A_30 = arith.constant 0 : i32
    %dma_start3A_31 = tpu.memref_slice %arg6[%dma_start3A_30] : memref<1000000xf32, #tpu.memory_space<hbm>> -> memref<1000000xf32, #tpu.memory_space<hbm>>
    tpu.enqueue_indirect_dma source(%dma_start3A_31 : memref<1000000xf32, #tpu.memory_space<hbm>>) target(%dma_start3A_27 : memref<128xf32, #tpu.memory_space<vmem>>) offsets(%dma_start3A_29 : memref<128xi32, #tpu.memory_space<vmem>>) semaphore(%arg16 : memref<!tpu.dma_semaphore, #tpu.memory_space<semaphore_mem>>)
    %dma_start3A_32 = arith.constant 256 : i32
    %dma_start3A_33 = tpu.memref_slice %arg14[%dma_start3A_32] : memref<512xf32, #tpu.memory_space<vmem>> -> memref<128xf32, #tpu.memory_space<vmem>>
    %dma_start3A_34 = arith.constant 256 : i32
    %dma_start3A_35 = tpu.memref_slice %arg10[%dma_start3A_34] : memref<512xi32, #tpu.memory_space<vmem>> -> memref<128xi32, #tpu.memory_space<vmem>>
    %dma_start3A_36 = arith.constant 0 : i32
    %dma_start3A_37 = tpu.memref_slice %arg7[%dma_start3A_36] : memref<1000000xf32, #tpu.memory_space<hbm>> -> memref<1000000xf32, #tpu.memory_space<hbm>>
    tpu.enqueue_indirect_dma source(%dma_start3A_37 : memref<1000000xf32, #tpu.memory_space<hbm>>) target(%dma_start3A_33 : memref<128xf32, #tpu.memory_space<vmem>>) offsets(%dma_start3A_35 : memref<128xi32, #tpu.memory_space<vmem>>) semaphore(%arg16 : memref<!tpu.dma_semaphore, #tpu.memory_space<semaphore_mem>>)
    %dma_start3A_38 = arith.constant 384 : i32
    %dma_start3A_39 = tpu.memref_slice %arg13[%dma_start3A_38] : memref<512xf32, #tpu.memory_space<vmem>> -> memref<128xf32, #tpu.memory_space<vmem>>
    %dma_start3A_40 = arith.constant 384 : i32
    %dma_start3A_41 = tpu.memref_slice %arg9[%dma_start3A_40] : memref<512xi32, #tpu.memory_space<vmem>> -> memref<128xi32, #tpu.memory_space<vmem>>
    %dma_start3A_42 = arith.constant 0 : i32
    %dma_start3A_43 = tpu.memref_slice %arg6[%dma_start3A_42] : memref<1000000xf32, #tpu.memory_space<hbm>> -> memref<1000000xf32, #tpu.memory_space<hbm>>
    tpu.enqueue_indirect_dma source(%dma_start3A_43 : memref<1000000xf32, #tpu.memory_space<hbm>>) target(%dma_start3A_39 : memref<128xf32, #tpu.memory_space<vmem>>) offsets(%dma_start3A_41 : memref<128xi32, #tpu.memory_space<vmem>>) semaphore(%arg16 : memref<!tpu.dma_semaphore, #tpu.memory_space<semaphore_mem>>)
    %dma_start3A_44 = arith.constant 384 : i32
    %dma_start3A_45 = tpu.memref_slice %arg14[%dma_start3A_44] : memref<512xf32, #tpu.memory_space<vmem>> -> memref<128xf32, #tpu.memory_space<vmem>>
    %dma_start3A_46 = arith.constant 384 : i32
    %dma_start3A_47 = tpu.memref_slice %arg10[%dma_start3A_46] : memref<512xi32, #tpu.memory_space<vmem>> -> memref<128xi32, #tpu.memory_space<vmem>>
    %dma_start3A_48 = arith.constant 0 : i32
    %dma_start3A_49 = tpu.memref_slice %arg7[%dma_start3A_48] : memref<1000000xf32, #tpu.memory_space<hbm>> -> memref<1000000xf32, #tpu.memory_space<hbm>>
    tpu.enqueue_indirect_dma source(%dma_start3A_49 : memref<1000000xf32, #tpu.memory_space<hbm>>) target(%dma_start3A_45 : memref<128xf32, #tpu.memory_space<vmem>>) offsets(%dma_start3A_47 : memref<128xi32, #tpu.memory_space<vmem>>) semaphore(%arg16 : memref<!tpu.dma_semaphore, #tpu.memory_space<semaphore_mem>>)
    %dma_wait3A = arith.constant 0 : i32
    %dma_wait3A_50 = tpu.memref_slice %arg6[%dma_wait3A] : memref<1000000xf32, #tpu.memory_space<hbm>> -> memref<512xf32, #tpu.memory_space<hbm>>
    %dma_wait3A_51 = arith.constant 0 : i32
    %dma_wait3A_52 = tpu.memref_slice %arg6[%dma_wait3A_51] : memref<1000000xf32, #tpu.memory_space<hbm>> -> memref<512xf32, #tpu.memory_space<hbm>>
    tpu.wait_dma2 semaphore(%arg16 : memref<!tpu.dma_semaphore, #tpu.memory_space<semaphore_mem>>) src(%dma_wait3A_52 : memref<512xf32, #tpu.memory_space<hbm>>) dst(%arg13 : memref<512xf32, #tpu.memory_space<vmem>>)
    %dma_wait3A_53 = arith.constant 0 : i32
    %dma_wait3A_54 = tpu.memref_slice %arg7[%dma_wait3A_53] : memref<1000000xf32, #tpu.memory_space<hbm>> -> memref<512xf32, #tpu.memory_space<hbm>>
    %dma_wait3A_55 = arith.constant 0 : i32
    %dma_wait3A_56 = tpu.memref_slice %arg7[%dma_wait3A_55] : memref<1000000xf32, #tpu.memory_space<hbm>> -> memref<512xf32, #tpu.memory_space<hbm>>
    tpu.wait_dma2 semaphore(%arg16 : memref<!tpu.dma_semaphore, #tpu.memory_space<semaphore_mem>>) src(%dma_wait3A_56 : memref<512xf32, #tpu.memory_space<hbm>>) dst(%arg14 : memref<512xf32, #tpu.memory_space<vmem>>)
    %iota3A = tpu.iota {dimensions = array<i32: 0>} : vector<16xi32>
    %and3A = arith.constant 1 : i32
    %and3A_57 = vector.broadcast %and3A : i32 to vector<16xi32>
    %and3A_58 = arith.andi %iota3A, %and3A_57 : vector<16xi32>
    %shift_left3A = arith.constant 3 : i32
    %shift_left3A_59 = vector.broadcast %shift_left3A : i32 to vector<16xi32>
    %shift_left3A_60 = arith.shli %and3A_58, %shift_left3A_59 : vector<16xi32>
    %and3A_61 = arith.constant 2 : i32
    %and3A_62 = vector.broadcast %and3A_61 : i32 to vector<16xi32>
    %and3A_63 = arith.andi %iota3A, %and3A_62 : vector<16xi32>
    %shift_left3A_64 = arith.constant 1 : i32
    %shift_left3A_65 = vector.broadcast %shift_left3A_64 : i32 to vector<16xi32>
    %shift_left3A_66 = arith.shli %and3A_63, %shift_left3A_65 : vector<16xi32>
    %or3A = arith.ori %shift_left3A_60, %shift_left3A_66 : vector<16xi32>
    %and3A_67 = arith.constant 4 : i32
    %and3A_68 = vector.broadcast %and3A_67 : i32 to vector<16xi32>
    %and3A_69 = arith.andi %iota3A, %and3A_68 : vector<16xi32>
    %shift_right_arithmetic3A = arith.constant 1 : i32
    %shift_right_arithmetic3A_70 = vector.broadcast %shift_right_arithmetic3A : i32 to vector<16xi32>
    %shift_right_arithmetic3A_71 = arith.shrsi %and3A_69, %shift_right_arithmetic3A_70 : vector<16xi32>
    %or3A_72 = arith.ori %or3A, %shift_right_arithmetic3A_71 : vector<16xi32>
    %and3A_73 = arith.constant 8 : i32
    %and3A_74 = vector.broadcast %and3A_73 : i32 to vector<16xi32>
    %and3A_75 = arith.andi %iota3A, %and3A_74 : vector<16xi32>
    %shift_right_arithmetic3A_76 = arith.constant 3 : i32
    %shift_right_arithmetic3A_77 = vector.broadcast %shift_right_arithmetic3A_76 : i32 to vector<16xi32>
    %shift_right_arithmetic3A_78 = arith.shrsi %and3A_75, %shift_right_arithmetic3A_77 : vector<16xi32>
    %or3A_79 = arith.ori %or3A_72, %shift_right_arithmetic3A_78 : vector<16xi32>
    %scan3A = arith.constant 0 : i32
    %scan3A_80 = arith.constant 0 : i32
    %scan3A_81 = arith.constant 16 : i32
    %scan3A_82 = arith.addi %scan3A_80, %scan3A_81 : i32
    %scan3A_83 = arith.constant 1 : i32
    scf.for %scan3A_127 = %scan3A_80 to %scan3A_82 step %scan3A_83  : i32 {
      %mul3A_128 = arith.constant 16 : i32
      %mul3A_129 = arith.muli %scan3A_127, %mul3A_128 : i32
      %add3A_130 = arith.constant 0 : i32
      %add3A_131 = arith.addi %add3A_130, %mul3A_129 : i32
      %get3A = arith.index_cast %add3A_131 : i32 to index
      %get3A_132 = tpu.vector_load %arg9[%get3A] {strides = array<i32>} : memref<512xi32, #tpu.memory_space<vmem>>, vector<16xi32>,
      %get3A_133 = vector.shape_cast %get3A_132 : vector<16xi32> to vector<16xi32>
      %add3A_134 = arith.constant 0 : i32
      %add3A_135 = arith.addi %add3A_134, %mul3A_129 : i32
      %get3A_136 = arith.index_cast %add3A_135 : i32 to index
      %get3A_137 = tpu.vector_load %arg10[%get3A_136] {strides = array<i32>} : memref<512xi32, #tpu.memory_space<vmem>>, vector<16xi32>,
      %get3A_138 = vector.shape_cast %get3A_137 : vector<16xi32> to vector<16xi32>
      %slice3A = vector.extract_strided_slice %get3A_133 {offsets = [0], sizes = [1], strides = [1]} : vector<16xi32> to vector<1xi32>
      %squeeze3A = vector.extract %slice3A[0] : i32 from vector<1xi32>
      %add3A_139 = arith.constant 0 : i32
      %add3A_140 = arith.addi %mul3A_129, %add3A_139 : i32
      %dma_start3A_141 = arith.constant 0 : i32
      %dma_start3A_142 = tpu.memref_slice %arg11[%add3A_140, %dma_start3A_141] : memref<256x32xf32, #tpu.memory_space<vmem>> -> memref<1x32xf32, #tpu.memory_space<vmem>>
      %dma_start3A_143 = arith.constant 0 : i32
      %dma_start3A_144 = tpu.memref_slice %arg4[%squeeze3A, %dma_start3A_143] : memref<1000000x32xf32, #tpu.memory_space<hbm>> -> memref<1x32xf32, #tpu.memory_space<hbm>>
      %dma_start3A_145 = arith.constant 0 : i32
      %dma_start3A_146 = tpu.memref_slice %arg11[%add3A_140, %dma_start3A_145] : memref<256x32xf32, #tpu.memory_space<vmem>> -> memref<1x32xf32, #tpu.memory_space<vmem>>
      %dma_start3A_147 = arith.constant 0 : i32
      %dma_start3A_148 = tpu.memref_slice %arg4[%squeeze3A, %dma_start3A_147] : memref<1000000x32xf32, #tpu.memory_space<hbm>> -> memref<1x32xf32, #tpu.memory_space<hbm>>
      tpu.enqueue_dma source(%dma_start3A_148 : memref<1x32xf32, #tpu.memory_space<hbm>>) target(%dma_start3A_146 : memref<1x32xf32, #tpu.memory_space<vmem>>) target_semaphore(%arg16 : memref<!tpu.dma_semaphore, #tpu.memory_space<semaphore_mem>>)
      %slice3A_149 = vector.extract_strided_slice %get3A_138 {offsets = [0], sizes = [1], strides = [1]} : vector<16xi32> to vector<1xi32>
      %squeeze3A_150 = vector.extract %slice3A_149[0] : i32 from vector<1xi32>
      %add3A_151 = arith.constant 0 : i32
      %add3A_152 = arith.addi %mul3A_129, %add3A_151 : i32
      %dma_start3A_153 = arith.constant 0 : i32
      %dma_start3A_154 = tpu.memref_slice %arg12[%add3A_152, %dma_start3A_153] : memref<256x32xf32, #tpu.memory_space<vmem>> -> memref<1x32xf32, #tpu.memory_space<vmem>>
      %dma_start3A_155 = arith.constant 0 : i32
      %dma_start3A_156 = tpu.memref_slice %arg5[%squeeze3A_150, %dma_start3A_155] : memref<1000000x32xf32, #tpu.memory_space<hbm>> -> memref<1x32xf32, #tpu.memory_space<hbm>>
      %dma_start3A_157 = arith.constant 0 : i32
      %dma_start3A_158 = tpu.memref_slice %arg12[%add3A_152, %dma_start3A_157] : memref<256x32xf32, #tpu.memory_space<vmem>> -> memref<1x32xf32, #tpu.memory_space<vmem>>
      %dma_start3A_159 = arith.constant 0 : i32
      %dma_start3A_160 = tpu.memref_slice %arg5[%squeeze3A_150, %dma_start3A_159] : memref<1000000x32xf32, #tpu.memory_space<hbm>> -> memref<1x32xf32, #tpu.memory_space<hbm>>
      tpu.enqueue_dma source(%dma_start3A_160 : memref<1x32xf32, #tpu.memory_space<hbm>>) target(%dma_start3A_158 : memref<1x32xf32, #tpu.memory_space<vmem>>) target_semaphore(%arg16 : memref<!tpu.dma_semaphore, #tpu.memory_space<semaphore_mem>>)
      %slice3A_161 = vector.extract_strided_slice %get3A_133 {offsets = [1], sizes = [1], strides = [1]} : vector<16xi32> to vector<1xi32>
      %squeeze3A_162 = vector.extract %slice3A_161[0] : i32 from vector<1xi32>
      %add3A_163 = arith.constant 1 : i32
      %add3A_164 = arith.addi %mul3A_129, %add3A_163 : i32
      %dma_start3A_165 = arith.constant 0 : i32
      %dma_start3A_166 = tpu.memref_slice %arg11[%add3A_164, %dma_start3A_165] : memref<256x32xf32, #tpu.memory_space<vmem>> -> memref<1x32xf32, #tpu.memory_space<vmem>>
      %dma_start3A_167 = arith.constant 0 : i32
      %dma_start3A_168 = tpu.memref_slice %arg4[%squeeze3A_162, %dma_start3A_167] : memref<1000000x32xf32, #tpu.memory_space<hbm>> -> memref<1x32xf32, #tpu.memory_space<hbm>>
      %dma_start3A_169 = arith.constant 0 : i32
      %dma_start3A_170 = tpu.memref_slice %arg11[%add3A_164, %dma_start3A_169] : memref<256x32xf32, #tpu.memory_space<vmem>> -> memref<1x32xf32, #tpu.memory_space<vmem>>
      %dma_start3A_171 = arith.constant 0 : i32
      %dma_start3A_172 = tpu.memref_slice %arg4[%squeeze3A_162, %dma_start3A_171] : memref<1000000x32xf32, #tpu.memory_space<hbm>> -> memref<1x32xf32, #tpu.memory_space<hbm>>
      tpu.enqueue_dma source(%dma_start3A_172 : memref<1x32xf32, #tpu.memory_space<hbm>>) target(%dma_start3A_170 : memref<1x32xf32, #tpu.memory_space<vmem>>) target_semaphore(%arg16 : memref<!tpu.dma_semaphore, #tpu.memory_space<semaphore_mem>>)
      %slice3A_173 = vector.extract_strided_slice %get3A_138 {offsets = [1], sizes = [1], strides = [1]} : vector<16xi32> to vector<1xi32>
      %squeeze3A_174 = vector.extract %slice3A_173[0] : i32 from vector<1xi32>
      %add3A_175 = arith.constant 1 : i32
      %add3A_176 = arith.addi %mul3A_129, %add3A_175 : i32
      %dma_start3A_177 = arith.constant 0 : i32
      %dma_start3A_178 = tpu.memref_slice %arg12[%add3A_176, %dma_start3A_177] : memref<256x32xf32, #tpu.memory_space<vmem>> -> memref<1x32xf32, #tpu.memory_space<vmem>>
      %dma_start3A_179 = arith.constant 0 : i32
      %dma_start3A_180 = tpu.memref_slice %arg5[%squeeze3A_174, %dma_start3A_179] : memref<1000000x32xf32, #tpu.memory_space<hbm>> -> memref<1x32xf32, #tpu.memory_space<hbm>>
      %dma_start3A_181 = arith.constant 0 : i32
      %dma_start3A_182 = tpu.memref_slice %arg12[%add3A_176, %dma_start3A_181] : memref<256x32xf32, #tpu.memory_space<vmem>> -> memref<1x32xf32, #tpu.memory_space<vmem>>
      %dma_start3A_183 = arith.constant 0 : i32
      %dma_start3A_184 = tpu.memref_slice %arg5[%squeeze3A_174, %dma_start3A_183] : memref<1000000x32xf32, #tpu.memory_space<hbm>> -> memref<1x32xf32, #tpu.memory_space<hbm>>
      tpu.enqueue_dma source(%dma_start3A_184 : memref<1x32xf32, #tpu.memory_space<hbm>>) target(%dma_start3A_182 : memref<1x32xf32, #tpu.memory_space<vmem>>) target_semaphore(%arg16 : memref<!tpu.dma_semaphore, #tpu.memory_space<semaphore_mem>>)
      %slice3A_185 = vector.extract_strided_slice %get3A_133 {offsets = [2], sizes = [1], strides = [1]} : vector<16xi32> to vector<1xi32>
      %squeeze3A_186 = vector.extract %slice3A_185[0] : i32 from vector<1xi32>
      %add3A_187 = arith.constant 2 : i32
      %add3A_188 = arith.addi %mul3A_129, %add3A_187 : i32
      %dma_start3A_189 = arith.constant 0 : i32
      %dma_start3A_190 = tpu.memref_slice %arg11[%add3A_188, %dma_start3A_189] : memref<256x32xf32, #tpu.memory_space<vmem>> -> memref<1x32xf32, #tpu.memory_space<vmem>>
      %dma_start3A_191 = arith.constant 0 : i32
      %dma_start3A_192 = tpu.memref_slice %arg4[%squeeze3A_186, %dma_start3A_191] : memref<1000000x32xf32, #tpu.memory_space<hbm>> -> memref<1x32xf32, #tpu.memory_space<hbm>>
      %dma_start3A_193 = arith.constant 0 : i32
      %dma_start3A_194 = tpu.memref_slice %arg11[%add3A_188, %dma_start3A_193] : memref<256x32xf32, #tpu.memory_space<vmem>> -> memref<1x32xf32, #tpu.memory_space<vmem>>
      %dma_start3A_195 = arith.constant 0 : i32
      %dma_start3A_196 = tpu.memref_slice %arg4[%squeeze3A_186, %dma_start3A_195] : memref<1000000x32xf32, #tpu.memory_space<hbm>> -> memref<1x32xf32, #tpu.memory_space<hbm>>
      tpu.enqueue_dma source(%dma_start3A_196 : memref<1x32xf32, #tpu.memory_space<hbm>>) target(%dma_start3A_194 : memref<1x32xf32, #tpu.memory_space<vmem>>) target_semaphore(%arg16 : memref<!tpu.dma_semaphore, #tpu.memory_space<semaphore_mem>>)
      %slice3A_197 = vector.extract_strided_slice %get3A_138 {offsets = [2], sizes = [1], strides = [1]} : vector<16xi32> to vector<1xi32>
      %squeeze3A_198 = vector.extract %slice3A_197[0] : i32 from vector<1xi32>
      %add3A_199 = arith.constant 2 : i32
      %add3A_200 = arith.addi %mul3A_129, %add3A_199 : i32
      %dma_start3A_201 = arith.constant 0 : i32
      %dma_start3A_202 = tpu.memref_slice %arg12[%add3A_200, %dma_start3A_201] : memref<256x32xf32, #tpu.memory_space<vmem>> -> memref<1x32xf32, #tpu.memory_space<vmem>>
      %dma_start3A_203 = arith.constant 0 : i32
      %dma_start3A_204 = tpu.memref_slice %arg5[%squeeze3A_198, %dma_start3A_203] : memref<1000000x32xf32, #tpu.memory_space<hbm>> -> memref<1x32xf32, #tpu.memory_space<hbm>>
      %dma_start3A_205 = arith.constant 0 : i32
      %dma_start3A_206 = tpu.memref_slice %arg12[%add3A_200, %dma_start3A_205] : memref<256x32xf32, #tpu.memory_space<vmem>> -> memref<1x32xf32, #tpu.memory_space<vmem>>
      %dma_start3A_207 = arith.constant 0 : i32
      %dma_start3A_208 = tpu.memref_slice %arg5[%squeeze3A_198, %dma_start3A_207] : memref<1000000x32xf32, #tpu.memory_space<hbm>> -> memref<1x32xf32, #tpu.memory_space<hbm>>
      tpu.enqueue_dma source(%dma_start3A_208 : memref<1x32xf32, #tpu.memory_space<hbm>>) target(%dma_start3A_206 : memref<1x32xf32, #tpu.memory_space<vmem>>) target_semaphore(%arg16 : memref<!tpu.dma_semaphore, #tpu.memory_space<semaphore_mem>>)
      %slice3A_209 = vector.extract_strided_slice %get3A_133 {offsets = [3], sizes = [1], strides = [1]} : vector<16xi32> to vector<1xi32>
      %squeeze3A_210 = vector.extract %slice3A_209[0] : i32 from vector<1xi32>
      %add3A_211 = arith.constant 3 : i32
      %add3A_212 = arith.addi %mul3A_129, %add3A_211 : i32
      %dma_start3A_213 = arith.constant 0 : i32
      %dma_start3A_214 = tpu.memref_slice %arg11[%add3A_212, %dma_start3A_213] : memref<256x32xf32, #tpu.memory_space<vmem>> -> memref<1x32xf32, #tpu.memory_space<vmem>>
      %dma_start3A_215 = arith.constant 0 : i32
      %dma_start3A_216 = tpu.memref_slice %arg4[%squeeze3A_210, %dma_start3A_215] : memref<1000000x32xf32, #tpu.memory_space<hbm>> -> memref<1x32xf32, #tpu.memory_space<hbm>>
      %dma_start3A_217 = arith.constant 0 : i32
      %dma_start3A_218 = tpu.memref_slice %arg11[%add3A_212, %dma_start3A_217] : memref<256x32xf32, #tpu.memory_space<vmem>> -> memref<1x32xf32, #tpu.memory_space<vmem>>
      %dma_start3A_219 = arith.constant 0 : i32
      %dma_start3A_220 = tpu.memref_slice %arg4[%squeeze3A_210, %dma_start3A_219] : memref<1000000x32xf32, #tpu.memory_space<hbm>> -> memref<1x32xf32, #tpu.memory_space<hbm>>
      tpu.enqueue_dma source(%dma_start3A_220 : memref<1x32xf32, #tpu.memory_space<hbm>>) target(%dma_start3A_218 : memref<1x32xf32, #tpu.memory_space<vmem>>) target_semaphore(%arg16 : memref<!tpu.dma_semaphore, #tpu.memory_space<semaphore_mem>>)
      %slice3A_221 = vector.extract_strided_slice %get3A_138 {offsets = [3], sizes = [1], strides = [1]} : vector<16xi32> to vector<1xi32>
      %squeeze3A_222 = vector.extract %slice3A_221[0] : i32 from vector<1xi32>
      %add3A_223 = arith.constant 3 : i32
      %add3A_224 = arith.addi %mul3A_129, %add3A_223 : i32
      %dma_start3A_225 = arith.constant 0 : i32
      %dma_start3A_226 = tpu.memref_slice %arg12[%add3A_224, %dma_start3A_225] : memref<256x32xf32, #tpu.memory_space<vmem>> -> memref<1x32xf32, #tpu.memory_space<vmem>>
      %dma_start3A_227 = arith.constant 0 : i32
      %dma_start3A_228 = tpu.memref_slice %arg5[%squeeze3A_222, %dma_start3A_227] : memref<1000000x32xf32, #tpu.memory_space<hbm>> -> memref<1x32xf32, #tpu.memory_space<hbm>>
      %dma_start3A_229 = arith.constant 0 : i32
      %dma_start3A_230 = tpu.memref_slice %arg12[%add3A_224, %dma_start3A_229] : memref<256x32xf32, #tpu.memory_space<vmem>> -> memref<1x32xf32, #tpu.memory_space<vmem>>
      %dma_start3A_231 = arith.constant 0 : i32
      %dma_start3A_232 = tpu.memref_slice %arg5[%squeeze3A_222, %dma_start3A_231] : memref<1000000x32xf32, #tpu.memory_space<hbm>> -> memref<1x32xf32, #tpu.memory_space<hbm>>
      tpu.enqueue_dma source(%dma_start3A_232 : memref<1x32xf32, #tpu.memory_space<hbm>>) target(%dma_start3A_230 : memref<1x32xf32, #tpu.memory_space<vmem>>) target_semaphore(%arg16 : memref<!tpu.dma_semaphore, #tpu.memory_space<semaphore_mem>>)
      %slice3A_233 = vector.extract_strided_slice %get3A_133 {offsets = [4], sizes = [1], strides = [1]} : vector<16xi32> to vector<1xi32>
      %squeeze3A_234 = vector.extract %slice3A_233[0] : i32 from vector<1xi32>
      %add3A_235 = arith.constant 4 : i32
      %add3A_236 = arith.addi %mul3A_129, %add3A_235 : i32
      %dma_start3A_237 = arith.constant 0 : i32
      %dma_start3A_238 = tpu.memref_slice %arg11[%add3A_236, %dma_start3A_237] : memref<256x32xf32, #tpu.memory_space<vmem>> -> memref<1x32xf32, #tpu.memory_space<vmem>>
      %dma_start3A_239 = arith.constant 0 : i32
      %dma_start3A_240 = tpu.memref_slice %arg4[%squeeze3A_234, %dma_start3A_239] : memref<1000000x32xf32, #tpu.memory_space<hbm>> -> memref<1x32xf32, #tpu.memory_space<hbm>>
      %dma_start3A_241 = arith.constant 0 : i32
      %dma_start3A_242 = tpu.memref_slice %arg11[%add3A_236, %dma_start3A_241] : memref<256x32xf32, #tpu.memory_space<vmem>> -> memref<1x32xf32, #tpu.memory_space<vmem>>
      %dma_start3A_243 = arith.constant 0 : i32
      %dma_start3A_244 = tpu.memref_slice %arg4[%squeeze3A_234, %dma_start3A_243] : memref<1000000x32xf32, #tpu.memory_space<hbm>> -> memref<1x32xf32, #tpu.memory_space<hbm>>
      tpu.enqueue_dma source(%dma_start3A_244 : memref<1x32xf32, #tpu.memory_space<hbm>>) target(%dma_start3A_242 : memref<1x32xf32, #tpu.memory_space<vmem>>) target_semaphore(%arg16 : memref<!tpu.dma_semaphore, #tpu.memory_space<semaphore_mem>>)
      %slice3A_245 = vector.extract_strided_slice %get3A_138 {offsets = [4], sizes = [1], strides = [1]} : vector<16xi32> to vector<1xi32>
      %squeeze3A_246 = vector.extract %slice3A_245[0] : i32 from vector<1xi32>
      %add3A_247 = arith.constant 4 : i32
      %add3A_248 = arith.addi %mul3A_129, %add3A_247 : i32
      %dma_start3A_249 = arith.constant 0 : i32
      %dma_start3A_250 = tpu.memref_slice %arg12[%add3A_248, %dma_start3A_249] : memref<256x32xf32, #tpu.memory_space<vmem>> -> memref<1x32xf32, #tpu.memory_space<vmem>>
      %dma_start3A_251 = arith.constant 0 : i32
      %dma_start3A_252 = tpu.memref_slice %arg5[%squeeze3A_246, %dma_start3A_251] : memref<1000000x32xf32, #tpu.memory_space<hbm>> -> memref<1x32xf32, #tpu.memory_space<hbm>>
      %dma_start3A_253 = arith.constant 0 : i32
      %dma_start3A_254 = tpu.memref_slice %arg12[%add3A_248, %dma_start3A_253] : memref<256x32xf32, #tpu.memory_space<vmem>> -> memref<1x32xf32, #tpu.memory_space<vmem>>
      %dma_start3A_255 = arith.constant 0 : i32
      %dma_start3A_256 = tpu.memref_slice %arg5[%squeeze3A_246, %dma_start3A_255] : memref<1000000x32xf32, #tpu.memory_space<hbm>> -> memref<1x32xf32, #tpu.memory_space<hbm>>
      tpu.enqueue_dma source(%dma_start3A_256 : memref<1x32xf32, #tpu.memory_space<hbm>>) target(%dma_start3A_254 : memref<1x32xf32, #tpu.memory_space<vmem>>) target_semaphore(%arg16 : memref<!tpu.dma_semaphore, #tpu.memory_space<semaphore_mem>>)
      %slice3A_257 = vector.extract_strided_slice %get3A_133 {offsets = [5], sizes = [1], strides = [1]} : vector<16xi32> to vector<1xi32>
      %squeeze3A_258 = vector.extract %slice3A_257[0] : i32 from vector<1xi32>
      %add3A_259 = arith.constant 5 : i32
      %add3A_260 = arith.addi %mul3A_129, %add3A_259 : i32
      %dma_start3A_261 = arith.constant 0 : i32
      %dma_start3A_262 = tpu.memref_slice %arg11[%add3A_260, %dma_start3A_261] : memref<256x32xf32, #tpu.memory_space<vmem>> -> memref<1x32xf32, #tpu.memory_space<vmem>>
      %dma_start3A_263 = arith.constant 0 : i32
      %dma_start3A_264 = tpu.memref_slice %arg4[%squeeze3A_258, %dma_start3A_263] : memref<1000000x32xf32, #tpu.memory_space<hbm>> -> memref<1x32xf32, #tpu.memory_space<hbm>>
      %dma_start3A_265 = arith.constant 0 : i32
      %dma_start3A_266 = tpu.memref_slice %arg11[%add3A_260, %dma_start3A_265] : memref<256x32xf32, #tpu.memory_space<vmem>> -> memref<1x32xf32, #tpu.memory_space<vmem>>
      %dma_start3A_267 = arith.constant 0 : i32
      %dma_start3A_268 = tpu.memref_slice %arg4[%squeeze3A_258, %dma_start3A_267] : memref<1000000x32xf32, #tpu.memory_space<hbm>> -> memref<1x32xf32, #tpu.memory_space<hbm>>
      tpu.enqueue_dma source(%dma_start3A_268 : memref<1x32xf32, #tpu.memory_space<hbm>>) target(%dma_start3A_266 : memref<1x32xf32, #tpu.memory_space<vmem>>) target_semaphore(%arg16 : memref<!tpu.dma_semaphore, #tpu.memory_space<semaphore_mem>>)
      %slice3A_269 = vector.extract_strided_slice %get3A_138 {offsets = [5], sizes = [1], strides = [1]} : vector<16xi32> to vector<1xi32>
      %squeeze3A_270 = vector.extract %slice3A_269[0] : i32 from vector<1xi32>
      %add3A_271 = arith.constant 5 : i32
      %add3A_272 = arith.addi %mul3A_129, %add3A_271 : i32
      %dma_start3A_273 = arith.constant 0 : i32
      %dma_start3A_274 = tpu.memref_slice %arg12[%add3A_272, %dma_start3A_273] : memref<256x32xf32, #tpu.memory_space<vmem>> -> memref<1x32xf32, #tpu.memory_space<vmem>>
      %dma_start3A_275 = arith.constant 0 : i32
      %dma_start3A_276 = tpu.memref_slice %arg5[%squeeze3A_270, %dma_start3A_275] : memref<1000000x32xf32, #tpu.memory_space<hbm>> -> memref<1x32xf32, #tpu.memory_space<hbm>>
      %dma_start3A_277 = arith.constant 0 : i32
      %dma_start3A_278 = tpu.memref_slice %arg12[%add3A_272, %dma_start3A_277] : memref<256x32xf32, #tpu.memory_space<vmem>> -> memref<1x32xf32, #tpu.memory_space<vmem>>
      %dma_start3A_279 = arith.constant 0 : i32
      %dma_start3A_280 = tpu.memref_slice %arg5[%squeeze3A_270, %dma_start3A_279] : memref<1000000x32xf32, #tpu.memory_space<hbm>> -> memref<1x32xf32, #tpu.memory_space<hbm>>
      tpu.enqueue_dma source(%dma_start3A_280 : memref<1x32xf32, #tpu.memory_space<hbm>>) target(%dma_start3A_278 : memref<1x32xf32, #tpu.memory_space<vmem>>) target_semaphore(%arg16 : memref<!tpu.dma_semaphore, #tpu.memory_space<semaphore_mem>>)
      %slice3A_281 = vector.extract_strided_slice %get3A_133 {offsets = [6], sizes = [1], strides = [1]} : vector<16xi32> to vector<1xi32>
      %squeeze3A_282 = vector.extract %slice3A_281[0] : i32 from vector<1xi32>
      %add3A_283 = arith.constant 6 : i32
      %add3A_284 = arith.addi %mul3A_129, %add3A_283 : i32
      %dma_start3A_285 = arith.constant 0 : i32
      %dma_start3A_286 = tpu.memref_slice %arg11[%add3A_284, %dma_start3A_285] : memref<256x32xf32, #tpu.memory_space<vmem>> -> memref<1x32xf32, #tpu.memory_space<vmem>>
      %dma_start3A_287 = arith.constant 0 : i32
      %dma_start3A_288 = tpu.memref_slice %arg4[%squeeze3A_282, %dma_start3A_287] : memref<1000000x32xf32, #tpu.memory_space<hbm>> -> memref<1x32xf32, #tpu.memory_space<hbm>>
      %dma_start3A_289 = arith.constant 0 : i32
      %dma_start3A_290 = tpu.memref_slice %arg11[%add3A_284, %dma_start3A_289] : memref<256x32xf32, #tpu.memory_space<vmem>> -> memref<1x32xf32, #tpu.memory_space<vmem>>
      %dma_start3A_291 = arith.constant 0 : i32
      %dma_start3A_292 = tpu.memref_slice %arg4[%squeeze3A_282, %dma_start3A_291] : memref<1000000x32xf32, #tpu.memory_space<hbm>> -> memref<1x32xf32, #tpu.memory_space<hbm>>
      tpu.enqueue_dma source(%dma_start3A_292 : memref<1x32xf32, #tpu.memory_space<hbm>>) target(%dma_start3A_290 : memref<1x32xf32, #tpu.memory_space<vmem>>) target_semaphore(%arg16 : memref<!tpu.dma_semaphore, #tpu.memory_space<semaphore_mem>>)
      %slice3A_293 = vector.extract_strided_slice %get3A_138 {offsets = [6], sizes = [1], strides = [1]} : vector<16xi32> to vector<1xi32>
      %squeeze3A_294 = vector.extract %slice3A_293[0] : i32 from vector<1xi32>
      %add3A_295 = arith.constant 6 : i32
      %add3A_296 = arith.addi %mul3A_129, %add3A_295 : i32
      %dma_start3A_297 = arith.constant 0 : i32
      %dma_start3A_298 = tpu.memref_slice %arg12[%add3A_296, %dma_start3A_297] : memref<256x32xf32, #tpu.memory_space<vmem>> -> memref<1x32xf32, #tpu.memory_space<vmem>>
      %dma_start3A_299 = arith.constant 0 : i32
      %dma_start3A_300 = tpu.memref_slice %arg5[%squeeze3A_294, %dma_start3A_299] : memref<1000000x32xf32, #tpu.memory_space<hbm>> -> memref<1x32xf32, #tpu.memory_space<hbm>>
      %dma_start3A_301 = arith.constant 0 : i32
      %dma_start3A_302 = tpu.memref_slice %arg12[%add3A_296, %dma_start3A_301] : memref<256x32xf32, #tpu.memory_space<vmem>> -> memref<1x32xf32, #tpu.memory_space<vmem>>
      %dma_start3A_303 = arith.constant 0 : i32
      %dma_start3A_304 = tpu.memref_slice %arg5[%squeeze3A_294, %dma_start3A_303] : memref<1000000x32xf32, #tpu.memory_space<hbm>> -> memref<1x32xf32, #tpu.memory_space<hbm>>
      tpu.enqueue_dma source(%dma_start3A_304 : memref<1x32xf32, #tpu.memory_space<hbm>>) target(%dma_start3A_302 : memref<1x32xf32, #tpu.memory_space<vmem>>) target_semaphore(%arg16 : memref<!tpu.dma_semaphore, #tpu.memory_space<semaphore_mem>>)
      %slice3A_305 = vector.extract_strided_slice %get3A_133 {offsets = [7], sizes = [1], strides = [1]} : vector<16xi32> to vector<1xi32>
      %squeeze3A_306 = vector.extract %slice3A_305[0] : i32 from vector<1xi32>
      %add3A_307 = arith.constant 7 : i32
      %add3A_308 = arith.addi %mul3A_129, %add3A_307 : i32
      %dma_start3A_309 = arith.constant 0 : i32
      %dma_start3A_310 = tpu.memref_slice %arg11[%add3A_308, %dma_start3A_309] : memref<256x32xf32, #tpu.memory_space<vmem>> -> memref<1x32xf32, #tpu.memory_space<vmem>>
      %dma_start3A_311 = arith.constant 0 : i32
      %dma_start3A_312 = tpu.memref_slice %arg4[%squeeze3A_306, %dma_start3A_311] : memref<1000000x32xf32, #tpu.memory_space<hbm>> -> memref<1x32xf32, #tpu.memory_space<hbm>>
      %dma_start3A_313 = arith.constant 0 : i32
      %dma_start3A_314 = tpu.memref_slice %arg11[%add3A_308, %dma_start3A_313] : memref<256x32xf32, #tpu.memory_space<vmem>> -> memref<1x32xf32, #tpu.memory_space<vmem>>
      %dma_start3A_315 = arith.constant 0 : i32
      %dma_start3A_316 = tpu.memref_slice %arg4[%squeeze3A_306, %dma_start3A_315] : memref<1000000x32xf32, #tpu.memory_space<hbm>> -> memref<1x32xf32, #tpu.memory_space<hbm>>
      tpu.enqueue_dma source(%dma_start3A_316 : memref<1x32xf32, #tpu.memory_space<hbm>>) target(%dma_start3A_314 : memref<1x32xf32, #tpu.memory_space<vmem>>) target_semaphore(%arg16 : memref<!tpu.dma_semaphore, #tpu.memory_space<semaphore_mem>>)
      %slice3A_317 = vector.extract_strided_slice %get3A_138 {offsets = [7], sizes = [1], strides = [1]} : vector<16xi32> to vector<1xi32>
      %squeeze3A_318 = vector.extract %slice3A_317[0] : i32 from vector<1xi32>
      %add3A_319 = arith.constant 7 : i32
      %add3A_320 = arith.addi %mul3A_129, %add3A_319 : i32
      %dma_start3A_321 = arith.constant 0 : i32
      %dma_start3A_322 = tpu.memref_slice %arg12[%add3A_320, %dma_start3A_321] : memref<256x32xf32, #tpu.memory_space<vmem>> -> memref<1x32xf32, #tpu.memory_space<vmem>>
      %dma_start3A_323 = arith.constant 0 : i32
      %dma_start3A_324 = tpu.memref_slice %arg5[%squeeze3A_318, %dma_start3A_323] : memref<1000000x32xf32, #tpu.memory_space<hbm>> -> memref<1x32xf32, #tpu.memory_space<hbm>>
      %dma_start3A_325 = arith.constant 0 : i32
      %dma_start3A_326 = tpu.memref_slice %arg12[%add3A_320, %dma_start3A_325] : memref<256x32xf32, #tpu.memory_space<vmem>> -> memref<1x32xf32, #tpu.memory_space<vmem>>
      %dma_start3A_327 = arith.constant 0 : i32
      %dma_start3A_328 = tpu.memref_slice %arg5[%squeeze3A_318, %dma_start3A_327] : memref<1000000x32xf32, #tpu.memory_space<hbm>> -> memref<1x32xf32, #tpu.memory_space<hbm>>
      tpu.enqueue_dma source(%dma_start3A_328 : memref<1x32xf32, #tpu.memory_space<hbm>>) target(%dma_start3A_326 : memref<1x32xf32, #tpu.memory_space<vmem>>) target_semaphore(%arg16 : memref<!tpu.dma_semaphore, #tpu.memory_space<semaphore_mem>>)
      %slice3A_329 = vector.extract_strided_slice %get3A_133 {offsets = [8], sizes = [1], strides = [1]} : vector<16xi32> to vector<1xi32>
      %squeeze3A_330 = vector.extract %slice3A_329[0] : i32 from vector<1xi32>
      %add3A_331 = arith.constant 8 : i32
      %add3A_332 = arith.addi %mul3A_129, %add3A_331 : i32
      %dma_start3A_333 = arith.constant 0 : i32
      %dma_start3A_334 = tpu.memref_slice %arg11[%add3A_332, %dma_start3A_333] : memref<256x32xf32, #tpu.memory_space<vmem>> -> memref<1x32xf32, #tpu.memory_space<vmem>>
      %dma_start3A_335 = arith.constant 0 : i32
      %dma_start3A_336 = tpu.memref_slice %arg4[%squeeze3A_330, %dma_start3A_335] : memref<1000000x32xf32, #tpu.memory_space<hbm>> -> memref<1x32xf32, #tpu.memory_space<hbm>>
      %dma_start3A_337 = arith.constant 0 : i32
      %dma_start3A_338 = tpu.memref_slice %arg11[%add3A_332, %dma_start3A_337] : memref<256x32xf32, #tpu.memory_space<vmem>> -> memref<1x32xf32, #tpu.memory_space<vmem>>
      %dma_start3A_339 = arith.constant 0 : i32
      %dma_start3A_340 = tpu.memref_slice %arg4[%squeeze3A_330, %dma_start3A_339] : memref<1000000x32xf32, #tpu.memory_space<hbm>> -> memref<1x32xf32, #tpu.memory_space<hbm>>
      tpu.enqueue_dma source(%dma_start3A_340 : memref<1x32xf32, #tpu.memory_space<hbm>>) target(%dma_start3A_338 : memref<1x32xf32, #tpu.memory_space<vmem>>) target_semaphore(%arg16 : memref<!tpu.dma_semaphore, #tpu.memory_space<semaphore_mem>>)
      %slice3A_341 = vector.extract_strided_slice %get3A_138 {offsets = [8], sizes = [1], strides = [1]} : vector<16xi32> to vector<1xi32>
      %squeeze3A_342 = vector.extract %slice3A_341[0] : i32 from vector<1xi32>
      %add3A_343 = arith.constant 8 : i32
      %add3A_344 = arith.addi %mul3A_129, %add3A_343 : i32
      %dma_start3A_345 = arith.constant 0 : i32
      %dma_start3A_346 = tpu.memref_slice %arg12[%add3A_344, %dma_start3A_345] : memref<256x32xf32, #tpu.memory_space<vmem>> -> memref<1x32xf32, #tpu.memory_space<vmem>>
      %dma_start3A_347 = arith.constant 0 : i32
      %dma_start3A_348 = tpu.memref_slice %arg5[%squeeze3A_342, %dma_start3A_347] : memref<1000000x32xf32, #tpu.memory_space<hbm>> -> memref<1x32xf32, #tpu.memory_space<hbm>>
      %dma_start3A_349 = arith.constant 0 : i32
      %dma_start3A_350 = tpu.memref_slice %arg12[%add3A_344, %dma_start3A_349] : memref<256x32xf32, #tpu.memory_space<vmem>> -> memref<1x32xf32, #tpu.memory_space<vmem>>
      %dma_start3A_351 = arith.constant 0 : i32
      %dma_start3A_352 = tpu.memref_slice %arg5[%squeeze3A_342, %dma_start3A_351] : memref<1000000x32xf32, #tpu.memory_space<hbm>> -> memref<1x32xf32, #tpu.memory_space<hbm>>
      tpu.enqueue_dma source(%dma_start3A_352 : memref<1x32xf32, #tpu.memory_space<hbm>>) target(%dma_start3A_350 : memref<1x32xf32, #tpu.memory_space<vmem>>) target_semaphore(%arg16 : memref<!tpu.dma_semaphore, #tpu.memory_space<semaphore_mem>>)
      %slice3A_353 = vector.extract_strided_slice %get3A_133 {offsets = [9], sizes = [1], strides = [1]} : vector<16xi32> to vector<1xi32>
      %squeeze3A_354 = vector.extract %slice3A_353[0] : i32 from vector<1xi32>
      %add3A_355 = arith.constant 9 : i32
      %add3A_356 = arith.addi %mul3A_129, %add3A_355 : i32
      %dma_start3A_357 = arith.constant 0 : i32
      %dma_start3A_358 = tpu.memref_slice %arg11[%add3A_356, %dma_start3A_357] : memref<256x32xf32, #tpu.memory_space<vmem>> -> memref<1x32xf32, #tpu.memory_space<vmem>>
      %dma_start3A_359 = arith.constant 0 : i32
      %dma_start3A_360 = tpu.memref_slice %arg4[%squeeze3A_354, %dma_start3A_359] : memref<1000000x32xf32, #tpu.memory_space<hbm>> -> memref<1x32xf32, #tpu.memory_space<hbm>>
      %dma_start3A_361 = arith.constant 0 : i32
      %dma_start3A_362 = tpu.memref_slice %arg11[%add3A_356, %dma_start3A_361] : memref<256x32xf32, #tpu.memory_space<vmem>> -> memref<1x32xf32, #tpu.memory_space<vmem>>
      %dma_start3A_363 = arith.constant 0 : i32
      %dma_start3A_364 = tpu.memref_slice %arg4[%squeeze3A_354, %dma_start3A_363] : memref<1000000x32xf32, #tpu.memory_space<hbm>> -> memref<1x32xf32, #tpu.memory_space<hbm>>
      tpu.enqueue_dma source(%dma_start3A_364 : memref<1x32xf32, #tpu.memory_space<hbm>>) target(%dma_start3A_362 : memref<1x32xf32, #tpu.memory_space<vmem>>) target_semaphore(%arg16 : memref<!tpu.dma_semaphore, #tpu.memory_space<semaphore_mem>>)
      %slice3A_365 = vector.extract_strided_slice %get3A_138 {offsets = [9], sizes = [1], strides = [1]} : vector<16xi32> to vector<1xi32>
      %squeeze3A_366 = vector.extract %slice3A_365[0] : i32 from vector<1xi32>
      %add3A_367 = arith.constant 9 : i32
      %add3A_368 = arith.addi %mul3A_129, %add3A_367 : i32
      %dma_start3A_369 = arith.constant 0 : i32
      %dma_start3A_370 = tpu.memref_slice %arg12[%add3A_368, %dma_start3A_369] : memref<256x32xf32, #tpu.memory_space<vmem>> -> memref<1x32xf32, #tpu.memory_space<vmem>>
      %dma_start3A_371 = arith.constant 0 : i32
      %dma_start3A_372 = tpu.memref_slice %arg5[%squeeze3A_366, %dma_start3A_371] : memref<1000000x32xf32, #tpu.memory_space<hbm>> -> memref<1x32xf32, #tpu.memory_space<hbm>>
      %dma_start3A_373 = arith.constant 0 : i32
      %dma_start3A_374 = tpu.memref_slice %arg12[%add3A_368, %dma_start3A_373] : memref<256x32xf32, #tpu.memory_space<vmem>> -> memref<1x32xf32, #tpu.memory_space<vmem>>
      %dma_start3A_375 = arith.constant 0 : i32
      %dma_start3A_376 = tpu.memref_slice %arg5[%squeeze3A_366, %dma_start3A_375] : memref<1000000x32xf32, #tpu.memory_space<hbm>> -> memref<1x32xf32, #tpu.memory_space<hbm>>
      tpu.enqueue_dma source(%dma_start3A_376 : memref<1x32xf32, #tpu.memory_space<hbm>>) target(%dma_start3A_374 : memref<1x32xf32, #tpu.memory_space<vmem>>) target_semaphore(%arg16 : memref<!tpu.dma_semaphore, #tpu.memory_space<semaphore_mem>>)
      %slice3A_377 = vector.extract_strided_slice %get3A_133 {offsets = [10], sizes = [1], strides = [1]} : vector<16xi32> to vector<1xi32>
      %squeeze3A_378 = vector.extract %slice3A_377[0] : i32 from vector<1xi32>
      %add3A_379 = arith.constant 10 : i32
      %add3A_380 = arith.addi %mul3A_129, %add3A_379 : i32
      %dma_start3A_381 = arith.constant 0 : i32
      %dma_start3A_382 = tpu.memref_slice %arg11[%add3A_380, %dma_start3A_381] : memref<256x32xf32, #tpu.memory_space<vmem>> -> memref<1x32xf32, #tpu.memory_space<vmem>>
      %dma_start3A_383 = arith.constant 0 : i32
      %dma_start3A_384 = tpu.memref_slice %arg4[%squeeze3A_378, %dma_start3A_383] : memref<1000000x32xf32, #tpu.memory_space<hbm>> -> memref<1x32xf32, #tpu.memory_space<hbm>>
      %dma_start3A_385 = arith.constant 0 : i32
      %dma_start3A_386 = tpu.memref_slice %arg11[%add3A_380, %dma_start3A_385] : memref<256x32xf32, #tpu.memory_space<vmem>> -> memref<1x32xf32, #tpu.memory_space<vmem>>
      %dma_start3A_387 = arith.constant 0 : i32
      %dma_start3A_388 = tpu.memref_slice %arg4[%squeeze3A_378, %dma_start3A_387] : memref<1000000x32xf32, #tpu.memory_space<hbm>> -> memref<1x32xf32, #tpu.memory_space<hbm>>
      tpu.enqueue_dma source(%dma_start3A_388 : memref<1x32xf32, #tpu.memory_space<hbm>>) target(%dma_start3A_386 : memref<1x32xf32, #tpu.memory_space<vmem>>) target_semaphore(%arg16 : memref<!tpu.dma_semaphore, #tpu.memory_space<semaphore_mem>>)
      %slice3A_389 = vector.extract_strided_slice %get3A_138 {offsets = [10], sizes = [1], strides = [1]} : vector<16xi32> to vector<1xi32>
      %squeeze3A_390 = vector.extract %slice3A_389[0] : i32 from vector<1xi32>
      %add3A_391 = arith.constant 10 : i32
      %add3A_392 = arith.addi %mul3A_129, %add3A_391 : i32
      %dma_start3A_393 = arith.constant 0 : i32
      %dma_start3A_394 = tpu.memref_slice %arg12[%add3A_392, %dma_start3A_393] : memref<256x32xf32, #tpu.memory_space<vmem>> -> memref<1x32xf32, #tpu.memory_space<vmem>>
      %dma_start3A_395 = arith.constant 0 : i32
      %dma_start3A_396 = tpu.memref_slice %arg5[%squeeze3A_390, %dma_start3A_395] : memref<1000000x32xf32, #tpu.memory_space<hbm>> -> memref<1x32xf32, #tpu.memory_space<hbm>>
      %dma_start3A_397 = arith.constant 0 : i32
      %dma_start3A_398 = tpu.memref_slice %arg12[%add3A_392, %dma_start3A_397] : memref<256x32xf32, #tpu.memory_space<vmem>> -> memref<1x32xf32, #tpu.memory_space<vmem>>
      %dma_start3A_399 = arith.constant 0 : i32
      %dma_start3A_400 = tpu.memref_slice %arg5[%squeeze3A_390, %dma_start3A_399] : memref<1000000x32xf32, #tpu.memory_space<hbm>> -> memref<1x32xf32, #tpu.memory_space<hbm>>
      tpu.enqueue_dma source(%dma_start3A_400 : memref<1x32xf32, #tpu.memory_space<hbm>>) target(%dma_start3A_398 : memref<1x32xf32, #tpu.memory_space<vmem>>) target_semaphore(%arg16 : memref<!tpu.dma_semaphore, #tpu.memory_space<semaphore_mem>>)
      %slice3A_401 = vector.extract_strided_slice %get3A_133 {offsets = [11], sizes = [1], strides = [1]} : vector<16xi32> to vector<1xi32>
      %squeeze3A_402 = vector.extract %slice3A_401[0] : i32 from vector<1xi32>
      %add3A_403 = arith.constant 11 : i32
      %add3A_404 = arith.addi %mul3A_129, %add3A_403 : i32
      %dma_start3A_405 = arith.constant 0 : i32
      %dma_start3A_406 = tpu.memref_slice %arg11[%add3A_404, %dma_start3A_405] : memref<256x32xf32, #tpu.memory_space<vmem>> -> memref<1x32xf32, #tpu.memory_space<vmem>>
      %dma_start3A_407 = arith.constant 0 : i32
      %dma_start3A_408 = tpu.memref_slice %arg4[%squeeze3A_402, %dma_start3A_407] : memref<1000000x32xf32, #tpu.memory_space<hbm>> -> memref<1x32xf32, #tpu.memory_space<hbm>>
      %dma_start3A_409 = arith.constant 0 : i32
      %dma_start3A_410 = tpu.memref_slice %arg11[%add3A_404, %dma_start3A_409] : memref<256x32xf32, #tpu.memory_space<vmem>> -> memref<1x32xf32, #tpu.memory_space<vmem>>
      %dma_start3A_411 = arith.constant 0 : i32
      %dma_start3A_412 = tpu.memref_slice %arg4[%squeeze3A_402, %dma_start3A_411] : memref<1000000x32xf32, #tpu.memory_space<hbm>> -> memref<1x32xf32, #tpu.memory_space<hbm>>
      tpu.enqueue_dma source(%dma_start3A_412 : memref<1x32xf32, #tpu.memory_space<hbm>>) target(%dma_start3A_410 : memref<1x32xf32, #tpu.memory_space<vmem>>) target_semaphore(%arg16 : memref<!tpu.dma_semaphore, #tpu.memory_space<semaphore_mem>>)
      %slice3A_413 = vector.extract_strided_slice %get3A_138 {offsets = [11], sizes = [1], strides = [1]} : vector<16xi32> to vector<1xi32>
      %squeeze3A_414 = vector.extract %slice3A_413[0] : i32 from vector<1xi32>
      %add3A_415 = arith.constant 11 : i32
      %add3A_416 = arith.addi %mul3A_129, %add3A_415 : i32
      %dma_start3A_417 = arith.constant 0 : i32
      %dma_start3A_418 = tpu.memref_slice %arg12[%add3A_416, %dma_start3A_417] : memref<256x32xf32, #tpu.memory_space<vmem>> -> memref<1x32xf32, #tpu.memory_space<vmem>>
      %dma_start3A_419 = arith.constant 0 : i32
      %dma_start3A_420 = tpu.memref_slice %arg5[%squeeze3A_414, %dma_start3A_419] : memref<1000000x32xf32, #tpu.memory_space<hbm>> -> memref<1x32xf32, #tpu.memory_space<hbm>>
      %dma_start3A_421 = arith.constant 0 : i32
      %dma_start3A_422 = tpu.memref_slice %arg12[%add3A_416, %dma_start3A_421] : memref<256x32xf32, #tpu.memory_space<vmem>> -> memref<1x32xf32, #tpu.memory_space<vmem>>
      %dma_start3A_423 = arith.constant 0 : i32
      %dma_start3A_424 = tpu.memref_slice %arg5[%squeeze3A_414, %dma_start3A_423] : memref<1000000x32xf32, #tpu.memory_space<hbm>> -> memref<1x32xf32, #tpu.memory_space<hbm>>
      tpu.enqueue_dma source(%dma_start3A_424 : memref<1x32xf32, #tpu.memory_space<hbm>>) target(%dma_start3A_422 : memref<1x32xf32, #tpu.memory_space<vmem>>) target_semaphore(%arg16 : memref<!tpu.dma_semaphore, #tpu.memory_space<semaphore_mem>>)
      %slice3A_425 = vector.extract_strided_slice %get3A_133 {offsets = [12], sizes = [1], strides = [1]} : vector<16xi32> to vector<1xi32>
      %squeeze3A_426 = vector.extract %slice3A_425[0] : i32 from vector<1xi32>
      %add3A_427 = arith.constant 12 : i32
      %add3A_428 = arith.addi %mul3A_129, %add3A_427 : i32
      %dma_start3A_429 = arith.constant 0 : i32
      %dma_start3A_430 = tpu.memref_slice %arg11[%add3A_428, %dma_start3A_429] : memref<256x32xf32, #tpu.memory_space<vmem>> -> memref<1x32xf32, #tpu.memory_space<vmem>>
      %dma_start3A_431 = arith.constant 0 : i32
      %dma_start3A_432 = tpu.memref_slice %arg4[%squeeze3A_426, %dma_start3A_431] : memref<1000000x32xf32, #tpu.memory_space<hbm>> -> memref<1x32xf32, #tpu.memory_space<hbm>>
      %dma_start3A_433 = arith.constant 0 : i32
      %dma_start3A_434 = tpu.memref_slice %arg11[%add3A_428, %dma_start3A_433] : memref<256x32xf32, #tpu.memory_space<vmem>> -> memref<1x32xf32, #tpu.memory_space<vmem>>
      %dma_start3A_435 = arith.constant 0 : i32
      %dma_start3A_436 = tpu.memref_slice %arg4[%squeeze3A_426, %dma_start3A_435] : memref<1000000x32xf32, #tpu.memory_space<hbm>> -> memref<1x32xf32, #tpu.memory_space<hbm>>
      tpu.enqueue_dma source(%dma_start3A_436 : memref<1x32xf32, #tpu.memory_space<hbm>>) target(%dma_start3A_434 : memref<1x32xf32, #tpu.memory_space<vmem>>) target_semaphore(%arg16 : memref<!tpu.dma_semaphore, #tpu.memory_space<semaphore_mem>>)
      %slice3A_437 = vector.extract_strided_slice %get3A_138 {offsets = [12], sizes = [1], strides = [1]} : vector<16xi32> to vector<1xi32>
      %squeeze3A_438 = vector.extract %slice3A_437[0] : i32 from vector<1xi32>
      %add3A_439 = arith.constant 12 : i32
      %add3A_440 = arith.addi %mul3A_129, %add3A_439 : i32
      %dma_start3A_441 = arith.constant 0 : i32
      %dma_start3A_442 = tpu.memref_slice %arg12[%add3A_440, %dma_start3A_441] : memref<256x32xf32, #tpu.memory_space<vmem>> -> memref<1x32xf32, #tpu.memory_space<vmem>>
      %dma_start3A_443 = arith.constant 0 : i32
      %dma_start3A_444 = tpu.memref_slice %arg5[%squeeze3A_438, %dma_start3A_443] : memref<1000000x32xf32, #tpu.memory_space<hbm>> -> memref<1x32xf32, #tpu.memory_space<hbm>>
      %dma_start3A_445 = arith.constant 0 : i32
      %dma_start3A_446 = tpu.memref_slice %arg12[%add3A_440, %dma_start3A_445] : memref<256x32xf32, #tpu.memory_space<vmem>> -> memref<1x32xf32, #tpu.memory_space<vmem>>
      %dma_start3A_447 = arith.constant 0 : i32
      %dma_start3A_448 = tpu.memref_slice %arg5[%squeeze3A_438, %dma_start3A_447] : memref<1000000x32xf32, #tpu.memory_space<hbm>> -> memref<1x32xf32, #tpu.memory_space<hbm>>
      tpu.enqueue_dma source(%dma_start3A_448 : memref<1x32xf32, #tpu.memory_space<hbm>>) target(%dma_start3A_446 : memref<1x32xf32, #tpu.memory_space<vmem>>) target_semaphore(%arg16 : memref<!tpu.dma_semaphore, #tpu.memory_space<semaphore_mem>>)
      %slice3A_449 = vector.extract_strided_slice %get3A_133 {offsets = [13], sizes = [1], strides = [1]} : vector<16xi32> to vector<1xi32>
      %squeeze3A_450 = vector.extract %slice3A_449[0] : i32 from vector<1xi32>
      %add3A_451 = arith.constant 13 : i32
      %add3A_452 = arith.addi %mul3A_129, %add3A_451 : i32
      %dma_start3A_453 = arith.constant 0 : i32
      %dma_start3A_454 = tpu.memref_slice %arg11[%add3A_452, %dma_start3A_453] : memref<256x32xf32, #tpu.memory_space<vmem>> -> memref<1x32xf32, #tpu.memory_space<vmem>>
      %dma_start3A_455 = arith.constant 0 : i32
      %dma_start3A_456 = tpu.memref_slice %arg4[%squeeze3A_450, %dma_start3A_455] : memref<1000000x32xf32, #tpu.memory_space<hbm>> -> memref<1x32xf32, #tpu.memory_space<hbm>>
      %dma_start3A_457 = arith.constant 0 : i32
      %dma_start3A_458 = tpu.memref_slice %arg11[%add3A_452, %dma_start3A_457] : memref<256x32xf32, #tpu.memory_space<vmem>> -> memref<1x32xf32, #tpu.memory_space<vmem>>
      %dma_start3A_459 = arith.constant 0 : i32
      %dma_start3A_460 = tpu.memref_slice %arg4[%squeeze3A_450, %dma_start3A_459] : memref<1000000x32xf32, #tpu.memory_space<hbm>> -> memref<1x32xf32, #tpu.memory_space<hbm>>
      tpu.enqueue_dma source(%dma_start3A_460 : memref<1x32xf32, #tpu.memory_space<hbm>>) target(%dma_start3A_458 : memref<1x32xf32, #tpu.memory_space<vmem>>) target_semaphore(%arg16 : memref<!tpu.dma_semaphore, #tpu.memory_space<semaphore_mem>>)
      %slice3A_461 = vector.extract_strided_slice %get3A_138 {offsets = [13], sizes = [1], strides = [1]} : vector<16xi32> to vector<1xi32>
      %squeeze3A_462 = vector.extract %slice3A_461[0] : i32 from vector<1xi32>
      %add3A_463 = arith.constant 13 : i32
      %add3A_464 = arith.addi %mul3A_129, %add3A_463 : i32
      %dma_start3A_465 = arith.constant 0 : i32
      %dma_start3A_466 = tpu.memref_slice %arg12[%add3A_464, %dma_start3A_465] : memref<256x32xf32, #tpu.memory_space<vmem>> -> memref<1x32xf32, #tpu.memory_space<vmem>>
      %dma_start3A_467 = arith.constant 0 : i32
      %dma_start3A_468 = tpu.memref_slice %arg5[%squeeze3A_462, %dma_start3A_467] : memref<1000000x32xf32, #tpu.memory_space<hbm>> -> memref<1x32xf32, #tpu.memory_space<hbm>>
      %dma_start3A_469 = arith.constant 0 : i32
      %dma_start3A_470 = tpu.memref_slice %arg12[%add3A_464, %dma_start3A_469] : memref<256x32xf32, #tpu.memory_space<vmem>> -> memref<1x32xf32, #tpu.memory_space<vmem>>
      %dma_start3A_471 = arith.constant 0 : i32
      %dma_start3A_472 = tpu.memref_slice %arg5[%squeeze3A_462, %dma_start3A_471] : memref<1000000x32xf32, #tpu.memory_space<hbm>> -> memref<1x32xf32, #tpu.memory_space<hbm>>
      tpu.enqueue_dma source(%dma_start3A_472 : memref<1x32xf32, #tpu.memory_space<hbm>>) target(%dma_start3A_470 : memref<1x32xf32, #tpu.memory_space<vmem>>) target_semaphore(%arg16 : memref<!tpu.dma_semaphore, #tpu.memory_space<semaphore_mem>>)
      %slice3A_473 = vector.extract_strided_slice %get3A_133 {offsets = [14], sizes = [1], strides = [1]} : vector<16xi32> to vector<1xi32>
      %squeeze3A_474 = vector.extract %slice3A_473[0] : i32 from vector<1xi32>
      %add3A_475 = arith.constant 14 : i32
      %add3A_476 = arith.addi %mul3A_129, %add3A_475 : i32
      %dma_start3A_477 = arith.constant 0 : i32
      %dma_start3A_478 = tpu.memref_slice %arg11[%add3A_476, %dma_start3A_477] : memref<256x32xf32, #tpu.memory_space<vmem>> -> memref<1x32xf32, #tpu.memory_space<vmem>>
      %dma_start3A_479 = arith.constant 0 : i32
      %dma_start3A_480 = tpu.memref_slice %arg4[%squeeze3A_474, %dma_start3A_479] : memref<1000000x32xf32, #tpu.memory_space<hbm>> -> memref<1x32xf32, #tpu.memory_space<hbm>>
      %dma_start3A_481 = arith.constant 0 : i32
      %dma_start3A_482 = tpu.memref_slice %arg11[%add3A_476, %dma_start3A_481] : memref<256x32xf32, #tpu.memory_space<vmem>> -> memref<1x32xf32, #tpu.memory_space<vmem>>
      %dma_start3A_483 = arith.constant 0 : i32
      %dma_start3A_484 = tpu.memref_slice %arg4[%squeeze3A_474, %dma_start3A_483] : memref<1000000x32xf32, #tpu.memory_space<hbm>> -> memref<1x32xf32, #tpu.memory_space<hbm>>
      tpu.enqueue_dma source(%dma_start3A_484 : memref<1x32xf32, #tpu.memory_space<hbm>>) target(%dma_start3A_482 : memref<1x32xf32, #tpu.memory_space<vmem>>) target_semaphore(%arg16 : memref<!tpu.dma_semaphore, #tpu.memory_space<semaphore_mem>>)
      %slice3A_485 = vector.extract_strided_slice %get3A_138 {offsets = [14], sizes = [1], strides = [1]} : vector<16xi32> to vector<1xi32>
      %squeeze3A_486 = vector.extract %slice3A_485[0] : i32 from vector<1xi32>
      %add3A_487 = arith.constant 14 : i32
      %add3A_488 = arith.addi %mul3A_129, %add3A_487 : i32
      %dma_start3A_489 = arith.constant 0 : i32
      %dma_start3A_490 = tpu.memref_slice %arg12[%add3A_488, %dma_start3A_489] : memref<256x32xf32, #tpu.memory_space<vmem>> -> memref<1x32xf32, #tpu.memory_space<vmem>>
      %dma_start3A_491 = arith.constant 0 : i32
      %dma_start3A_492 = tpu.memref_slice %arg5[%squeeze3A_486, %dma_start3A_491] : memref<1000000x32xf32, #tpu.memory_space<hbm>> -> memref<1x32xf32, #tpu.memory_space<hbm>>
      %dma_start3A_493 = arith.constant 0 : i32
      %dma_start3A_494 = tpu.memref_slice %arg12[%add3A_488, %dma_start3A_493] : memref<256x32xf32, #tpu.memory_space<vmem>> -> memref<1x32xf32, #tpu.memory_space<vmem>>
      %dma_start3A_495 = arith.constant 0 : i32
      %dma_start3A_496 = tpu.memref_slice %arg5[%squeeze3A_486, %dma_start3A_495] : memref<1000000x32xf32, #tpu.memory_space<hbm>> -> memref<1x32xf32, #tpu.memory_space<hbm>>
      tpu.enqueue_dma source(%dma_start3A_496 : memref<1x32xf32, #tpu.memory_space<hbm>>) target(%dma_start3A_494 : memref<1x32xf32, #tpu.memory_space<vmem>>) target_semaphore(%arg16 : memref<!tpu.dma_semaphore, #tpu.memory_space<semaphore_mem>>)
      %slice3A_497 = vector.extract_strided_slice %get3A_133 {offsets = [15], sizes = [1], strides = [1]} : vector<16xi32> to vector<1xi32>
      %squeeze3A_498 = vector.extract %slice3A_497[0] : i32 from vector<1xi32>
      %add3A_499 = arith.constant 15 : i32
      %add3A_500 = arith.addi %mul3A_129, %add3A_499 : i32
      %dma_start3A_501 = arith.constant 0 : i32
      %dma_start3A_502 = tpu.memref_slice %arg11[%add3A_500, %dma_start3A_501] : memref<256x32xf32, #tpu.memory_space<vmem>> -> memref<1x32xf32, #tpu.memory_space<vmem>>
      %dma_start3A_503 = arith.constant 0 : i32
      %dma_start3A_504 = tpu.memref_slice %arg4[%squeeze3A_498, %dma_start3A_503] : memref<1000000x32xf32, #tpu.memory_space<hbm>> -> memref<1x32xf32, #tpu.memory_space<hbm>>
      %dma_start3A_505 = arith.constant 0 : i32
      %dma_start3A_506 = tpu.memref_slice %arg11[%add3A_500, %dma_start3A_505] : memref<256x32xf32, #tpu.memory_space<vmem>> -> memref<1x32xf32, #tpu.memory_space<vmem>>
      %dma_start3A_507 = arith.constant 0 : i32
      %dma_start3A_508 = tpu.memref_slice %arg4[%squeeze3A_498, %dma_start3A_507] : memref<1000000x32xf32, #tpu.memory_space<hbm>> -> memref<1x32xf32, #tpu.memory_space<hbm>>
      tpu.enqueue_dma source(%dma_start3A_508 : memref<1x32xf32, #tpu.memory_space<hbm>>) target(%dma_start3A_506 : memref<1x32xf32, #tpu.memory_space<vmem>>) target_semaphore(%arg16 : memref<!tpu.dma_semaphore, #tpu.memory_space<semaphore_mem>>)
      %slice3A_509 = vector.extract_strided_slice %get3A_138 {offsets = [15], sizes = [1], strides = [1]} : vector<16xi32> to vector<1xi32>
      %squeeze3A_510 = vector.extract %slice3A_509[0] : i32 from vector<1xi32>
      %add3A_511 = arith.constant 15 : i32
      %add3A_512 = arith.addi %mul3A_129, %add3A_511 : i32
      %dma_start3A_513 = arith.constant 0 : i32
      %dma_start3A_514 = tpu.memref_slice %arg12[%add3A_512, %dma_start3A_513] : memref<256x32xf32, #tpu.memory_space<vmem>> -> memref<1x32xf32, #tpu.memory_space<vmem>>
      %dma_start3A_515 = arith.constant 0 : i32
      %dma_start3A_516 = tpu.memref_slice %arg5[%squeeze3A_510, %dma_start3A_515] : memref<1000000x32xf32, #tpu.memory_space<hbm>> -> memref<1x32xf32, #tpu.memory_space<hbm>>
      %dma_start3A_517 = arith.constant 0 : i32
      %dma_start3A_518 = tpu.memref_slice %arg12[%add3A_512, %dma_start3A_517] : memref<256x32xf32, #tpu.memory_space<vmem>> -> memref<1x32xf32, #tpu.memory_space<vmem>>
      %dma_start3A_519 = arith.constant 0 : i32
      %dma_start3A_520 = tpu.memref_slice %arg5[%squeeze3A_510, %dma_start3A_519] : memref<1000000x32xf32, #tpu.memory_space<hbm>> -> memref<1x32xf32, #tpu.memory_space<hbm>>
      tpu.enqueue_dma source(%dma_start3A_520 : memref<1x32xf32, #tpu.memory_space<hbm>>) target(%dma_start3A_518 : memref<1x32xf32, #tpu.memory_space<vmem>>) target_semaphore(%arg16 : memref<!tpu.dma_semaphore, #tpu.memory_space<semaphore_mem>>)
    }
    %scan3A_84 = arith.constant 16 : i32
    %dma_wait3A_85 = arith.constant 0 : i32
    %dma_wait3A_86 = arith.constant 0 : i32
    %dma_wait3A_87 = tpu.memref_slice %arg4[%dma_wait3A_85, %dma_wait3A_86] : memref<1000000x32xf32, #tpu.memory_space<hbm>> -> memref<256x32xf32, #tpu.memory_space<hbm>>
    %dma_wait3A_88 = arith.constant 0 : i32
    %dma_wait3A_89 = arith.constant 0 : i32
    %dma_wait3A_90 = tpu.memref_slice %arg4[%dma_wait3A_88, %dma_wait3A_89] : memref<1000000x32xf32, #tpu.memory_space<hbm>> -> memref<256x32xf32, #tpu.memory_space<hbm>>
    tpu.wait_dma2 semaphore(%arg16 : memref<!tpu.dma_semaphore, #tpu.memory_space<semaphore_mem>>) src(%dma_wait3A_90 : memref<256x32xf32, #tpu.memory_space<hbm>>) dst(%arg11 : memref<256x32xf32, #tpu.memory_space<vmem>>)
    %dma_wait3A_91 = arith.constant 0 : i32
    %dma_wait3A_92 = arith.constant 0 : i32
    %dma_wait3A_93 = tpu.memref_slice %arg5[%dma_wait3A_91, %dma_wait3A_92] : memref<1000000x32xf32, #tpu.memory_space<hbm>> -> memref<256x32xf32, #tpu.memory_space<hbm>>
    %dma_wait3A_94 = arith.constant 0 : i32
    %dma_wait3A_95 = arith.constant 0 : i32
    %dma_wait3A_96 = tpu.memref_slice %arg5[%dma_wait3A_94, %dma_wait3A_95] : memref<1000000x32xf32, #tpu.memory_space<hbm>> -> memref<256x32xf32, #tpu.memory_space<hbm>>
    tpu.wait_dma2 semaphore(%arg16 : memref<!tpu.dma_semaphore, #tpu.memory_space<semaphore_mem>>) src(%dma_wait3A_96 : memref<256x32xf32, #tpu.memory_space<hbm>>) dst(%arg12 : memref<256x32xf32, #tpu.memory_space<vmem>>)
    %scan3A_97 = arith.constant 0 : i32
    %scan3A_98 = arith.constant 0 : i32
    %scan3A_99 = arith.constant 16 : i32
    %scan3A_100 = arith.addi %scan3A_98, %scan3A_99 : i32
    %scan3A_101 = arith.constant 1 : i32
    scf.for %scan3A_127 = %scan3A_98 to %scan3A_100 step %scan3A_101  : i32 {
      %mul3A_128 = arith.constant 16 : i32
      %mul3A_129 = arith.muli %scan3A_127, %mul3A_128 : i32
      %add3A_130 = arith.constant 0 : i32
      %add3A_131 = arith.addi %mul3A_129, %add3A_130 : i32
      %get3A = arith.index_cast %add3A_131 : i32 to index
      %get3A_132 = arith.constant 0 : index
      %get3A_133 = tpu.vector_load %arg11[%get3A, %get3A_132] {strides = array<i32>} : memref<256x32xf32, #tpu.memory_space<vmem>>, vector<1x16xf32>,
      %get3A_134 = vector.shape_cast %get3A_133 : vector<1x16xf32> to vector<16xf32>
      %get3A_135 = arith.index_cast %add3A_131 : i32 to index
      %get3A_136 = arith.constant 0 : index
      %get3A_137 = tpu.vector_load %arg12[%get3A_135, %get3A_136] {strides = array<i32>} : memref<256x32xf32, #tpu.memory_space<vmem>>, vector<1x16xf32>,
      %get3A_138 = vector.shape_cast %get3A_137 : vector<1x16xf32> to vector<16xf32>
      %mul3A_139 = arith.mulf %get3A_134, %get3A_138 : vector<16xf32>
      %get3A_140 = arith.index_cast %add3A_131 : i32 to index
      %get3A_141 = arith.constant 16 : index
      %get3A_142 = tpu.vector_load %arg11[%get3A_140, %get3A_141] {strides = array<i32>} : memref<256x32xf32, #tpu.memory_space<vmem>>, vector<1x16xf32>,
      %get3A_143 = vector.shape_cast %get3A_142 : vector<1x16xf32> to vector<16xf32>
      %get3A_144 = arith.index_cast %add3A_131 : i32 to index
      %get3A_145 = arith.constant 16 : index
      %get3A_146 = tpu.vector_load %arg12[%get3A_144, %get3A_145] {strides = array<i32>} : memref<256x32xf32, #tpu.memory_space<vmem>>, vector<1x16xf32>,
      %get3A_147 = vector.shape_cast %get3A_146 : vector<1x16xf32> to vector<16xf32>
      %mul3A_148 = arith.mulf %get3A_143, %get3A_147 : vector<16xf32>
      %add3A_149 = arith.addf %mul3A_139, %mul3A_148 : vector<16xf32>
      %add3A_150 = arith.constant 1 : i32
      %add3A_151 = arith.addi %mul3A_129, %add3A_150 : i32
      %get3A_152 = arith.index_cast %add3A_151 : i32 to index
      %get3A_153 = arith.constant 0 : index
      %get3A_154 = tpu.vector_load %arg11[%get3A_152, %get3A_153] {strides = array<i32>} : memref<256x32xf32, #tpu.memory_space<vmem>>, vector<1x16xf32>,
      %get3A_155 = vector.shape_cast %get3A_154 : vector<1x16xf32> to vector<16xf32>
      %get3A_156 = arith.index_cast %add3A_151 : i32 to index
      %get3A_157 = arith.constant 0 : index
      %get3A_158 = tpu.vector_load %arg12[%get3A_156, %get3A_157] {strides = array<i32>} : memref<256x32xf32, #tpu.memory_space<vmem>>, vector<1x16xf32>,
      %get3A_159 = vector.shape_cast %get3A_158 : vector<1x16xf32> to vector<16xf32>
      %mul3A_160 = arith.mulf %get3A_155, %get3A_159 : vector<16xf32>
      %get3A_161 = arith.index_cast %add3A_151 : i32 to index
      %get3A_162 = arith.constant 16 : index
      %get3A_163 = tpu.vector_load %arg11[%get3A_161, %get3A_162] {strides = array<i32>} : memref<256x32xf32, #tpu.memory_space<vmem>>, vector<1x16xf32>,
      %get3A_164 = vector.shape_cast %get3A_163 : vector<1x16xf32> to vector<16xf32>
      %get3A_165 = arith.index_cast %add3A_151 : i32 to index
      %get3A_166 = arith.constant 16 : index
      %get3A_167 = tpu.vector_load %arg12[%get3A_165, %get3A_166] {strides = array<i32>} : memref<256x32xf32, #tpu.memory_space<vmem>>, vector<1x16xf32>,
      %get3A_168 = vector.shape_cast %get3A_167 : vector<1x16xf32> to vector<16xf32>
      %mul3A_169 = arith.mulf %get3A_164, %get3A_168 : vector<16xf32>
      %add3A_170 = arith.addf %mul3A_160, %mul3A_169 : vector<16xf32>
      %add3A_171 = arith.constant 2 : i32
      %add3A_172 = arith.addi %mul3A_129, %add3A_171 : i32
      %get3A_173 = arith.index_cast %add3A_172 : i32 to index
      %get3A_174 = arith.constant 0 : index
      %get3A_175 = tpu.vector_load %arg11[%get3A_173, %get3A_174] {strides = array<i32>} : memref<256x32xf32, #tpu.memory_space<vmem>>, vector<1x16xf32>,
      %get3A_176 = vector.shape_cast %get3A_175 : vector<1x16xf32> to vector<16xf32>
      %get3A_177 = arith.index_cast %add3A_172 : i32 to index
      %get3A_178 = arith.constant 0 : index
      %get3A_179 = tpu.vector_load %arg12[%get3A_177, %get3A_178] {strides = array<i32>} : memref<256x32xf32, #tpu.memory_space<vmem>>, vector<1x16xf32>,
      %get3A_180 = vector.shape_cast %get3A_179 : vector<1x16xf32> to vector<16xf32>
      %mul3A_181 = arith.mulf %get3A_176, %get3A_180 : vector<16xf32>
      %get3A_182 = arith.index_cast %add3A_172 : i32 to index
      %get3A_183 = arith.constant 16 : index
      %get3A_184 = tpu.vector_load %arg11[%get3A_182, %get3A_183] {strides = array<i32>} : memref<256x32xf32, #tpu.memory_space<vmem>>, vector<1x16xf32>,
      %get3A_185 = vector.shape_cast %get3A_184 : vector<1x16xf32> to vector<16xf32>
      %get3A_186 = arith.index_cast %add3A_172 : i32 to index
      %get3A_187 = arith.constant 16 : index
      %get3A_188 = tpu.vector_load %arg12[%get3A_186, %get3A_187] {strides = array<i32>} : memref<256x32xf32, #tpu.memory_space<vmem>>, vector<1x16xf32>,
      %get3A_189 = vector.shape_cast %get3A_188 : vector<1x16xf32> to vector<16xf32>
      %mul3A_190 = arith.mulf %get3A_185, %get3A_189 : vector<16xf32>
      %add3A_191 = arith.addf %mul3A_181, %mul3A_190 : vector<16xf32>
      %add3A_192 = arith.constant 3 : i32
      %add3A_193 = arith.addi %mul3A_129, %add3A_192 : i32
      %get3A_194 = arith.index_cast %add3A_193 : i32 to index
      %get3A_195 = arith.constant 0 : index
      %get3A_196 = tpu.vector_load %arg11[%get3A_194, %get3A_195] {strides = array<i32>} : memref<256x32xf32, #tpu.memory_space<vmem>>, vector<1x16xf32>,
      %get3A_197 = vector.shape_cast %get3A_196 : vector<1x16xf32> to vector<16xf32>
      %get3A_198 = arith.index_cast %add3A_193 : i32 to index
      %get3A_199 = arith.constant 0 : index
      %get3A_200 = tpu.vector_load %arg12[%get3A_198, %get3A_199] {strides = array<i32>} : memref<256x32xf32, #tpu.memory_space<vmem>>, vector<1x16xf32>,
      %get3A_201 = vector.shape_cast %get3A_200 : vector<1x16xf32> to vector<16xf32>
      %mul3A_202 = arith.mulf %get3A_197, %get3A_201 : vector<16xf32>
      %get3A_203 = arith.index_cast %add3A_193 : i32 to index
      %get3A_204 = arith.constant 16 : index
      %get3A_205 = tpu.vector_load %arg11[%get3A_203, %get3A_204] {strides = array<i32>} : memref<256x32xf32, #tpu.memory_space<vmem>>, vector<1x16xf32>,
      %get3A_206 = vector.shape_cast %get3A_205 : vector<1x16xf32> to vector<16xf32>
      %get3A_207 = arith.index_cast %add3A_193 : i32 to index
      %get3A_208 = arith.constant 16 : index
      %get3A_209 = tpu.vector_load %arg12[%get3A_207, %get3A_208] {strides = array<i32>} : memref<256x32xf32, #tpu.memory_space<vmem>>, vector<1x16xf32>,
      %get3A_210 = vector.shape_cast %get3A_209 : vector<1x16xf32> to vector<16xf32>
      %mul3A_211 = arith.mulf %get3A_206, %get3A_210 : vector<16xf32>
      %add3A_212 = arith.addf %mul3A_202, %mul3A_211 : vector<16xf32>
      %add3A_213 = arith.constant 4 : i32
      %add3A_214 = arith.addi %mul3A_129, %add3A_213 : i32
      %get3A_215 = arith.index_cast %add3A_214 : i32 to index
      %get3A_216 = arith.constant 0 : index
      %get3A_217 = tpu.vector_load %arg11[%get3A_215, %get3A_216] {strides = array<i32>} : memref<256x32xf32, #tpu.memory_space<vmem>>, vector<1x16xf32>,
      %get3A_218 = vector.shape_cast %get3A_217 : vector<1x16xf32> to vector<16xf32>
      %get3A_219 = arith.index_cast %add3A_214 : i32 to index
      %get3A_220 = arith.constant 0 : index
      %get3A_221 = tpu.vector_load %arg12[%get3A_219, %get3A_220] {strides = array<i32>} : memref<256x32xf32, #tpu.memory_space<vmem>>, vector<1x16xf32>,
      %get3A_222 = vector.shape_cast %get3A_221 : vector<1x16xf32> to vector<16xf32>
      %mul3A_223 = arith.mulf %get3A_218, %get3A_222 : vector<16xf32>
      %get3A_224 = arith.index_cast %add3A_214 : i32 to index
      %get3A_225 = arith.constant 16 : index
      %get3A_226 = tpu.vector_load %arg11[%get3A_224, %get3A_225] {strides = array<i32>} : memref<256x32xf32, #tpu.memory_space<vmem>>, vector<1x16xf32>,
      %get3A_227 = vector.shape_cast %get3A_226 : vector<1x16xf32> to vector<16xf32>
      %get3A_228 = arith.index_cast %add3A_214 : i32 to index
      %get3A_229 = arith.constant 16 : index
      %get3A_230 = tpu.vector_load %arg12[%get3A_228, %get3A_229] {strides = array<i32>} : memref<256x32xf32, #tpu.memory_space<vmem>>, vector<1x16xf32>,
      %get3A_231 = vector.shape_cast %get3A_230 : vector<1x16xf32> to vector<16xf32>
      %mul3A_232 = arith.mulf %get3A_227, %get3A_231 : vector<16xf32>
      %add3A_233 = arith.addf %mul3A_223, %mul3A_232 : vector<16xf32>
      %add3A_234 = arith.constant 5 : i32
      %add3A_235 = arith.addi %mul3A_129, %add3A_234 : i32
      %get3A_236 = arith.index_cast %add3A_235 : i32 to index
      %get3A_237 = arith.constant 0 : index
      %get3A_238 = tpu.vector_load %arg11[%get3A_236, %get3A_237] {strides = array<i32>} : memref<256x32xf32, #tpu.memory_space<vmem>>, vector<1x16xf32>,
      %get3A_239 = vector.shape_cast %get3A_238 : vector<1x16xf32> to vector<16xf32>
      %get3A_240 = arith.index_cast %add3A_235 : i32 to index
      %get3A_241 = arith.constant 0 : index
      %get3A_242 = tpu.vector_load %arg12[%get3A_240, %get3A_241] {strides = array<i32>} : memref<256x32xf32, #tpu.memory_space<vmem>>, vector<1x16xf32>,
      %get3A_243 = vector.shape_cast %get3A_242 : vector<1x16xf32> to vector<16xf32>
      %mul3A_244 = arith.mulf %get3A_239, %get3A_243 : vector<16xf32>
      %get3A_245 = arith.index_cast %add3A_235 : i32 to index
      %get3A_246 = arith.constant 16 : index
      %get3A_247 = tpu.vector_load %arg11[%get3A_245, %get3A_246] {strides = array<i32>} : memref<256x32xf32, #tpu.memory_space<vmem>>, vector<1x16xf32>,
      %get3A_248 = vector.shape_cast %get3A_247 : vector<1x16xf32> to vector<16xf32>
      %get3A_249 = arith.index_cast %add3A_235 : i32 to index
      %get3A_250 = arith.constant 16 : index
      %get3A_251 = tpu.vector_load %arg12[%get3A_249, %get3A_250] {strides = array<i32>} : memref<256x32xf32, #tpu.memory_space<vmem>>, vector<1x16xf32>,
      %get3A_252 = vector.shape_cast %get3A_251 : vector<1x16xf32> to vector<16xf32>
      %mul3A_253 = arith.mulf %get3A_248, %get3A_252 : vector<16xf32>
      %add3A_254 = arith.addf %mul3A_244, %mul3A_253 : vector<16xf32>
      %add3A_255 = arith.constant 6 : i32
      %add3A_256 = arith.addi %mul3A_129, %add3A_255 : i32
      %get3A_257 = arith.index_cast %add3A_256 : i32 to index
      %get3A_258 = arith.constant 0 : index
      %get3A_259 = tpu.vector_load %arg11[%get3A_257, %get3A_258] {strides = array<i32>} : memref<256x32xf32, #tpu.memory_space<vmem>>, vector<1x16xf32>,
      %get3A_260 = vector.shape_cast %get3A_259 : vector<1x16xf32> to vector<16xf32>
      %get3A_261 = arith.index_cast %add3A_256 : i32 to index
      %get3A_262 = arith.constant 0 : index
      %get3A_263 = tpu.vector_load %arg12[%get3A_261, %get3A_262] {strides = array<i32>} : memref<256x32xf32, #tpu.memory_space<vmem>>, vector<1x16xf32>,
      %get3A_264 = vector.shape_cast %get3A_263 : vector<1x16xf32> to vector<16xf32>
      %mul3A_265 = arith.mulf %get3A_260, %get3A_264 : vector<16xf32>
      %get3A_266 = arith.index_cast %add3A_256 : i32 to index
      %get3A_267 = arith.constant 16 : index
      %get3A_268 = tpu.vector_load %arg11[%get3A_266, %get3A_267] {strides = array<i32>} : memref<256x32xf32, #tpu.memory_space<vmem>>, vector<1x16xf32>,
      %get3A_269 = vector.shape_cast %get3A_268 : vector<1x16xf32> to vector<16xf32>
      %get3A_270 = arith.index_cast %add3A_256 : i32 to index
      %get3A_271 = arith.constant 16 : index
      %get3A_272 = tpu.vector_load %arg12[%get3A_270, %get3A_271] {strides = array<i32>} : memref<256x32xf32, #tpu.memory_space<vmem>>, vector<1x16xf32>,
      %get3A_273 = vector.shape_cast %get3A_272 : vector<1x16xf32> to vector<16xf32>
      %mul3A_274 = arith.mulf %get3A_269, %get3A_273 : vector<16xf32>
      %add3A_275 = arith.addf %mul3A_265, %mul3A_274 : vector<16xf32>
      %add3A_276 = arith.constant 7 : i32
      %add3A_277 = arith.addi %mul3A_129, %add3A_276 : i32
      %get3A_278 = arith.index_cast %add3A_277 : i32 to index
      %get3A_279 = arith.constant 0 : index
      %get3A_280 = tpu.vector_load %arg11[%get3A_278, %get3A_279] {strides = array<i32>} : memref<256x32xf32, #tpu.memory_space<vmem>>, vector<1x16xf32>,
      %get3A_281 = vector.shape_cast %get3A_280 : vector<1x16xf32> to vector<16xf32>
      %get3A_282 = arith.index_cast %add3A_277 : i32 to index
      %get3A_283 = arith.constant 0 : index
      %get3A_284 = tpu.vector_load %arg12[%get3A_282, %get3A_283] {strides = array<i32>} : memref<256x32xf32, #tpu.memory_space<vmem>>, vector<1x16xf32>,
      %get3A_285 = vector.shape_cast %get3A_284 : vector<1x16xf32> to vector<16xf32>
      %mul3A_286 = arith.mulf %get3A_281, %get3A_285 : vector<16xf32>
      %get3A_287 = arith.index_cast %add3A_277 : i32 to index
      %get3A_288 = arith.constant 16 : index
      %get3A_289 = tpu.vector_load %arg11[%get3A_287, %get3A_288] {strides = array<i32>} : memref<256x32xf32, #tpu.memory_space<vmem>>, vector<1x16xf32>,
      %get3A_290 = vector.shape_cast %get3A_289 : vector<1x16xf32> to vector<16xf32>
      %get3A_291 = arith.index_cast %add3A_277 : i32 to index
      %get3A_292 = arith.constant 16 : index
      %get3A_293 = tpu.vector_load %arg12[%get3A_291, %get3A_292] {strides = array<i32>} : memref<256x32xf32, #tpu.memory_space<vmem>>, vector<1x16xf32>,
      %get3A_294 = vector.shape_cast %get3A_293 : vector<1x16xf32> to vector<16xf32>
      %mul3A_295 = arith.mulf %get3A_290, %get3A_294 : vector<16xf32>
      %add3A_296 = arith.addf %mul3A_286, %mul3A_295 : vector<16xf32>
      %add3A_297 = arith.constant 8 : i32
      %add3A_298 = arith.addi %mul3A_129, %add3A_297 : i32
      %get3A_299 = arith.index_cast %add3A_298 : i32 to index
      %get3A_300 = arith.constant 0 : index
      %get3A_301 = tpu.vector_load %arg11[%get3A_299, %get3A_300] {strides = array<i32>} : memref<256x32xf32, #tpu.memory_space<vmem>>, vector<1x16xf32>,
      %get3A_302 = vector.shape_cast %get3A_301 : vector<1x16xf32> to vector<16xf32>
      %get3A_303 = arith.index_cast %add3A_298 : i32 to index
      %get3A_304 = arith.constant 0 : index
      %get3A_305 = tpu.vector_load %arg12[%get3A_303, %get3A_304] {strides = array<i32>} : memref<256x32xf32, #tpu.memory_space<vmem>>, vector<1x16xf32>,
      %get3A_306 = vector.shape_cast %get3A_305 : vector<1x16xf32> to vector<16xf32>
      %mul3A_307 = arith.mulf %get3A_302, %get3A_306 : vector<16xf32>
      %get3A_308 = arith.index_cast %add3A_298 : i32 to index
      %get3A_309 = arith.constant 16 : index
      %get3A_310 = tpu.vector_load %arg11[%get3A_308, %get3A_309] {strides = array<i32>} : memref<256x32xf32, #tpu.memory_space<vmem>>, vector<1x16xf32>,
      %get3A_311 = vector.shape_cast %get3A_310 : vector<1x16xf32> to vector<16xf32>
      %get3A_312 = arith.index_cast %add3A_298 : i32 to index
      %get3A_313 = arith.constant 16 : index
      %get3A_314 = tpu.vector_load %arg12[%get3A_312, %get3A_313] {strides = array<i32>} : memref<256x32xf32, #tpu.memory_space<vmem>>, vector<1x16xf32>,
      %get3A_315 = vector.shape_cast %get3A_314 : vector<1x16xf32> to vector<16xf32>
      %mul3A_316 = arith.mulf %get3A_311, %get3A_315 : vector<16xf32>
      %add3A_317 = arith.addf %mul3A_307, %mul3A_316 : vector<16xf32>
      %add3A_318 = arith.constant 9 : i32
      %add3A_319 = arith.addi %mul3A_129, %add3A_318 : i32
      %get3A_320 = arith.index_cast %add3A_319 : i32 to index
      %get3A_321 = arith.constant 0 : index
      %get3A_322 = tpu.vector_load %arg11[%get3A_320, %get3A_321] {strides = array<i32>} : memref<256x32xf32, #tpu.memory_space<vmem>>, vector<1x16xf32>,
      %get3A_323 = vector.shape_cast %get3A_322 : vector<1x16xf32> to vector<16xf32>
      %get3A_324 = arith.index_cast %add3A_319 : i32 to index
      %get3A_325 = arith.constant 0 : index
      %get3A_326 = tpu.vector_load %arg12[%get3A_324, %get3A_325] {strides = array<i32>} : memref<256x32xf32, #tpu.memory_space<vmem>>, vector<1x16xf32>,
      %get3A_327 = vector.shape_cast %get3A_326 : vector<1x16xf32> to vector<16xf32>
      %mul3A_328 = arith.mulf %get3A_323, %get3A_327 : vector<16xf32>
      %get3A_329 = arith.index_cast %add3A_319 : i32 to index
      %get3A_330 = arith.constant 16 : index
      %get3A_331 = tpu.vector_load %arg11[%get3A_329, %get3A_330] {strides = array<i32>} : memref<256x32xf32, #tpu.memory_space<vmem>>, vector<1x16xf32>,
      %get3A_332 = vector.shape_cast %get3A_331 : vector<1x16xf32> to vector<16xf32>
      %get3A_333 = arith.index_cast %add3A_319 : i32 to index
      %get3A_334 = arith.constant 16 : index
      %get3A_335 = tpu.vector_load %arg12[%get3A_333, %get3A_334] {strides = array<i32>} : memref<256x32xf32, #tpu.memory_space<vmem>>, vector<1x16xf32>,
      %get3A_336 = vector.shape_cast %get3A_335 : vector<1x16xf32> to vector<16xf32>
      %mul3A_337 = arith.mulf %get3A_332, %get3A_336 : vector<16xf32>
      %add3A_338 = arith.addf %mul3A_328, %mul3A_337 : vector<16xf32>
      %add3A_339 = arith.constant 10 : i32
      %add3A_340 = arith.addi %mul3A_129, %add3A_339 : i32
      %get3A_341 = arith.index_cast %add3A_340 : i32 to index
      %get3A_342 = arith.constant 0 : index
      %get3A_343 = tpu.vector_load %arg11[%get3A_341, %get3A_342] {strides = array<i32>} : memref<256x32xf32, #tpu.memory_space<vmem>>, vector<1x16xf32>,
      %get3A_344 = vector.shape_cast %get3A_343 : vector<1x16xf32> to vector<16xf32>
      %get3A_345 = arith.index_cast %add3A_340 : i32 to index
      %get3A_346 = arith.constant 0 : index
      %get3A_347 = tpu.vector_load %arg12[%get3A_345, %get3A_346] {strides = array<i32>} : memref<256x32xf32, #tpu.memory_space<vmem>>, vector<1x16xf32>,
      %get3A_348 = vector.shape_cast %get3A_347 : vector<1x16xf32> to vector<16xf32>
      %mul3A_349 = arith.mulf %get3A_344, %get3A_348 : vector<16xf32>
      %get3A_350 = arith.index_cast %add3A_340 : i32 to index
      %get3A_351 = arith.constant 16 : index
      %get3A_352 = tpu.vector_load %arg11[%get3A_350, %get3A_351] {strides = array<i32>} : memref<256x32xf32, #tpu.memory_space<vmem>>, vector<1x16xf32>,
      %get3A_353 = vector.shape_cast %get3A_352 : vector<1x16xf32> to vector<16xf32>
      %get3A_354 = arith.index_cast %add3A_340 : i32 to index
      %get3A_355 = arith.constant 16 : index
      %get3A_356 = tpu.vector_load %arg12[%get3A_354, %get3A_355] {strides = array<i32>} : memref<256x32xf32, #tpu.memory_space<vmem>>, vector<1x16xf32>,
      %get3A_357 = vector.shape_cast %get3A_356 : vector<1x16xf32> to vector<16xf32>
      %mul3A_358 = arith.mulf %get3A_353, %get3A_357 : vector<16xf32>
      %add3A_359 = arith.addf %mul3A_349, %mul3A_358 : vector<16xf32>
      %add3A_360 = arith.constant 11 : i32
      %add3A_361 = arith.addi %mul3A_129, %add3A_360 : i32
      %get3A_362 = arith.index_cast %add3A_361 : i32 to index
      %get3A_363 = arith.constant 0 : index
      %get3A_364 = tpu.vector_load %arg11[%get3A_362, %get3A_363] {strides = array<i32>} : memref<256x32xf32, #tpu.memory_space<vmem>>, vector<1x16xf32>,
      %get3A_365 = vector.shape_cast %get3A_364 : vector<1x16xf32> to vector<16xf32>
      %get3A_366 = arith.index_cast %add3A_361 : i32 to index
      %get3A_367 = arith.constant 0 : index
      %get3A_368 = tpu.vector_load %arg12[%get3A_366, %get3A_367] {strides = array<i32>} : memref<256x32xf32, #tpu.memory_space<vmem>>, vector<1x16xf32>,
      %get3A_369 = vector.shape_cast %get3A_368 : vector<1x16xf32> to vector<16xf32>
      %mul3A_370 = arith.mulf %get3A_365, %get3A_369 : vector<16xf32>
      %get3A_371 = arith.index_cast %add3A_361 : i32 to index
      %get3A_372 = arith.constant 16 : index
      %get3A_373 = tpu.vector_load %arg11[%get3A_371, %get3A_372] {strides = array<i32>} : memref<256x32xf32, #tpu.memory_space<vmem>>, vector<1x16xf32>,
      %get3A_374 = vector.shape_cast %get3A_373 : vector<1x16xf32> to vector<16xf32>
      %get3A_375 = arith.index_cast %add3A_361 : i32 to index
      %get3A_376 = arith.constant 16 : index
      %get3A_377 = tpu.vector_load %arg12[%get3A_375, %get3A_376] {strides = array<i32>} : memref<256x32xf32, #tpu.memory_space<vmem>>, vector<1x16xf32>,
      %get3A_378 = vector.shape_cast %get3A_377 : vector<1x16xf32> to vector<16xf32>
      %mul3A_379 = arith.mulf %get3A_374, %get3A_378 : vector<16xf32>
      %add3A_380 = arith.addf %mul3A_370, %mul3A_379 : vector<16xf32>
      %add3A_381 = arith.constant 12 : i32
      %add3A_382 = arith.addi %mul3A_129, %add3A_381 : i32
      %get3A_383 = arith.index_cast %add3A_382 : i32 to index
      %get3A_384 = arith.constant 0 : index
      %get3A_385 = tpu.vector_load %arg11[%get3A_383, %get3A_384] {strides = array<i32>} : memref<256x32xf32, #tpu.memory_space<vmem>>, vector<1x16xf32>,
      %get3A_386 = vector.shape_cast %get3A_385 : vector<1x16xf32> to vector<16xf32>
      %get3A_387 = arith.index_cast %add3A_382 : i32 to index
      %get3A_388 = arith.constant 0 : index
      %get3A_389 = tpu.vector_load %arg12[%get3A_387, %get3A_388] {strides = array<i32>} : memref<256x32xf32, #tpu.memory_space<vmem>>, vector<1x16xf32>,
      %get3A_390 = vector.shape_cast %get3A_389 : vector<1x16xf32> to vector<16xf32>
      %mul3A_391 = arith.mulf %get3A_386, %get3A_390 : vector<16xf32>
      %get3A_392 = arith.index_cast %add3A_382 : i32 to index
      %get3A_393 = arith.constant 16 : index
      %get3A_394 = tpu.vector_load %arg11[%get3A_392, %get3A_393] {strides = array<i32>} : memref<256x32xf32, #tpu.memory_space<vmem>>, vector<1x16xf32>,
      %get3A_395 = vector.shape_cast %get3A_394 : vector<1x16xf32> to vector<16xf32>
      %get3A_396 = arith.index_cast %add3A_382 : i32 to index
      %get3A_397 = arith.constant 16 : index
      %get3A_398 = tpu.vector_load %arg12[%get3A_396, %get3A_397] {strides = array<i32>} : memref<256x32xf32, #tpu.memory_space<vmem>>, vector<1x16xf32>,
      %get3A_399 = vector.shape_cast %get3A_398 : vector<1x16xf32> to vector<16xf32>
      %mul3A_400 = arith.mulf %get3A_395, %get3A_399 : vector<16xf32>
      %add3A_401 = arith.addf %mul3A_391, %mul3A_400 : vector<16xf32>
      %add3A_402 = arith.constant 13 : i32
      %add3A_403 = arith.addi %mul3A_129, %add3A_402 : i32
      %get3A_404 = arith.index_cast %add3A_403 : i32 to index
      %get3A_405 = arith.constant 0 : index
      %get3A_406 = tpu.vector_load %arg11[%get3A_404, %get3A_405] {strides = array<i32>} : memref<256x32xf32, #tpu.memory_space<vmem>>, vector<1x16xf32>,
      %get3A_407 = vector.shape_cast %get3A_406 : vector<1x16xf32> to vector<16xf32>
      %get3A_408 = arith.index_cast %add3A_403 : i32 to index
      %get3A_409 = arith.constant 0 : index
      %get3A_410 = tpu.vector_load %arg12[%get3A_408, %get3A_409] {strides = array<i32>} : memref<256x32xf32, #tpu.memory_space<vmem>>, vector<1x16xf32>,
      %get3A_411 = vector.shape_cast %get3A_410 : vector<1x16xf32> to vector<16xf32>
      %mul3A_412 = arith.mulf %get3A_407, %get3A_411 : vector<16xf32>
      %get3A_413 = arith.index_cast %add3A_403 : i32 to index
      %get3A_414 = arith.constant 16 : index
      %get3A_415 = tpu.vector_load %arg11[%get3A_413, %get3A_414] {strides = array<i32>} : memref<256x32xf32, #tpu.memory_space<vmem>>, vector<1x16xf32>,
      %get3A_416 = vector.shape_cast %get3A_415 : vector<1x16xf32> to vector<16xf32>
      %get3A_417 = arith.index_cast %add3A_403 : i32 to index
      %get3A_418 = arith.constant 16 : index
      %get3A_419 = tpu.vector_load %arg12[%get3A_417, %get3A_418] {strides = array<i32>} : memref<256x32xf32, #tpu.memory_space<vmem>>, vector<1x16xf32>,
      %get3A_420 = vector.shape_cast %get3A_419 : vector<1x16xf32> to vector<16xf32>
      %mul3A_421 = arith.mulf %get3A_416, %get3A_420 : vector<16xf32>
      %add3A_422 = arith.addf %mul3A_412, %mul3A_421 : vector<16xf32>
      %add3A_423 = arith.constant 14 : i32
      %add3A_424 = arith.addi %mul3A_129, %add3A_423 : i32
      %get3A_425 = arith.index_cast %add3A_424 : i32 to index
      %get3A_426 = arith.constant 0 : index
      %get3A_427 = tpu.vector_load %arg11[%get3A_425, %get3A_426] {strides = array<i32>} : memref<256x32xf32, #tpu.memory_space<vmem>>, vector<1x16xf32>,
      %get3A_428 = vector.shape_cast %get3A_427 : vector<1x16xf32> to vector<16xf32>
      %get3A_429 = arith.index_cast %add3A_424 : i32 to index
      %get3A_430 = arith.constant 0 : index
      %get3A_431 = tpu.vector_load %arg12[%get3A_429, %get3A_430] {strides = array<i32>} : memref<256x32xf32, #tpu.memory_space<vmem>>, vector<1x16xf32>,
      %get3A_432 = vector.shape_cast %get3A_431 : vector<1x16xf32> to vector<16xf32>
      %mul3A_433 = arith.mulf %get3A_428, %get3A_432 : vector<16xf32>
      %get3A_434 = arith.index_cast %add3A_424 : i32 to index
      %get3A_435 = arith.constant 16 : index
      %get3A_436 = tpu.vector_load %arg11[%get3A_434, %get3A_435] {strides = array<i32>} : memref<256x32xf32, #tpu.memory_space<vmem>>, vector<1x16xf32>,
      %get3A_437 = vector.shape_cast %get3A_436 : vector<1x16xf32> to vector<16xf32>
      %get3A_438 = arith.index_cast %add3A_424 : i32 to index
      %get3A_439 = arith.constant 16 : index
      %get3A_440 = tpu.vector_load %arg12[%get3A_438, %get3A_439] {strides = array<i32>} : memref<256x32xf32, #tpu.memory_space<vmem>>, vector<1x16xf32>,
      %get3A_441 = vector.shape_cast %get3A_440 : vector<1x16xf32> to vector<16xf32>
      %mul3A_442 = arith.mulf %get3A_437, %get3A_441 : vector<16xf32>
      %add3A_443 = arith.addf %mul3A_433, %mul3A_442 : vector<16xf32>
      %add3A_444 = arith.constant 15 : i32
      %add3A_445 = arith.addi %mul3A_129, %add3A_444 : i32
      %get3A_446 = arith.index_cast %add3A_445 : i32 to index
      %get3A_447 = arith.constant 0 : index
      %get3A_448 = tpu.vector_load %arg11[%get3A_446, %get3A_447] {strides = array<i32>} : memref<256x32xf32, #tpu.memory_space<vmem>>, vector<1x16xf32>,
      %get3A_449 = vector.shape_cast %get3A_448 : vector<1x16xf32> to vector<16xf32>
      %get3A_450 = arith.index_cast %add3A_445 : i32 to index
      %get3A_451 = arith.constant 0 : index
      %get3A_452 = tpu.vector_load %arg12[%get3A_450, %get3A_451] {strides = array<i32>} : memref<256x32xf32, #tpu.memory_space<vmem>>, vector<1x16xf32>,
      %get3A_453 = vector.shape_cast %get3A_452 : vector<1x16xf32> to vector<16xf32>
      %mul3A_454 = arith.mulf %get3A_449, %get3A_453 : vector<16xf32>
      %get3A_455 = arith.index_cast %add3A_445 : i32 to index
      %get3A_456 = arith.constant 16 : index
      %get3A_457 = tpu.vector_load %arg11[%get3A_455, %get3A_456] {strides = array<i32>} : memref<256x32xf32, #tpu.memory_space<vmem>>, vector<1x16xf32>,
      %get3A_458 = vector.shape_cast %get3A_457 : vector<1x16xf32> to vector<16xf32>
      %get3A_459 = arith.index_cast %add3A_445 : i32 to index
      %get3A_460 = arith.constant 16 : index
      %get3A_461 = tpu.vector_load %arg12[%get3A_459, %get3A_460] {strides = array<i32>} : memref<256x32xf32, #tpu.memory_space<vmem>>, vector<1x16xf32>,
      %get3A_462 = vector.shape_cast %get3A_461 : vector<1x16xf32> to vector<16xf32>
      %mul3A_463 = arith.mulf %get3A_458, %get3A_462 : vector<16xf32>
      %add3A_464 = arith.addf %mul3A_454, %mul3A_463 : vector<16xf32>
      %and3A_465 = arith.constant 8 : i32
      %and3A_466 = vector.broadcast %and3A_465 : i32 to vector<16xi32>
      %and3A_467 = arith.andi %iota3A, %and3A_466 : vector<16xi32>
      %eq3A = arith.constant 0 : i32
      %eq3A_468 = vector.broadcast %eq3A : i32 to vector<16xi32>
      %eq3A_469 = arith.cmpi eq, %and3A_467, %eq3A_468 : vector<16xi32>
      %xor3A = arith.constant 8 : i32
      %xor3A_470 = vector.broadcast %xor3A : i32 to vector<16xi32>
      %xor3A_471 = arith.xori %iota3A, %xor3A_470 : vector<16xi32>
      %broadcast_in_dim3A = vector.shape_cast %xor3A_471 : vector<16xi32> to vector<16x1xi32>
      %gather3A = vector.shape_cast %broadcast_in_dim3A : vector<16x1xi32> to vector<16xi32>
      %gather3A_472 = tpu.dynamic_gather %add3A_149[%gather3A] in [0] : vector<16xf32>, vector<16xi32> -> vector<16xf32>
      %add3A_473 = arith.addf %add3A_149, %gather3A_472 : vector<16xf32>
      %xor3A_474 = arith.constant 8 : i32
      %xor3A_475 = vector.broadcast %xor3A_474 : i32 to vector<16xi32>
      %xor3A_476 = arith.xori %iota3A, %xor3A_475 : vector<16xi32>
      %broadcast_in_dim3A_477 = vector.shape_cast %xor3A_476 : vector<16xi32> to vector<16x1xi32>
      %gather3A_478 = vector.shape_cast %broadcast_in_dim3A_477 : vector<16x1xi32> to vector<16xi32>
      %gather3A_479 = tpu.dynamic_gather %add3A_170[%gather3A_478] in [0] : vector<16xf32>, vector<16xi32> -> vector<16xf32>
      %add3A_480 = arith.addf %add3A_170, %gather3A_479 : vector<16xf32>
      %select_n3A = arith.select %eq3A_469, %add3A_473, %add3A_480 : vector<16xi1>, vector<16xf32>
      %xor3A_481 = arith.constant 8 : i32
      %xor3A_482 = vector.broadcast %xor3A_481 : i32 to vector<16xi32>
      %xor3A_483 = arith.xori %iota3A, %xor3A_482 : vector<16xi32>
      %broadcast_in_dim3A_484 = vector.shape_cast %xor3A_483 : vector<16xi32> to vector<16x1xi32>
      %gather3A_485 = vector.shape_cast %broadcast_in_dim3A_484 : vector<16x1xi32> to vector<16xi32>
      %gather3A_486 = tpu.dynamic_gather %add3A_191[%gather3A_485] in [0] : vector<16xf32>, vector<16xi32> -> vector<16xf32>
      %add3A_487 = arith.addf %add3A_191, %gather3A_486 : vector<16xf32>
      %xor3A_488 = arith.constant 8 : i32
      %xor3A_489 = vector.broadcast %xor3A_488 : i32 to vector<16xi32>
      %xor3A_490 = arith.xori %iota3A, %xor3A_489 : vector<16xi32>
      %broadcast_in_dim3A_491 = vector.shape_cast %xor3A_490 : vector<16xi32> to vector<16x1xi32>
      %gather3A_492 = vector.shape_cast %broadcast_in_dim3A_491 : vector<16x1xi32> to vector<16xi32>
      %gather3A_493 = tpu.dynamic_gather %add3A_212[%gather3A_492] in [0] : vector<16xf32>, vector<16xi32> -> vector<16xf32>
      %add3A_494 = arith.addf %add3A_212, %gather3A_493 : vector<16xf32>
      %select_n3A_495 = arith.select %eq3A_469, %add3A_487, %add3A_494 : vector<16xi1>, vector<16xf32>
      %xor3A_496 = arith.constant 8 : i32
      %xor3A_497 = vector.broadcast %xor3A_496 : i32 to vector<16xi32>
      %xor3A_498 = arith.xori %iota3A, %xor3A_497 : vector<16xi32>
      %broadcast_in_dim3A_499 = vector.shape_cast %xor3A_498 : vector<16xi32> to vector<16x1xi32>
      %gather3A_500 = vector.shape_cast %broadcast_in_dim3A_499 : vector<16x1xi32> to vector<16xi32>
      %gather3A_501 = tpu.dynamic_gather %add3A_233[%gather3A_500] in [0] : vector<16xf32>, vector<16xi32> -> vector<16xf32>
      %add3A_502 = arith.addf %add3A_233, %gather3A_501 : vector<16xf32>
      %xor3A_503 = arith.constant 8 : i32
      %xor3A_504 = vector.broadcast %xor3A_503 : i32 to vector<16xi32>
      %xor3A_505 = arith.xori %iota3A, %xor3A_504 : vector<16xi32>
      %broadcast_in_dim3A_506 = vector.shape_cast %xor3A_505 : vector<16xi32> to vector<16x1xi32>
      %gather3A_507 = vector.shape_cast %broadcast_in_dim3A_506 : vector<16x1xi32> to vector<16xi32>
      %gather3A_508 = tpu.dynamic_gather %add3A_254[%gather3A_507] in [0] : vector<16xf32>, vector<16xi32> -> vector<16xf32>
      %add3A_509 = arith.addf %add3A_254, %gather3A_508 : vector<16xf32>
      %select_n3A_510 = arith.select %eq3A_469, %add3A_502, %add3A_509 : vector<16xi1>, vector<16xf32>
      %xor3A_511 = arith.constant 8 : i32
      %xor3A_512 = vector.broadcast %xor3A_511 : i32 to vector<16xi32>
      %xor3A_513 = arith.xori %iota3A, %xor3A_512 : vector<16xi32>
      %broadcast_in_dim3A_514 = vector.shape_cast %xor3A_513 : vector<16xi32> to vector<16x1xi32>
      %gather3A_515 = vector.shape_cast %broadcast_in_dim3A_514 : vector<16x1xi32> to vector<16xi32>
      %gather3A_516 = tpu.dynamic_gather %add3A_275[%gather3A_515] in [0] : vector<16xf32>, vector<16xi32> -> vector<16xf32>
      %add3A_517 = arith.addf %add3A_275, %gather3A_516 : vector<16xf32>
      %xor3A_518 = arith.constant 8 : i32
      %xor3A_519 = vector.broadcast %xor3A_518 : i32 to vector<16xi32>
      %xor3A_520 = arith.xori %iota3A, %xor3A_519 : vector<16xi32>
      %broadcast_in_dim3A_521 = vector.shape_cast %xor3A_520 : vector<16xi32> to vector<16x1xi32>
      %gather3A_522 = vector.shape_cast %broadcast_in_dim3A_521 : vector<16x1xi32> to vector<16xi32>
      %gather3A_523 = tpu.dynamic_gather %add3A_296[%gather3A_522] in [0] : vector<16xf32>, vector<16xi32> -> vector<16xf32>
      %add3A_524 = arith.addf %add3A_296, %gather3A_523 : vector<16xf32>
      %select_n3A_525 = arith.select %eq3A_469, %add3A_517, %add3A_524 : vector<16xi1>, vector<16xf32>
      %xor3A_526 = arith.constant 8 : i32
      %xor3A_527 = vector.broadcast %xor3A_526 : i32 to vector<16xi32>
      %xor3A_528 = arith.xori %iota3A, %xor3A_527 : vector<16xi32>
      %broadcast_in_dim3A_529 = vector.shape_cast %xor3A_528 : vector<16xi32> to vector<16x1xi32>
      %gather3A_530 = vector.shape_cast %broadcast_in_dim3A_529 : vector<16x1xi32> to vector<16xi32>
      %gather3A_531 = tpu.dynamic_gather %add3A_317[%gather3A_530] in [0] : vector<16xf32>, vector<16xi32> -> vector<16xf32>
      %add3A_532 = arith.addf %add3A_317, %gather3A_531 : vector<16xf32>
      %xor3A_533 = arith.constant 8 : i32
      %xor3A_534 = vector.broadcast %xor3A_533 : i32 to vector<16xi32>
      %xor3A_535 = arith.xori %iota3A, %xor3A_534 : vector<16xi32>
      %broadcast_in_dim3A_536 = vector.shape_cast %xor3A_535 : vector<16xi32> to vector<16x1xi32>
      %gather3A_537 = vector.shape_cast %broadcast_in_dim3A_536 : vector<16x1xi32> to vector<16xi32>
      %gather3A_538 = tpu.dynamic_gather %add3A_338[%gather3A_537] in [0] : vector<16xf32>, vector<16xi32> -> vector<16xf32>
      %add3A_539 = arith.addf %add3A_338, %gather3A_538 : vector<16xf32>
      %select_n3A_540 = arith.select %eq3A_469, %add3A_532, %add3A_539 : vector<16xi1>, vector<16xf32>
      %xor3A_541 = arith.constant 8 : i32
      %xor3A_542 = vector.broadcast %xor3A_541 : i32 to vector<16xi32>
      %xor3A_543 = arith.xori %iota3A, %xor3A_542 : vector<16xi32>
      %broadcast_in_dim3A_544 = vector.shape_cast %xor3A_543 : vector<16xi32> to vector<16x1xi32>
      %gather3A_545 = vector.shape_cast %broadcast_in_dim3A_544 : vector<16x1xi32> to vector<16xi32>
      %gather3A_546 = tpu.dynamic_gather %add3A_359[%gather3A_545] in [0] : vector<16xf32>, vector<16xi32> -> vector<16xf32>
      %add3A_547 = arith.addf %add3A_359, %gather3A_546 : vector<16xf32>
      %xor3A_548 = arith.constant 8 : i32
      %xor3A_549 = vector.broadcast %xor3A_548 : i32 to vector<16xi32>
      %xor3A_550 = arith.xori %iota3A, %xor3A_549 : vector<16xi32>
      %broadcast_in_dim3A_551 = vector.shape_cast %xor3A_550 : vector<16xi32> to vector<16x1xi32>
      %gather3A_552 = vector.shape_cast %broadcast_in_dim3A_551 : vector<16x1xi32> to vector<16xi32>
      %gather3A_553 = tpu.dynamic_gather %add3A_380[%gather3A_552] in [0] : vector<16xf32>, vector<16xi32> -> vector<16xf32>
      %add3A_554 = arith.addf %add3A_380, %gather3A_553 : vector<16xf32>
      %select_n3A_555 = arith.select %eq3A_469, %add3A_547, %add3A_554 : vector<16xi1>, vector<16xf32>
      %xor3A_556 = arith.constant 8 : i32
      %xor3A_557 = vector.broadcast %xor3A_556 : i32 to vector<16xi32>
      %xor3A_558 = arith.xori %iota3A, %xor3A_557 : vector<16xi32>
      %broadcast_in_dim3A_559 = vector.shape_cast %xor3A_558 : vector<16xi32> to vector<16x1xi32>
      %gather3A_560 = vector.shape_cast %broadcast_in_dim3A_559 : vector<16x1xi32> to vector<16xi32>
      %gather3A_561 = tpu.dynamic_gather %add3A_401[%gather3A_560] in [0] : vector<16xf32>, vector<16xi32> -> vector<16xf32>
      %add3A_562 = arith.addf %add3A_401, %gather3A_561 : vector<16xf32>
      %xor3A_563 = arith.constant 8 : i32
      %xor3A_564 = vector.broadcast %xor3A_563 : i32 to vector<16xi32>
      %xor3A_565 = arith.xori %iota3A, %xor3A_564 : vector<16xi32>
      %broadcast_in_dim3A_566 = vector.shape_cast %xor3A_565 : vector<16xi32> to vector<16x1xi32>
      %gather3A_567 = vector.shape_cast %broadcast_in_dim3A_566 : vector<16x1xi32> to vector<16xi32>
      %gather3A_568 = tpu.dynamic_gather %add3A_422[%gather3A_567] in [0] : vector<16xf32>, vector<16xi32> -> vector<16xf32>
      %add3A_569 = arith.addf %add3A_422, %gather3A_568 : vector<16xf32>
      %select_n3A_570 = arith.select %eq3A_469, %add3A_562, %add3A_569 : vector<16xi1>, vector<16xf32>
      %xor3A_571 = arith.constant 8 : i32
      %xor3A_572 = vector.broadcast %xor3A_571 : i32 to vector<16xi32>
      %xor3A_573 = arith.xori %iota3A, %xor3A_572 : vector<16xi32>
      %broadcast_in_dim3A_574 = vector.shape_cast %xor3A_573 : vector<16xi32> to vector<16x1xi32>
      %gather3A_575 = vector.shape_cast %broadcast_in_dim3A_574 : vector<16x1xi32> to vector<16xi32>
      %gather3A_576 = tpu.dynamic_gather %add3A_443[%gather3A_575] in [0] : vector<16xf32>, vector<16xi32> -> vector<16xf32>
      %add3A_577 = arith.addf %add3A_443, %gather3A_576 : vector<16xf32>
      %xor3A_578 = arith.constant 8 : i32
      %xor3A_579 = vector.broadcast %xor3A_578 : i32 to vector<16xi32>
      %xor3A_580 = arith.xori %iota3A, %xor3A_579 : vector<16xi32>
      %broadcast_in_dim3A_581 = vector.shape_cast %xor3A_580 : vector<16xi32> to vector<16x1xi32>
      %gather3A_582 = vector.shape_cast %broadcast_in_dim3A_581 : vector<16x1xi32> to vector<16xi32>
      %gather3A_583 = tpu.dynamic_gather %add3A_464[%gather3A_582] in [0] : vector<16xf32>, vector<16xi32> -> vector<16xf32>
      %add3A_584 = arith.addf %add3A_464, %gather3A_583 : vector<16xf32>
      %select_n3A_585 = arith.select %eq3A_469, %add3A_577, %add3A_584 : vector<16xi1>, vector<16xf32>
      %and3A_586 = arith.constant 4 : i32
      %and3A_587 = vector.broadcast %and3A_586 : i32 to vector<16xi32>
      %and3A_588 = arith.andi %iota3A, %and3A_587 : vector<16xi32>
      %eq3A_589 = arith.constant 0 : i32
      %eq3A_590 = vector.broadcast %eq3A_589 : i32 to vector<16xi32>
      %eq3A_591 = arith.cmpi eq, %and3A_588, %eq3A_590 : vector<16xi32>
      %xor3A_592 = arith.constant 4 : i32
      %xor3A_593 = vector.broadcast %xor3A_592 : i32 to vector<16xi32>
      %xor3A_594 = arith.xori %iota3A, %xor3A_593 : vector<16xi32>
      %broadcast_in_dim3A_595 = vector.shape_cast %xor3A_594 : vector<16xi32> to vector<16x1xi32>
      %gather3A_596 = vector.shape_cast %broadcast_in_dim3A_595 : vector<16x1xi32> to vector<16xi32>
      %gather3A_597 = tpu.dynamic_gather %select_n3A[%gather3A_596] in [0] : vector<16xf32>, vector<16xi32> -> vector<16xf32>
      %add3A_598 = arith.addf %select_n3A, %gather3A_597 : vector<16xf32>
      %xor3A_599 = arith.constant 4 : i32
      %xor3A_600 = vector.broadcast %xor3A_599 : i32 to vector<16xi32>
      %xor3A_601 = arith.xori %iota3A, %xor3A_600 : vector<16xi32>
      %broadcast_in_dim3A_602 = vector.shape_cast %xor3A_601 : vector<16xi32> to vector<16x1xi32>
      %gather3A_603 = vector.shape_cast %broadcast_in_dim3A_602 : vector<16x1xi32> to vector<16xi32>
      %gather3A_604 = tpu.dynamic_gather %select_n3A_495[%gather3A_603] in [0] : vector<16xf32>, vector<16xi32> -> vector<16xf32>
      %add3A_605 = arith.addf %select_n3A_495, %gather3A_604 : vector<16xf32>
      %select_n3A_606 = arith.select %eq3A_591, %add3A_598, %add3A_605 : vector<16xi1>, vector<16xf32>
      %xor3A_607 = arith.constant 4 : i32
      %xor3A_608 = vector.broadcast %xor3A_607 : i32 to vector<16xi32>
      %xor3A_609 = arith.xori %iota3A, %xor3A_608 : vector<16xi32>
      %broadcast_in_dim3A_610 = vector.shape_cast %xor3A_609 : vector<16xi32> to vector<16x1xi32>
      %gather3A_611 = vector.shape_cast %broadcast_in_dim3A_610 : vector<16x1xi32> to vector<16xi32>
      %gather3A_612 = tpu.dynamic_gather %select_n3A_510[%gather3A_611] in [0] : vector<16xf32>, vector<16xi32> -> vector<16xf32>
      %add3A_613 = arith.addf %select_n3A_510, %gather3A_612 : vector<16xf32>
      %xor3A_614 = arith.constant 4 : i32
      %xor3A_615 = vector.broadcast %xor3A_614 : i32 to vector<16xi32>
      %xor3A_616 = arith.xori %iota3A, %xor3A_615 : vector<16xi32>
      %broadcast_in_dim3A_617 = vector.shape_cast %xor3A_616 : vector<16xi32> to vector<16x1xi32>
      %gather3A_618 = vector.shape_cast %broadcast_in_dim3A_617 : vector<16x1xi32> to vector<16xi32>
      %gather3A_619 = tpu.dynamic_gather %select_n3A_525[%gather3A_618] in [0] : vector<16xf32>, vector<16xi32> -> vector<16xf32>
      %add3A_620 = arith.addf %select_n3A_525, %gather3A_619 : vector<16xf32>
      %select_n3A_621 = arith.select %eq3A_591, %add3A_613, %add3A_620 : vector<16xi1>, vector<16xf32>
      %xor3A_622 = arith.constant 4 : i32
      %xor3A_623 = vector.broadcast %xor3A_622 : i32 to vector<16xi32>
      %xor3A_624 = arith.xori %iota3A, %xor3A_623 : vector<16xi32>
      %broadcast_in_dim3A_625 = vector.shape_cast %xor3A_624 : vector<16xi32> to vector<16x1xi32>
      %gather3A_626 = vector.shape_cast %broadcast_in_dim3A_625 : vector<16x1xi32> to vector<16xi32>
      %gather3A_627 = tpu.dynamic_gather %select_n3A_540[%gather3A_626] in [0] : vector<16xf32>, vector<16xi32> -> vector<16xf32>
      %add3A_628 = arith.addf %select_n3A_540, %gather3A_627 : vector<16xf32>
      %xor3A_629 = arith.constant 4 : i32
      %xor3A_630 = vector.broadcast %xor3A_629 : i32 to vector<16xi32>
      %xor3A_631 = arith.xori %iota3A, %xor3A_630 : vector<16xi32>
      %broadcast_in_dim3A_632 = vector.shape_cast %xor3A_631 : vector<16xi32> to vector<16x1xi32>
      %gather3A_633 = vector.shape_cast %broadcast_in_dim3A_632 : vector<16x1xi32> to vector<16xi32>
      %gather3A_634 = tpu.dynamic_gather %select_n3A_555[%gather3A_633] in [0] : vector<16xf32>, vector<16xi32> -> vector<16xf32>
      %add3A_635 = arith.addf %select_n3A_555, %gather3A_634 : vector<16xf32>
      %select_n3A_636 = arith.select %eq3A_591, %add3A_628, %add3A_635 : vector<16xi1>, vector<16xf32>
      %xor3A_637 = arith.constant 4 : i32
      %xor3A_638 = vector.broadcast %xor3A_637 : i32 to vector<16xi32>
      %xor3A_639 = arith.xori %iota3A, %xor3A_638 : vector<16xi32>
      %broadcast_in_dim3A_640 = vector.shape_cast %xor3A_639 : vector<16xi32> to vector<16x1xi32>
      %gather3A_641 = vector.shape_cast %broadcast_in_dim3A_640 : vector<16x1xi32> to vector<16xi32>
      %gather3A_642 = tpu.dynamic_gather %select_n3A_570[%gather3A_641] in [0] : vector<16xf32>, vector<16xi32> -> vector<16xf32>
      %add3A_643 = arith.addf %select_n3A_570, %gather3A_642 : vector<16xf32>
      %xor3A_644 = arith.constant 4 : i32
      %xor3A_645 = vector.broadcast %xor3A_644 : i32 to vector<16xi32>
      %xor3A_646 = arith.xori %iota3A, %xor3A_645 : vector<16xi32>
      %broadcast_in_dim3A_647 = vector.shape_cast %xor3A_646 : vector<16xi32> to vector<16x1xi32>
      %gather3A_648 = vector.shape_cast %broadcast_in_dim3A_647 : vector<16x1xi32> to vector<16xi32>
      %gather3A_649 = tpu.dynamic_gather %select_n3A_585[%gather3A_648] in [0] : vector<16xf32>, vector<16xi32> -> vector<16xf32>
      %add3A_650 = arith.addf %select_n3A_585, %gather3A_649 : vector<16xf32>
      %select_n3A_651 = arith.select %eq3A_591, %add3A_643, %add3A_650 : vector<16xi1>, vector<16xf32>
      %and3A_652 = arith.constant 2 : i32
      %and3A_653 = vector.broadcast %and3A_652 : i32 to vector<16xi32>
      %and3A_654 = arith.andi %iota3A, %and3A_653 : vector<16xi32>
      %eq3A_655 = arith.constant 0 : i32
      %eq3A_656 = vector.broadcast %eq3A_655 : i32 to vector<16xi32>
      %eq3A_657 = arith.cmpi eq, %and3A_654, %eq3A_656 : vector<16xi32>
      %xor3A_658 = arith.constant 2 : i32
      %xor3A_659 = vector.broadcast %xor3A_658 : i32 to vector<16xi32>
      %xor3A_660 = arith.xori %iota3A, %xor3A_659 : vector<16xi32>
      %broadcast_in_dim3A_661 = vector.shape_cast %xor3A_660 : vector<16xi32> to vector<16x1xi32>
      %gather3A_662 = vector.shape_cast %broadcast_in_dim3A_661 : vector<16x1xi32> to vector<16xi32>
      %gather3A_663 = tpu.dynamic_gather %select_n3A_606[%gather3A_662] in [0] : vector<16xf32>, vector<16xi32> -> vector<16xf32>
      %add3A_664 = arith.addf %select_n3A_606, %gather3A_663 : vector<16xf32>
      %xor3A_665 = arith.constant 2 : i32
      %xor3A_666 = vector.broadcast %xor3A_665 : i32 to vector<16xi32>
      %xor3A_667 = arith.xori %iota3A, %xor3A_666 : vector<16xi32>
      %broadcast_in_dim3A_668 = vector.shape_cast %xor3A_667 : vector<16xi32> to vector<16x1xi32>
      %gather3A_669 = vector.shape_cast %broadcast_in_dim3A_668 : vector<16x1xi32> to vector<16xi32>
      %gather3A_670 = tpu.dynamic_gather %select_n3A_621[%gather3A_669] in [0] : vector<16xf32>, vector<16xi32> -> vector<16xf32>
      %add3A_671 = arith.addf %select_n3A_621, %gather3A_670 : vector<16xf32>
      %select_n3A_672 = arith.select %eq3A_657, %add3A_664, %add3A_671 : vector<16xi1>, vector<16xf32>
      %xor3A_673 = arith.constant 2 : i32
      %xor3A_674 = vector.broadcast %xor3A_673 : i32 to vector<16xi32>
      %xor3A_675 = arith.xori %iota3A, %xor3A_674 : vector<16xi32>
      %broadcast_in_dim3A_676 = vector.shape_cast %xor3A_675 : vector<16xi32> to vector<16x1xi32>
      %gather3A_677 = vector.shape_cast %broadcast_in_dim3A_676 : vector<16x1xi32> to vector<16xi32>
      %gather3A_678 = tpu.dynamic_gather %select_n3A_636[%gather3A_677] in [0] : vector<16xf32>, vector<16xi32> -> vector<16xf32>
      %add3A_679 = arith.addf %select_n3A_636, %gather3A_678 : vector<16xf32>
      %xor3A_680 = arith.constant 2 : i32
      %xor3A_681 = vector.broadcast %xor3A_680 : i32 to vector<16xi32>
      %xor3A_682 = arith.xori %iota3A, %xor3A_681 : vector<16xi32>
      %broadcast_in_dim3A_683 = vector.shape_cast %xor3A_682 : vector<16xi32> to vector<16x1xi32>
      %gather3A_684 = vector.shape_cast %broadcast_in_dim3A_683 : vector<16x1xi32> to vector<16xi32>
      %gather3A_685 = tpu.dynamic_gather %select_n3A_651[%gather3A_684] in [0] : vector<16xf32>, vector<16xi32> -> vector<16xf32>
      %add3A_686 = arith.addf %select_n3A_651, %gather3A_685 : vector<16xf32>
      %select_n3A_687 = arith.select %eq3A_657, %add3A_679, %add3A_686 : vector<16xi1>, vector<16xf32>
      %and3A_688 = arith.constant 1 : i32
      %and3A_689 = vector.broadcast %and3A_688 : i32 to vector<16xi32>
      %and3A_690 = arith.andi %iota3A, %and3A_689 : vector<16xi32>
      %eq3A_691 = arith.constant 0 : i32
      %eq3A_692 = vector.broadcast %eq3A_691 : i32 to vector<16xi32>
      %eq3A_693 = arith.cmpi eq, %and3A_690, %eq3A_692 : vector<16xi32>
      %xor3A_694 = arith.constant 1 : i32
      %xor3A_695 = vector.broadcast %xor3A_694 : i32 to vector<16xi32>
      %xor3A_696 = arith.xori %iota3A, %xor3A_695 : vector<16xi32>
      %broadcast_in_dim3A_697 = vector.shape_cast %xor3A_696 : vector<16xi32> to vector<16x1xi32>
      %gather3A_698 = vector.shape_cast %broadcast_in_dim3A_697 : vector<16x1xi32> to vector<16xi32>
      %gather3A_699 = tpu.dynamic_gather %select_n3A_672[%gather3A_698] in [0] : vector<16xf32>, vector<16xi32> -> vector<16xf32>
      %add3A_700 = arith.addf %select_n3A_672, %gather3A_699 : vector<16xf32>
      %xor3A_701 = arith.constant 1 : i32
      %xor3A_702 = vector.broadcast %xor3A_701 : i32 to vector<16xi32>
      %xor3A_703 = arith.xori %iota3A, %xor3A_702 : vector<16xi32>
      %broadcast_in_dim3A_704 = vector.shape_cast %xor3A_703 : vector<16xi32> to vector<16x1xi32>
      %gather3A_705 = vector.shape_cast %broadcast_in_dim3A_704 : vector<16x1xi32> to vector<16xi32>
      %gather3A_706 = tpu.dynamic_gather %select_n3A_687[%gather3A_705] in [0] : vector<16xf32>, vector<16xi32> -> vector<16xf32>
      %add3A_707 = arith.addf %select_n3A_687, %gather3A_706 : vector<16xf32>
      %select_n3A_708 = arith.select %eq3A_693, %add3A_700, %add3A_707 : vector<16xi1>, vector<16xf32>
      %broadcast_in_dim3A_709 = vector.shape_cast %or3A_79 : vector<16xi32> to vector<16x1xi32>
      %gather3A_710 = vector.shape_cast %broadcast_in_dim3A_709 : vector<16x1xi32> to vector<16xi32>
      %gather3A_711 = tpu.dynamic_gather %select_n3A_708[%gather3A_710] in [0] : vector<16xf32>, vector<16xi32> -> vector<16xf32>
      %add3A_712 = arith.constant 0 : i32
      %add3A_713 = arith.addi %add3A_712, %mul3A_129 : i32
      %get3A_714 = arith.index_cast %add3A_713 : i32 to index
      %get3A_715 = tpu.vector_load %arg13[%get3A_714] {strides = array<i32>} : memref<512xf32, #tpu.memory_space<vmem>>, vector<16xf32>,
      %get3A_716 = vector.shape_cast %get3A_715 : vector<16xf32> to vector<16xf32>
      %add3A_717 = arith.addf %gather3A_711, %get3A_716 : vector<16xf32>
      %add3A_718 = arith.constant 0 : i32
      %add3A_719 = arith.addi %add3A_718, %mul3A_129 : i32
      %get3A_720 = arith.index_cast %add3A_719 : i32 to index
      %get3A_721 = tpu.vector_load %arg14[%get3A_720] {strides = array<i32>} : memref<512xf32, #tpu.memory_space<vmem>>, vector<16xf32>,
      %get3A_722 = vector.shape_cast %get3A_721 : vector<16xf32> to vector<16xf32>
      %add3A_723 = arith.addf %add3A_717, %get3A_722 : vector<16xf32>
      %add3A_724 = arith.constant 0.714285731 : f32
      %add3A_725 = vector.broadcast %add3A_724 : f32 to vector<16xf32>
      %add3A_726 = arith.addf %add3A_723, %add3A_725 : vector<16xf32>
      %add3A_727 = arith.constant 0 : i32
      %add3A_728 = arith.addi %add3A_727, %mul3A_129 : i32
      %swap3A = arith.index_cast %add3A_728 : i32 to index
      %swap3A_729 = tpu.vector_load %arg15[%swap3A] {strides = array<i32>} : memref<512xf32, #tpu.memory_space<vmem>>, vector<16xf32>,
      %swap3A_730 = vector.shape_cast %swap3A_729 : vector<16xf32> to vector<16xf32>
      %swap3A_731 = vector.shape_cast %add3A_726 : vector<16xf32> to vector<16xf32>
      tpu.vector_store %arg15[%swap3A], %swap3A_731 {strides = array<i32>} : memref<512xf32, #tpu.memory_space<vmem>>, vector<16xf32>,
    }
    %scan3A_102 = arith.constant 16 : i32
    %scan3A_103 = arith.constant 0 : i32
    %scan3A_104 = arith.constant 0 : i32
    %scan3A_105 = arith.constant 16 : i32
    %scan3A_106 = arith.addi %scan3A_104, %scan3A_105 : i32
    %scan3A_107 = arith.constant 1 : i32
    scf.for %scan3A_127 = %scan3A_104 to %scan3A_106 step %scan3A_107  : i32 {
      %mul3A_128 = arith.constant 16 : i32
      %mul3A_129 = arith.muli %scan3A_127, %mul3A_128 : i32
      %add3A_130 = arith.constant 256 : i32
      %add3A_131 = arith.addi %add3A_130, %mul3A_129 : i32
      %get3A = arith.index_cast %add3A_131 : i32 to index
      %get3A_132 = tpu.vector_load %arg9[%get3A] {strides = array<i32>} : memref<512xi32, #tpu.memory_space<vmem>>, vector<16xi32>,
      %get3A_133 = vector.shape_cast %get3A_132 : vector<16xi32> to vector<16xi32>
      %add3A_134 = arith.constant 256 : i32
      %add3A_135 = arith.addi %add3A_134, %mul3A_129 : i32
      %get3A_136 = arith.index_cast %add3A_135 : i32 to index
      %get3A_137 = tpu.vector_load %arg10[%get3A_136] {strides = array<i32>} : memref<512xi32, #tpu.memory_space<vmem>>, vector<16xi32>,
      %get3A_138 = vector.shape_cast %get3A_137 : vector<16xi32> to vector<16xi32>
      %slice3A = vector.extract_strided_slice %get3A_133 {offsets = [0], sizes = [1], strides = [1]} : vector<16xi32> to vector<1xi32>
      %squeeze3A = vector.extract %slice3A[0] : i32 from vector<1xi32>
      %add3A_139 = arith.constant 0 : i32
      %add3A_140 = arith.addi %mul3A_129, %add3A_139 : i32
      %dma_start3A_141 = arith.constant 0 : i32
      %dma_start3A_142 = tpu.memref_slice %arg11[%add3A_140, %dma_start3A_141] : memref<256x32xf32, #tpu.memory_space<vmem>> -> memref<1x32xf32, #tpu.memory_space<vmem>>
      %dma_start3A_143 = arith.constant 0 : i32
      %dma_start3A_144 = tpu.memref_slice %arg4[%squeeze3A, %dma_start3A_143] : memref<1000000x32xf32, #tpu.memory_space<hbm>> -> memref<1x32xf32, #tpu.memory_space<hbm>>
      %dma_start3A_145 = arith.constant 0 : i32
      %dma_start3A_146 = tpu.memref_slice %arg11[%add3A_140, %dma_start3A_145] : memref<256x32xf32, #tpu.memory_space<vmem>> -> memref<1x32xf32, #tpu.memory_space<vmem>>
      %dma_start3A_147 = arith.constant 0 : i32
      %dma_start3A_148 = tpu.memref_slice %arg4[%squeeze3A, %dma_start3A_147] : memref<1000000x32xf32, #tpu.memory_space<hbm>> -> memref<1x32xf32, #tpu.memory_space<hbm>>
      tpu.enqueue_dma source(%dma_start3A_148 : memref<1x32xf32, #tpu.memory_space<hbm>>) target(%dma_start3A_146 : memref<1x32xf32, #tpu.memory_space<vmem>>) target_semaphore(%arg16 : memref<!tpu.dma_semaphore, #tpu.memory_space<semaphore_mem>>)
      %slice3A_149 = vector.extract_strided_slice %get3A_138 {offsets = [0], sizes = [1], strides = [1]} : vector<16xi32> to vector<1xi32>
      %squeeze3A_150 = vector.extract %slice3A_149[0] : i32 from vector<1xi32>
      %add3A_151 = arith.constant 0 : i32
      %add3A_152 = arith.addi %mul3A_129, %add3A_151 : i32
      %dma_start3A_153 = arith.constant 0 : i32
      %dma_start3A_154 = tpu.memref_slice %arg12[%add3A_152, %dma_start3A_153] : memref<256x32xf32, #tpu.memory_space<vmem>> -> memref<1x32xf32, #tpu.memory_space<vmem>>
      %dma_start3A_155 = arith.constant 0 : i32
      %dma_start3A_156 = tpu.memref_slice %arg5[%squeeze3A_150, %dma_start3A_155] : memref<1000000x32xf32, #tpu.memory_space<hbm>> -> memref<1x32xf32, #tpu.memory_space<hbm>>
      %dma_start3A_157 = arith.constant 0 : i32
      %dma_start3A_158 = tpu.memref_slice %arg12[%add3A_152, %dma_start3A_157] : memref<256x32xf32, #tpu.memory_space<vmem>> -> memref<1x32xf32, #tpu.memory_space<vmem>>
      %dma_start3A_159 = arith.constant 0 : i32
      %dma_start3A_160 = tpu.memref_slice %arg5[%squeeze3A_150, %dma_start3A_159] : memref<1000000x32xf32, #tpu.memory_space<hbm>> -> memref<1x32xf32, #tpu.memory_space<hbm>>
      tpu.enqueue_dma source(%dma_start3A_160 : memref<1x32xf32, #tpu.memory_space<hbm>>) target(%dma_start3A_158 : memref<1x32xf32, #tpu.memory_space<vmem>>) target_semaphore(%arg16 : memref<!tpu.dma_semaphore, #tpu.memory_space<semaphore_mem>>)
      %slice3A_161 = vector.extract_strided_slice %get3A_133 {offsets = [1], sizes = [1], strides = [1]} : vector<16xi32> to vector<1xi32>
      %squeeze3A_162 = vector.extract %slice3A_161[0] : i32 from vector<1xi32>
      %add3A_163 = arith.constant 1 : i32
      %add3A_164 = arith.addi %mul3A_129, %add3A_163 : i32
      %dma_start3A_165 = arith.constant 0 : i32
      %dma_start3A_166 = tpu.memref_slice %arg11[%add3A_164, %dma_start3A_165] : memref<256x32xf32, #tpu.memory_space<vmem>> -> memref<1x32xf32, #tpu.memory_space<vmem>>
      %dma_start3A_167 = arith.constant 0 : i32
      %dma_start3A_168 = tpu.memref_slice %arg4[%squeeze3A_162, %dma_start3A_167] : memref<1000000x32xf32, #tpu.memory_space<hbm>> -> memref<1x32xf32, #tpu.memory_space<hbm>>
      %dma_start3A_169 = arith.constant 0 : i32
      %dma_start3A_170 = tpu.memref_slice %arg11[%add3A_164, %dma_start3A_169] : memref<256x32xf32, #tpu.memory_space<vmem>> -> memref<1x32xf32, #tpu.memory_space<vmem>>
      %dma_start3A_171 = arith.constant 0 : i32
      %dma_start3A_172 = tpu.memref_slice %arg4[%squeeze3A_162, %dma_start3A_171] : memref<1000000x32xf32, #tpu.memory_space<hbm>> -> memref<1x32xf32, #tpu.memory_space<hbm>>
      tpu.enqueue_dma source(%dma_start3A_172 : memref<1x32xf32, #tpu.memory_space<hbm>>) target(%dma_start3A_170 : memref<1x32xf32, #tpu.memory_space<vmem>>) target_semaphore(%arg16 : memref<!tpu.dma_semaphore, #tpu.memory_space<semaphore_mem>>)
      %slice3A_173 = vector.extract_strided_slice %get3A_138 {offsets = [1], sizes = [1], strides = [1]} : vector<16xi32> to vector<1xi32>
      %squeeze3A_174 = vector.extract %slice3A_173[0] : i32 from vector<1xi32>
      %add3A_175 = arith.constant 1 : i32
      %add3A_176 = arith.addi %mul3A_129, %add3A_175 : i32
      %dma_start3A_177 = arith.constant 0 : i32
      %dma_start3A_178 = tpu.memref_slice %arg12[%add3A_176, %dma_start3A_177] : memref<256x32xf32, #tpu.memory_space<vmem>> -> memref<1x32xf32, #tpu.memory_space<vmem>>
      %dma_start3A_179 = arith.constant 0 : i32
      %dma_start3A_180 = tpu.memref_slice %arg5[%squeeze3A_174, %dma_start3A_179] : memref<1000000x32xf32, #tpu.memory_space<hbm>> -> memref<1x32xf32, #tpu.memory_space<hbm>>
      %dma_start3A_181 = arith.constant 0 : i32
      %dma_start3A_182 = tpu.memref_slice %arg12[%add3A_176, %dma_start3A_181] : memref<256x32xf32, #tpu.memory_space<vmem>> -> memref<1x32xf32, #tpu.memory_space<vmem>>
      %dma_start3A_183 = arith.constant 0 : i32
      %dma_start3A_184 = tpu.memref_slice %arg5[%squeeze3A_174, %dma_start3A_183] : memref<1000000x32xf32, #tpu.memory_space<hbm>> -> memref<1x32xf32, #tpu.memory_space<hbm>>
      tpu.enqueue_dma source(%dma_start3A_184 : memref<1x32xf32, #tpu.memory_space<hbm>>) target(%dma_start3A_182 : memref<1x32xf32, #tpu.memory_space<vmem>>) target_semaphore(%arg16 : memref<!tpu.dma_semaphore, #tpu.memory_space<semaphore_mem>>)
      %slice3A_185 = vector.extract_strided_slice %get3A_133 {offsets = [2], sizes = [1], strides = [1]} : vector<16xi32> to vector<1xi32>
      %squeeze3A_186 = vector.extract %slice3A_185[0] : i32 from vector<1xi32>
      %add3A_187 = arith.constant 2 : i32
      %add3A_188 = arith.addi %mul3A_129, %add3A_187 : i32
      %dma_start3A_189 = arith.constant 0 : i32
      %dma_start3A_190 = tpu.memref_slice %arg11[%add3A_188, %dma_start3A_189] : memref<256x32xf32, #tpu.memory_space<vmem>> -> memref<1x32xf32, #tpu.memory_space<vmem>>
      %dma_start3A_191 = arith.constant 0 : i32
      %dma_start3A_192 = tpu.memref_slice %arg4[%squeeze3A_186, %dma_start3A_191] : memref<1000000x32xf32, #tpu.memory_space<hbm>> -> memref<1x32xf32, #tpu.memory_space<hbm>>
      %dma_start3A_193 = arith.constant 0 : i32
      %dma_start3A_194 = tpu.memref_slice %arg11[%add3A_188, %dma_start3A_193] : memref<256x32xf32, #tpu.memory_space<vmem>> -> memref<1x32xf32, #tpu.memory_space<vmem>>
      %dma_start3A_195 = arith.constant 0 : i32
      %dma_start3A_196 = tpu.memref_slice %arg4[%squeeze3A_186, %dma_start3A_195] : memref<1000000x32xf32, #tpu.memory_space<hbm>> -> memref<1x32xf32, #tpu.memory_space<hbm>>
      tpu.enqueue_dma source(%dma_start3A_196 : memref<1x32xf32, #tpu.memory_space<hbm>>) target(%dma_start3A_194 : memref<1x32xf32, #tpu.memory_space<vmem>>) target_semaphore(%arg16 : memref<!tpu.dma_semaphore, #tpu.memory_space<semaphore_mem>>)
      %slice3A_197 = vector.extract_strided_slice %get3A_138 {offsets = [2], sizes = [1], strides = [1]} : vector<16xi32> to vector<1xi32>
      %squeeze3A_198 = vector.extract %slice3A_197[0] : i32 from vector<1xi32>
      %add3A_199 = arith.constant 2 : i32
      %add3A_200 = arith.addi %mul3A_129, %add3A_199 : i32
      %dma_start3A_201 = arith.constant 0 : i32
      %dma_start3A_202 = tpu.memref_slice %arg12[%add3A_200, %dma_start3A_201] : memref<256x32xf32, #tpu.memory_space<vmem>> -> memref<1x32xf32, #tpu.memory_space<vmem>>
      %dma_start3A_203 = arith.constant 0 : i32
      %dma_start3A_204 = tpu.memref_slice %arg5[%squeeze3A_198, %dma_start3A_203] : memref<1000000x32xf32, #tpu.memory_space<hbm>> -> memref<1x32xf32, #tpu.memory_space<hbm>>
      %dma_start3A_205 = arith.constant 0 : i32
      %dma_start3A_206 = tpu.memref_slice %arg12[%add3A_200, %dma_start3A_205] : memref<256x32xf32, #tpu.memory_space<vmem>> -> memref<1x32xf32, #tpu.memory_space<vmem>>
      %dma_start3A_207 = arith.constant 0 : i32
      %dma_start3A_208 = tpu.memref_slice %arg5[%squeeze3A_198, %dma_start3A_207] : memref<1000000x32xf32, #tpu.memory_space<hbm>> -> memref<1x32xf32, #tpu.memory_space<hbm>>
      tpu.enqueue_dma source(%dma_start3A_208 : memref<1x32xf32, #tpu.memory_space<hbm>>) target(%dma_start3A_206 : memref<1x32xf32, #tpu.memory_space<vmem>>) target_semaphore(%arg16 : memref<!tpu.dma_semaphore, #tpu.memory_space<semaphore_mem>>)
      %slice3A_209 = vector.extract_strided_slice %get3A_133 {offsets = [3], sizes = [1], strides = [1]} : vector<16xi32> to vector<1xi32>
      %squeeze3A_210 = vector.extract %slice3A_209[0] : i32 from vector<1xi32>
      %add3A_211 = arith.constant 3 : i32
      %add3A_212 = arith.addi %mul3A_129, %add3A_211 : i32
      %dma_start3A_213 = arith.constant 0 : i32
      %dma_start3A_214 = tpu.memref_slice %arg11[%add3A_212, %dma_start3A_213] : memref<256x32xf32, #tpu.memory_space<vmem>> -> memref<1x32xf32, #tpu.memory_space<vmem>>
      %dma_start3A_215 = arith.constant 0 : i32
      %dma_start3A_216 = tpu.memref_slice %arg4[%squeeze3A_210, %dma_start3A_215] : memref<1000000x32xf32, #tpu.memory_space<hbm>> -> memref<1x32xf32, #tpu.memory_space<hbm>>
      %dma_start3A_217 = arith.constant 0 : i32
      %dma_start3A_218 = tpu.memref_slice %arg11[%add3A_212, %dma_start3A_217] : memref<256x32xf32, #tpu.memory_space<vmem>> -> memref<1x32xf32, #tpu.memory_space<vmem>>
      %dma_start3A_219 = arith.constant 0 : i32
      %dma_start3A_220 = tpu.memref_slice %arg4[%squeeze3A_210, %dma_start3A_219] : memref<1000000x32xf32, #tpu.memory_space<hbm>> -> memref<1x32xf32, #tpu.memory_space<hbm>>
      tpu.enqueue_dma source(%dma_start3A_220 : memref<1x32xf32, #tpu.memory_space<hbm>>) target(%dma_start3A_218 : memref<1x32xf32, #tpu.memory_space<vmem>>) target_semaphore(%arg16 : memref<!tpu.dma_semaphore, #tpu.memory_space<semaphore_mem>>)
      %slice3A_221 = vector.extract_strided_slice %get3A_138 {offsets = [3], sizes = [1], strides = [1]} : vector<16xi32> to vector<1xi32>
      %squeeze3A_222 = vector.extract %slice3A_221[0] : i32 from vector<1xi32>
      %add3A_223 = arith.constant 3 : i32
      %add3A_224 = arith.addi %mul3A_129, %add3A_223 : i32
      %dma_start3A_225 = arith.constant 0 : i32
      %dma_start3A_226 = tpu.memref_slice %arg12[%add3A_224, %dma_start3A_225] : memref<256x32xf32, #tpu.memory_space<vmem>> -> memref<1x32xf32, #tpu.memory_space<vmem>>
      %dma_start3A_227 = arith.constant 0 : i32
      %dma_start3A_228 = tpu.memref_slice %arg5[%squeeze3A_222, %dma_start3A_227] : memref<1000000x32xf32, #tpu.memory_space<hbm>> -> memref<1x32xf32, #tpu.memory_space<hbm>>
      %dma_start3A_229 = arith.constant 0 : i32
      %dma_start3A_230 = tpu.memref_slice %arg12[%add3A_224, %dma_start3A_229] : memref<256x32xf32, #tpu.memory_space<vmem>> -> memref<1x32xf32, #tpu.memory_space<vmem>>
      %dma_start3A_231 = arith.constant 0 : i32
      %dma_start3A_232 = tpu.memref_slice %arg5[%squeeze3A_222, %dma_start3A_231] : memref<1000000x32xf32, #tpu.memory_space<hbm>> -> memref<1x32xf32, #tpu.memory_space<hbm>>
      tpu.enqueue_dma source(%dma_start3A_232 : memref<1x32xf32, #tpu.memory_space<hbm>>) target(%dma_start3A_230 : memref<1x32xf32, #tpu.memory_space<vmem>>) target_semaphore(%arg16 : memref<!tpu.dma_semaphore, #tpu.memory_space<semaphore_mem>>)
      %slice3A_233 = vector.extract_strided_slice %get3A_133 {offsets = [4], sizes = [1], strides = [1]} : vector<16xi32> to vector<1xi32>
      %squeeze3A_234 = vector.extract %slice3A_233[0] : i32 from vector<1xi32>
      %add3A_235 = arith.constant 4 : i32
      %add3A_236 = arith.addi %mul3A_129, %add3A_235 : i32
      %dma_start3A_237 = arith.constant 0 : i32
      %dma_start3A_238 = tpu.memref_slice %arg11[%add3A_236, %dma_start3A_237] : memref<256x32xf32, #tpu.memory_space<vmem>> -> memref<1x32xf32, #tpu.memory_space<vmem>>
      %dma_start3A_239 = arith.constant 0 : i32
      %dma_start3A_240 = tpu.memref_slice %arg4[%squeeze3A_234, %dma_start3A_239] : memref<1000000x32xf32, #tpu.memory_space<hbm>> -> memref<1x32xf32, #tpu.memory_space<hbm>>
      %dma_start3A_241 = arith.constant 0 : i32
      %dma_start3A_242 = tpu.memref_slice %arg11[%add3A_236, %dma_start3A_241] : memref<256x32xf32, #tpu.memory_space<vmem>> -> memref<1x32xf32, #tpu.memory_space<vmem>>
      %dma_start3A_243 = arith.constant 0 : i32
      %dma_start3A_244 = tpu.memref_slice %arg4[%squeeze3A_234, %dma_start3A_243] : memref<1000000x32xf32, #tpu.memory_space<hbm>> -> memref<1x32xf32, #tpu.memory_space<hbm>>
      tpu.enqueue_dma source(%dma_start3A_244 : memref<1x32xf32, #tpu.memory_space<hbm>>) target(%dma_start3A_242 : memref<1x32xf32, #tpu.memory_space<vmem>>) target_semaphore(%arg16 : memref<!tpu.dma_semaphore, #tpu.memory_space<semaphore_mem>>)
      %slice3A_245 = vector.extract_strided_slice %get3A_138 {offsets = [4], sizes = [1], strides = [1]} : vector<16xi32> to vector<1xi32>
      %squeeze3A_246 = vector.extract %slice3A_245[0] : i32 from vector<1xi32>
      %add3A_247 = arith.constant 4 : i32
      %add3A_248 = arith.addi %mul3A_129, %add3A_247 : i32
      %dma_start3A_249 = arith.constant 0 : i32
      %dma_start3A_250 = tpu.memref_slice %arg12[%add3A_248, %dma_start3A_249] : memref<256x32xf32, #tpu.memory_space<vmem>> -> memref<1x32xf32, #tpu.memory_space<vmem>>
      %dma_start3A_251 = arith.constant 0 : i32
      %dma_start3A_252 = tpu.memref_slice %arg5[%squeeze3A_246, %dma_start3A_251] : memref<1000000x32xf32, #tpu.memory_space<hbm>> -> memref<1x32xf32, #tpu.memory_space<hbm>>
      %dma_start3A_253 = arith.constant 0 : i32
      %dma_start3A_254 = tpu.memref_slice %arg12[%add3A_248, %dma_start3A_253] : memref<256x32xf32, #tpu.memory_space<vmem>> -> memref<1x32xf32, #tpu.memory_space<vmem>>
      %dma_start3A_255 = arith.constant 0 : i32
      %dma_start3A_256 = tpu.memref_slice %arg5[%squeeze3A_246, %dma_start3A_255] : memref<1000000x32xf32, #tpu.memory_space<hbm>> -> memref<1x32xf32, #tpu.memory_space<hbm>>
      tpu.enqueue_dma source(%dma_start3A_256 : memref<1x32xf32, #tpu.memory_space<hbm>>) target(%dma_start3A_254 : memref<1x32xf32, #tpu.memory_space<vmem>>) target_semaphore(%arg16 : memref<!tpu.dma_semaphore, #tpu.memory_space<semaphore_mem>>)
      %slice3A_257 = vector.extract_strided_slice %get3A_133 {offsets = [5], sizes = [1], strides = [1]} : vector<16xi32> to vector<1xi32>
      %squeeze3A_258 = vector.extract %slice3A_257[0] : i32 from vector<1xi32>
      %add3A_259 = arith.constant 5 : i32
      %add3A_260 = arith.addi %mul3A_129, %add3A_259 : i32
      %dma_start3A_261 = arith.constant 0 : i32
      %dma_start3A_262 = tpu.memref_slice %arg11[%add3A_260, %dma_start3A_261] : memref<256x32xf32, #tpu.memory_space<vmem>> -> memref<1x32xf32, #tpu.memory_space<vmem>>
      %dma_start3A_263 = arith.constant 0 : i32
      %dma_start3A_264 = tpu.memref_slice %arg4[%squeeze3A_258, %dma_start3A_263] : memref<1000000x32xf32, #tpu.memory_space<hbm>> -> memref<1x32xf32, #tpu.memory_space<hbm>>
      %dma_start3A_265 = arith.constant 0 : i32
      %dma_start3A_266 = tpu.memref_slice %arg11[%add3A_260, %dma_start3A_265] : memref<256x32xf32, #tpu.memory_space<vmem>> -> memref<1x32xf32, #tpu.memory_space<vmem>>
      %dma_start3A_267 = arith.constant 0 : i32
      %dma_start3A_268 = tpu.memref_slice %arg4[%squeeze3A_258, %dma_start3A_267] : memref<1000000x32xf32, #tpu.memory_space<hbm>> -> memref<1x32xf32, #tpu.memory_space<hbm>>
      tpu.enqueue_dma source(%dma_start3A_268 : memref<1x32xf32, #tpu.memory_space<hbm>>) target(%dma_start3A_266 : memref<1x32xf32, #tpu.memory_space<vmem>>) target_semaphore(%arg16 : memref<!tpu.dma_semaphore, #tpu.memory_space<semaphore_mem>>)
      %slice3A_269 = vector.extract_strided_slice %get3A_138 {offsets = [5], sizes = [1], strides = [1]} : vector<16xi32> to vector<1xi32>
      %squeeze3A_270 = vector.extract %slice3A_269[0] : i32 from vector<1xi32>
      %add3A_271 = arith.constant 5 : i32
      %add3A_272 = arith.addi %mul3A_129, %add3A_271 : i32
      %dma_start3A_273 = arith.constant 0 : i32
      %dma_start3A_274 = tpu.memref_slice %arg12[%add3A_272, %dma_start3A_273] : memref<256x32xf32, #tpu.memory_space<vmem>> -> memref<1x32xf32, #tpu.memory_space<vmem>>
      %dma_start3A_275 = arith.constant 0 : i32
      %dma_start3A_276 = tpu.memref_slice %arg5[%squeeze3A_270, %dma_start3A_275] : memref<1000000x32xf32, #tpu.memory_space<hbm>> -> memref<1x32xf32, #tpu.memory_space<hbm>>
      %dma_start3A_277 = arith.constant 0 : i32
      %dma_start3A_278 = tpu.memref_slice %arg12[%add3A_272, %dma_start3A_277] : memref<256x32xf32, #tpu.memory_space<vmem>> -> memref<1x32xf32, #tpu.memory_space<vmem>>
      %dma_start3A_279 = arith.constant 0 : i32
      %dma_start3A_280 = tpu.memref_slice %arg5[%squeeze3A_270, %dma_start3A_279] : memref<1000000x32xf32, #tpu.memory_space<hbm>> -> memref<1x32xf32, #tpu.memory_space<hbm>>
      tpu.enqueue_dma source(%dma_start3A_280 : memref<1x32xf32, #tpu.memory_space<hbm>>) target(%dma_start3A_278 : memref<1x32xf32, #tpu.memory_space<vmem>>) target_semaphore(%arg16 : memref<!tpu.dma_semaphore, #tpu.memory_space<semaphore_mem>>)
      %slice3A_281 = vector.extract_strided_slice %get3A_133 {offsets = [6], sizes = [1], strides = [1]} : vector<16xi32> to vector<1xi32>
      %squeeze3A_282 = vector.extract %slice3A_281[0] : i32 from vector<1xi32>
      %add3A_283 = arith.constant 6 : i32
      %add3A_284 = arith.addi %mul3A_129, %add3A_283 : i32
      %dma_start3A_285 = arith.constant 0 : i32
      %dma_start3A_286 = tpu.memref_slice %arg11[%add3A_284, %dma_start3A_285] : memref<256x32xf32, #tpu.memory_space<vmem>> -> memref<1x32xf32, #tpu.memory_space<vmem>>
      %dma_start3A_287 = arith.constant 0 : i32
      %dma_start3A_288 = tpu.memref_slice %arg4[%squeeze3A_282, %dma_start3A_287] : memref<1000000x32xf32, #tpu.memory_space<hbm>> -> memref<1x32xf32, #tpu.memory_space<hbm>>
      %dma_start3A_289 = arith.constant 0 : i32
      %dma_start3A_290 = tpu.memref_slice %arg11[%add3A_284, %dma_start3A_289] : memref<256x32xf32, #tpu.memory_space<vmem>> -> memref<1x32xf32, #tpu.memory_space<vmem>>
      %dma_start3A_291 = arith.constant 0 : i32
      %dma_start3A_292 = tpu.memref_slice %arg4[%squeeze3A_282, %dma_start3A_291] : memref<1000000x32xf32, #tpu.memory_space<hbm>> -> memref<1x32xf32, #tpu.memory_space<hbm>>
      tpu.enqueue_dma source(%dma_start3A_292 : memref<1x32xf32, #tpu.memory_space<hbm>>) target(%dma_start3A_290 : memref<1x32xf32, #tpu.memory_space<vmem>>) target_semaphore(%arg16 : memref<!tpu.dma_semaphore, #tpu.memory_space<semaphore_mem>>)
      %slice3A_293 = vector.extract_strided_slice %get3A_138 {offsets = [6], sizes = [1], strides = [1]} : vector<16xi32> to vector<1xi32>
      %squeeze3A_294 = vector.extract %slice3A_293[0] : i32 from vector<1xi32>
      %add3A_295 = arith.constant 6 : i32
      %add3A_296 = arith.addi %mul3A_129, %add3A_295 : i32
      %dma_start3A_297 = arith.constant 0 : i32
      %dma_start3A_298 = tpu.memref_slice %arg12[%add3A_296, %dma_start3A_297] : memref<256x32xf32, #tpu.memory_space<vmem>> -> memref<1x32xf32, #tpu.memory_space<vmem>>
      %dma_start3A_299 = arith.constant 0 : i32
      %dma_start3A_300 = tpu.memref_slice %arg5[%squeeze3A_294, %dma_start3A_299] : memref<1000000x32xf32, #tpu.memory_space<hbm>> -> memref<1x32xf32, #tpu.memory_space<hbm>>
      %dma_start3A_301 = arith.constant 0 : i32
      %dma_start3A_302 = tpu.memref_slice %arg12[%add3A_296, %dma_start3A_301] : memref<256x32xf32, #tpu.memory_space<vmem>> -> memref<1x32xf32, #tpu.memory_space<vmem>>
      %dma_start3A_303 = arith.constant 0 : i32
      %dma_start3A_304 = tpu.memref_slice %arg5[%squeeze3A_294, %dma_start3A_303] : memref<1000000x32xf32, #tpu.memory_space<hbm>> -> memref<1x32xf32, #tpu.memory_space<hbm>>
      tpu.enqueue_dma source(%dma_start3A_304 : memref<1x32xf32, #tpu.memory_space<hbm>>) target(%dma_start3A_302 : memref<1x32xf32, #tpu.memory_space<vmem>>) target_semaphore(%arg16 : memref<!tpu.dma_semaphore, #tpu.memory_space<semaphore_mem>>)
      %slice3A_305 = vector.extract_strided_slice %get3A_133 {offsets = [7], sizes = [1], strides = [1]} : vector<16xi32> to vector<1xi32>
      %squeeze3A_306 = vector.extract %slice3A_305[0] : i32 from vector<1xi32>
      %add3A_307 = arith.constant 7 : i32
      %add3A_308 = arith.addi %mul3A_129, %add3A_307 : i32
      %dma_start3A_309 = arith.constant 0 : i32
      %dma_start3A_310 = tpu.memref_slice %arg11[%add3A_308, %dma_start3A_309] : memref<256x32xf32, #tpu.memory_space<vmem>> -> memref<1x32xf32, #tpu.memory_space<vmem>>
      %dma_start3A_311 = arith.constant 0 : i32
      %dma_start3A_312 = tpu.memref_slice %arg4[%squeeze3A_306, %dma_start3A_311] : memref<1000000x32xf32, #tpu.memory_space<hbm>> -> memref<1x32xf32, #tpu.memory_space<hbm>>
      %dma_start3A_313 = arith.constant 0 : i32
      %dma_start3A_314 = tpu.memref_slice %arg11[%add3A_308, %dma_start3A_313] : memref<256x32xf32, #tpu.memory_space<vmem>> -> memref<1x32xf32, #tpu.memory_space<vmem>>
      %dma_start3A_315 = arith.constant 0 : i32
      %dma_start3A_316 = tpu.memref_slice %arg4[%squeeze3A_306, %dma_start3A_315] : memref<1000000x32xf32, #tpu.memory_space<hbm>> -> memref<1x32xf32, #tpu.memory_space<hbm>>
      tpu.enqueue_dma source(%dma_start3A_316 : memref<1x32xf32, #tpu.memory_space<hbm>>) target(%dma_start3A_314 : memref<1x32xf32, #tpu.memory_space<vmem>>) target_semaphore(%arg16 : memref<!tpu.dma_semaphore, #tpu.memory_space<semaphore_mem>>)
      %slice3A_317 = vector.extract_strided_slice %get3A_138 {offsets = [7], sizes = [1], strides = [1]} : vector<16xi32> to vector<1xi32>
      %squeeze3A_318 = vector.extract %slice3A_317[0] : i32 from vector<1xi32>
      %add3A_319 = arith.constant 7 : i32
      %add3A_320 = arith.addi %mul3A_129, %add3A_319 : i32
      %dma_start3A_321 = arith.constant 0 : i32
      %dma_start3A_322 = tpu.memref_slice %arg12[%add3A_320, %dma_start3A_321] : memref<256x32xf32, #tpu.memory_space<vmem>> -> memref<1x32xf32, #tpu.memory_space<vmem>>
      %dma_start3A_323 = arith.constant 0 : i32
      %dma_start3A_324 = tpu.memref_slice %arg5[%squeeze3A_318, %dma_start3A_323] : memref<1000000x32xf32, #tpu.memory_space<hbm>> -> memref<1x32xf32, #tpu.memory_space<hbm>>
      %dma_start3A_325 = arith.constant 0 : i32
      %dma_start3A_326 = tpu.memref_slice %arg12[%add3A_320, %dma_start3A_325] : memref<256x32xf32, #tpu.memory_space<vmem>> -> memref<1x32xf32, #tpu.memory_space<vmem>>
      %dma_start3A_327 = arith.constant 0 : i32
      %dma_start3A_328 = tpu.memref_slice %arg5[%squeeze3A_318, %dma_start3A_327] : memref<1000000x32xf32, #tpu.memory_space<hbm>> -> memref<1x32xf32, #tpu.memory_space<hbm>>
      tpu.enqueue_dma source(%dma_start3A_328 : memref<1x32xf32, #tpu.memory_space<hbm>>) target(%dma_start3A_326 : memref<1x32xf32, #tpu.memory_space<vmem>>) target_semaphore(%arg16 : memref<!tpu.dma_semaphore, #tpu.memory_space<semaphore_mem>>)
      %slice3A_329 = vector.extract_strided_slice %get3A_133 {offsets = [8], sizes = [1], strides = [1]} : vector<16xi32> to vector<1xi32>
      %squeeze3A_330 = vector.extract %slice3A_329[0] : i32 from vector<1xi32>
      %add3A_331 = arith.constant 8 : i32
      %add3A_332 = arith.addi %mul3A_129, %add3A_331 : i32
      %dma_start3A_333 = arith.constant 0 : i32
      %dma_start3A_334 = tpu.memref_slice %arg11[%add3A_332, %dma_start3A_333] : memref<256x32xf32, #tpu.memory_space<vmem>> -> memref<1x32xf32, #tpu.memory_space<vmem>>
      %dma_start3A_335 = arith.constant 0 : i32
      %dma_start3A_336 = tpu.memref_slice %arg4[%squeeze3A_330, %dma_start3A_335] : memref<1000000x32xf32, #tpu.memory_space<hbm>> -> memref<1x32xf32, #tpu.memory_space<hbm>>
      %dma_start3A_337 = arith.constant 0 : i32
      %dma_start3A_338 = tpu.memref_slice %arg11[%add3A_332, %dma_start3A_337] : memref<256x32xf32, #tpu.memory_space<vmem>> -> memref<1x32xf32, #tpu.memory_space<vmem>>
      %dma_start3A_339 = arith.constant 0 : i32
      %dma_start3A_340 = tpu.memref_slice %arg4[%squeeze3A_330, %dma_start3A_339] : memref<1000000x32xf32, #tpu.memory_space<hbm>> -> memref<1x32xf32, #tpu.memory_space<hbm>>
      tpu.enqueue_dma source(%dma_start3A_340 : memref<1x32xf32, #tpu.memory_space<hbm>>) target(%dma_start3A_338 : memref<1x32xf32, #tpu.memory_space<vmem>>) target_semaphore(%arg16 : memref<!tpu.dma_semaphore, #tpu.memory_space<semaphore_mem>>)
      %slice3A_341 = vector.extract_strided_slice %get3A_138 {offsets = [8], sizes = [1], strides = [1]} : vector<16xi32> to vector<1xi32>
      %squeeze3A_342 = vector.extract %slice3A_341[0] : i32 from vector<1xi32>
      %add3A_343 = arith.constant 8 : i32
      %add3A_344 = arith.addi %mul3A_129, %add3A_343 : i32
      %dma_start3A_345 = arith.constant 0 : i32
      %dma_start3A_346 = tpu.memref_slice %arg12[%add3A_344, %dma_start3A_345] : memref<256x32xf32, #tpu.memory_space<vmem>> -> memref<1x32xf32, #tpu.memory_space<vmem>>
      %dma_start3A_347 = arith.constant 0 : i32
      %dma_start3A_348 = tpu.memref_slice %arg5[%squeeze3A_342, %dma_start3A_347] : memref<1000000x32xf32, #tpu.memory_space<hbm>> -> memref<1x32xf32, #tpu.memory_space<hbm>>
      %dma_start3A_349 = arith.constant 0 : i32
      %dma_start3A_350 = tpu.memref_slice %arg12[%add3A_344, %dma_start3A_349] : memref<256x32xf32, #tpu.memory_space<vmem>> -> memref<1x32xf32, #tpu.memory_space<vmem>>
      %dma_start3A_351 = arith.constant 0 : i32
      %dma_start3A_352 = tpu.memref_slice %arg5[%squeeze3A_342, %dma_start3A_351] : memref<1000000x32xf32, #tpu.memory_space<hbm>> -> memref<1x32xf32, #tpu.memory_space<hbm>>
      tpu.enqueue_dma source(%dma_start3A_352 : memref<1x32xf32, #tpu.memory_space<hbm>>) target(%dma_start3A_350 : memref<1x32xf32, #tpu.memory_space<vmem>>) target_semaphore(%arg16 : memref<!tpu.dma_semaphore, #tpu.memory_space<semaphore_mem>>)
      %slice3A_353 = vector.extract_strided_slice %get3A_133 {offsets = [9], sizes = [1], strides = [1]} : vector<16xi32> to vector<1xi32>
      %squeeze3A_354 = vector.extract %slice3A_353[0] : i32 from vector<1xi32>
      %add3A_355 = arith.constant 9 : i32
      %add3A_356 = arith.addi %mul3A_129, %add3A_355 : i32
      %dma_start3A_357 = arith.constant 0 : i32
      %dma_start3A_358 = tpu.memref_slice %arg11[%add3A_356, %dma_start3A_357] : memref<256x32xf32, #tpu.memory_space<vmem>> -> memref<1x32xf32, #tpu.memory_space<vmem>>
      %dma_start3A_359 = arith.constant 0 : i32
      %dma_start3A_360 = tpu.memref_slice %arg4[%squeeze3A_354, %dma_start3A_359] : memref<1000000x32xf32, #tpu.memory_space<hbm>> -> memref<1x32xf32, #tpu.memory_space<hbm>>
      %dma_start3A_361 = arith.constant 0 : i32
      %dma_start3A_362 = tpu.memref_slice %arg11[%add3A_356, %dma_start3A_361] : memref<256x32xf32, #tpu.memory_space<vmem>> -> memref<1x32xf32, #tpu.memory_space<vmem>>
      %dma_start3A_363 = arith.constant 0 : i32
      %dma_start3A_364 = tpu.memref_slice %arg4[%squeeze3A_354, %dma_start3A_363] : memref<1000000x32xf32, #tpu.memory_space<hbm>> -> memref<1x32xf32, #tpu.memory_space<hbm>>
      tpu.enqueue_dma source(%dma_start3A_364 : memref<1x32xf32, #tpu.memory_space<hbm>>) target(%dma_start3A_362 : memref<1x32xf32, #tpu.memory_space<vmem>>) target_semaphore(%arg16 : memref<!tpu.dma_semaphore, #tpu.memory_space<semaphore_mem>>)
      %slice3A_365 = vector.extract_strided_slice %get3A_138 {offsets = [9], sizes = [1], strides = [1]} : vector<16xi32> to vector<1xi32>
      %squeeze3A_366 = vector.extract %slice3A_365[0] : i32 from vector<1xi32>
      %add3A_367 = arith.constant 9 : i32
      %add3A_368 = arith.addi %mul3A_129, %add3A_367 : i32
      %dma_start3A_369 = arith.constant 0 : i32
      %dma_start3A_370 = tpu.memref_slice %arg12[%add3A_368, %dma_start3A_369] : memref<256x32xf32, #tpu.memory_space<vmem>> -> memref<1x32xf32, #tpu.memory_space<vmem>>
      %dma_start3A_371 = arith.constant 0 : i32
      %dma_start3A_372 = tpu.memref_slice %arg5[%squeeze3A_366, %dma_start3A_371] : memref<1000000x32xf32, #tpu.memory_space<hbm>> -> memref<1x32xf32, #tpu.memory_space<hbm>>
      %dma_start3A_373 = arith.constant 0 : i32
      %dma_start3A_374 = tpu.memref_slice %arg12[%add3A_368, %dma_start3A_373] : memref<256x32xf32, #tpu.memory_space<vmem>> -> memref<1x32xf32, #tpu.memory_space<vmem>>
      %dma_start3A_375 = arith.constant 0 : i32
      %dma_start3A_376 = tpu.memref_slice %arg5[%squeeze3A_366, %dma_start3A_375] : memref<1000000x32xf32, #tpu.memory_space<hbm>> -> memref<1x32xf32, #tpu.memory_space<hbm>>
      tpu.enqueue_dma source(%dma_start3A_376 : memref<1x32xf32, #tpu.memory_space<hbm>>) target(%dma_start3A_374 : memref<1x32xf32, #tpu.memory_space<vmem>>) target_semaphore(%arg16 : memref<!tpu.dma_semaphore, #tpu.memory_space<semaphore_mem>>)
      %slice3A_377 = vector.extract_strided_slice %get3A_133 {offsets = [10], sizes = [1], strides = [1]} : vector<16xi32> to vector<1xi32>
      %squeeze3A_378 = vector.extract %slice3A_377[0] : i32 from vector<1xi32>
      %add3A_379 = arith.constant 10 : i32
      %add3A_380 = arith.addi %mul3A_129, %add3A_379 : i32
      %dma_start3A_381 = arith.constant 0 : i32
      %dma_start3A_382 = tpu.memref_slice %arg11[%add3A_380, %dma_start3A_381] : memref<256x32xf32, #tpu.memory_space<vmem>> -> memref<1x32xf32, #tpu.memory_space<vmem>>
      %dma_start3A_383 = arith.constant 0 : i32
      %dma_start3A_384 = tpu.memref_slice %arg4[%squeeze3A_378, %dma_start3A_383] : memref<1000000x32xf32, #tpu.memory_space<hbm>> -> memref<1x32xf32, #tpu.memory_space<hbm>>
      %dma_start3A_385 = arith.constant 0 : i32
      %dma_start3A_386 = tpu.memref_slice %arg11[%add3A_380, %dma_start3A_385] : memref<256x32xf32, #tpu.memory_space<vmem>> -> memref<1x32xf32, #tpu.memory_space<vmem>>
      %dma_start3A_387 = arith.constant 0 : i32
      %dma_start3A_388 = tpu.memref_slice %arg4[%squeeze3A_378, %dma_start3A_387] : memref<1000000x32xf32, #tpu.memory_space<hbm>> -> memref<1x32xf32, #tpu.memory_space<hbm>>
      tpu.enqueue_dma source(%dma_start3A_388 : memref<1x32xf32, #tpu.memory_space<hbm>>) target(%dma_start3A_386 : memref<1x32xf32, #tpu.memory_space<vmem>>) target_semaphore(%arg16 : memref<!tpu.dma_semaphore, #tpu.memory_space<semaphore_mem>>)
      %slice3A_389 = vector.extract_strided_slice %get3A_138 {offsets = [10], sizes = [1], strides = [1]} : vector<16xi32> to vector<1xi32>
      %squeeze3A_390 = vector.extract %slice3A_389[0] : i32 from vector<1xi32>
      %add3A_391 = arith.constant 10 : i32
      %add3A_392 = arith.addi %mul3A_129, %add3A_391 : i32
      %dma_start3A_393 = arith.constant 0 : i32
      %dma_start3A_394 = tpu.memref_slice %arg12[%add3A_392, %dma_start3A_393] : memref<256x32xf32, #tpu.memory_space<vmem>> -> memref<1x32xf32, #tpu.memory_space<vmem>>
      %dma_start3A_395 = arith.constant 0 : i32
      %dma_start3A_396 = tpu.memref_slice %arg5[%squeeze3A_390, %dma_start3A_395] : memref<1000000x32xf32, #tpu.memory_space<hbm>> -> memref<1x32xf32, #tpu.memory_space<hbm>>
      %dma_start3A_397 = arith.constant 0 : i32
      %dma_start3A_398 = tpu.memref_slice %arg12[%add3A_392, %dma_start3A_397] : memref<256x32xf32, #tpu.memory_space<vmem>> -> memref<1x32xf32, #tpu.memory_space<vmem>>
      %dma_start3A_399 = arith.constant 0 : i32
      %dma_start3A_400 = tpu.memref_slice %arg5[%squeeze3A_390, %dma_start3A_399] : memref<1000000x32xf32, #tpu.memory_space<hbm>> -> memref<1x32xf32, #tpu.memory_space<hbm>>
      tpu.enqueue_dma source(%dma_start3A_400 : memref<1x32xf32, #tpu.memory_space<hbm>>) target(%dma_start3A_398 : memref<1x32xf32, #tpu.memory_space<vmem>>) target_semaphore(%arg16 : memref<!tpu.dma_semaphore, #tpu.memory_space<semaphore_mem>>)
      %slice3A_401 = vector.extract_strided_slice %get3A_133 {offsets = [11], sizes = [1], strides = [1]} : vector<16xi32> to vector<1xi32>
      %squeeze3A_402 = vector.extract %slice3A_401[0] : i32 from vector<1xi32>
      %add3A_403 = arith.constant 11 : i32
      %add3A_404 = arith.addi %mul3A_129, %add3A_403 : i32
      %dma_start3A_405 = arith.constant 0 : i32
      %dma_start3A_406 = tpu.memref_slice %arg11[%add3A_404, %dma_start3A_405] : memref<256x32xf32, #tpu.memory_space<vmem>> -> memref<1x32xf32, #tpu.memory_space<vmem>>
      %dma_start3A_407 = arith.constant 0 : i32
      %dma_start3A_408 = tpu.memref_slice %arg4[%squeeze3A_402, %dma_start3A_407] : memref<1000000x32xf32, #tpu.memory_space<hbm>> -> memref<1x32xf32, #tpu.memory_space<hbm>>
      %dma_start3A_409 = arith.constant 0 : i32
      %dma_start3A_410 = tpu.memref_slice %arg11[%add3A_404, %dma_start3A_409] : memref<256x32xf32, #tpu.memory_space<vmem>> -> memref<1x32xf32, #tpu.memory_space<vmem>>
      %dma_start3A_411 = arith.constant 0 : i32
      %dma_start3A_412 = tpu.memref_slice %arg4[%squeeze3A_402, %dma_start3A_411] : memref<1000000x32xf32, #tpu.memory_space<hbm>> -> memref<1x32xf32, #tpu.memory_space<hbm>>
      tpu.enqueue_dma source(%dma_start3A_412 : memref<1x32xf32, #tpu.memory_space<hbm>>) target(%dma_start3A_410 : memref<1x32xf32, #tpu.memory_space<vmem>>) target_semaphore(%arg16 : memref<!tpu.dma_semaphore, #tpu.memory_space<semaphore_mem>>)
      %slice3A_413 = vector.extract_strided_slice %get3A_138 {offsets = [11], sizes = [1], strides = [1]} : vector<16xi32> to vector<1xi32>
      %squeeze3A_414 = vector.extract %slice3A_413[0] : i32 from vector<1xi32>
      %add3A_415 = arith.constant 11 : i32
      %add3A_416 = arith.addi %mul3A_129, %add3A_415 : i32
      %dma_start3A_417 = arith.constant 0 : i32
      %dma_start3A_418 = tpu.memref_slice %arg12[%add3A_416, %dma_start3A_417] : memref<256x32xf32, #tpu.memory_space<vmem>> -> memref<1x32xf32, #tpu.memory_space<vmem>>
      %dma_start3A_419 = arith.constant 0 : i32
      %dma_start3A_420 = tpu.memref_slice %arg5[%squeeze3A_414, %dma_start3A_419] : memref<1000000x32xf32, #tpu.memory_space<hbm>> -> memref<1x32xf32, #tpu.memory_space<hbm>>
      %dma_start3A_421 = arith.constant 0 : i32
      %dma_start3A_422 = tpu.memref_slice %arg12[%add3A_416, %dma_start3A_421] : memref<256x32xf32, #tpu.memory_space<vmem>> -> memref<1x32xf32, #tpu.memory_space<vmem>>
      %dma_start3A_423 = arith.constant 0 : i32
      %dma_start3A_424 = tpu.memref_slice %arg5[%squeeze3A_414, %dma_start3A_423] : memref<1000000x32xf32, #tpu.memory_space<hbm>> -> memref<1x32xf32, #tpu.memory_space<hbm>>
      tpu.enqueue_dma source(%dma_start3A_424 : memref<1x32xf32, #tpu.memory_space<hbm>>) target(%dma_start3A_422 : memref<1x32xf32, #tpu.memory_space<vmem>>) target_semaphore(%arg16 : memref<!tpu.dma_semaphore, #tpu.memory_space<semaphore_mem>>)
      %slice3A_425 = vector.extract_strided_slice %get3A_133 {offsets = [12], sizes = [1], strides = [1]} : vector<16xi32> to vector<1xi32>
      %squeeze3A_426 = vector.extract %slice3A_425[0] : i32 from vector<1xi32>
      %add3A_427 = arith.constant 12 : i32
      %add3A_428 = arith.addi %mul3A_129, %add3A_427 : i32
      %dma_start3A_429 = arith.constant 0 : i32
      %dma_start3A_430 = tpu.memref_slice %arg11[%add3A_428, %dma_start3A_429] : memref<256x32xf32, #tpu.memory_space<vmem>> -> memref<1x32xf32, #tpu.memory_space<vmem>>
      %dma_start3A_431 = arith.constant 0 : i32
      %dma_start3A_432 = tpu.memref_slice %arg4[%squeeze3A_426, %dma_start3A_431] : memref<1000000x32xf32, #tpu.memory_space<hbm>> -> memref<1x32xf32, #tpu.memory_space<hbm>>
      %dma_start3A_433 = arith.constant 0 : i32
      %dma_start3A_434 = tpu.memref_slice %arg11[%add3A_428, %dma_start3A_433] : memref<256x32xf32, #tpu.memory_space<vmem>> -> memref<1x32xf32, #tpu.memory_space<vmem>>
      %dma_start3A_435 = arith.constant 0 : i32
      %dma_start3A_436 = tpu.memref_slice %arg4[%squeeze3A_426, %dma_start3A_435] : memref<1000000x32xf32, #tpu.memory_space<hbm>> -> memref<1x32xf32, #tpu.memory_space<hbm>>
      tpu.enqueue_dma source(%dma_start3A_436 : memref<1x32xf32, #tpu.memory_space<hbm>>) target(%dma_start3A_434 : memref<1x32xf32, #tpu.memory_space<vmem>>) target_semaphore(%arg16 : memref<!tpu.dma_semaphore, #tpu.memory_space<semaphore_mem>>)
      %slice3A_437 = vector.extract_strided_slice %get3A_138 {offsets = [12], sizes = [1], strides = [1]} : vector<16xi32> to vector<1xi32>
      %squeeze3A_438 = vector.extract %slice3A_437[0] : i32 from vector<1xi32>
      %add3A_439 = arith.constant 12 : i32
      %add3A_440 = arith.addi %mul3A_129, %add3A_439 : i32
      %dma_start3A_441 = arith.constant 0 : i32
      %dma_start3A_442 = tpu.memref_slice %arg12[%add3A_440, %dma_start3A_441] : memref<256x32xf32, #tpu.memory_space<vmem>> -> memref<1x32xf32, #tpu.memory_space<vmem>>
      %dma_start3A_443 = arith.constant 0 : i32
      %dma_start3A_444 = tpu.memref_slice %arg5[%squeeze3A_438, %dma_start3A_443] : memref<1000000x32xf32, #tpu.memory_space<hbm>> -> memref<1x32xf32, #tpu.memory_space<hbm>>
      %dma_start3A_445 = arith.constant 0 : i32
      %dma_start3A_446 = tpu.memref_slice %arg12[%add3A_440, %dma_start3A_445] : memref<256x32xf32, #tpu.memory_space<vmem>> -> memref<1x32xf32, #tpu.memory_space<vmem>>
      %dma_start3A_447 = arith.constant 0 : i32
      %dma_start3A_448 = tpu.memref_slice %arg5[%squeeze3A_438, %dma_start3A_447] : memref<1000000x32xf32, #tpu.memory_space<hbm>> -> memref<1x32xf32, #tpu.memory_space<hbm>>
      tpu.enqueue_dma source(%dma_start3A_448 : memref<1x32xf32, #tpu.memory_space<hbm>>) target(%dma_start3A_446 : memref<1x32xf32, #tpu.memory_space<vmem>>) target_semaphore(%arg16 : memref<!tpu.dma_semaphore, #tpu.memory_space<semaphore_mem>>)
      %slice3A_449 = vector.extract_strided_slice %get3A_133 {offsets = [13], sizes = [1], strides = [1]} : vector<16xi32> to vector<1xi32>
      %squeeze3A_450 = vector.extract %slice3A_449[0] : i32 from vector<1xi32>
      %add3A_451 = arith.constant 13 : i32
      %add3A_452 = arith.addi %mul3A_129, %add3A_451 : i32
      %dma_start3A_453 = arith.constant 0 : i32
      %dma_start3A_454 = tpu.memref_slice %arg11[%add3A_452, %dma_start3A_453] : memref<256x32xf32, #tpu.memory_space<vmem>> -> memref<1x32xf32, #tpu.memory_space<vmem>>
      %dma_start3A_455 = arith.constant 0 : i32
      %dma_start3A_456 = tpu.memref_slice %arg4[%squeeze3A_450, %dma_start3A_455] : memref<1000000x32xf32, #tpu.memory_space<hbm>> -> memref<1x32xf32, #tpu.memory_space<hbm>>
      %dma_start3A_457 = arith.constant 0 : i32
      %dma_start3A_458 = tpu.memref_slice %arg11[%add3A_452, %dma_start3A_457] : memref<256x32xf32, #tpu.memory_space<vmem>> -> memref<1x32xf32, #tpu.memory_space<vmem>>
      %dma_start3A_459 = arith.constant 0 : i32
      %dma_start3A_460 = tpu.memref_slice %arg4[%squeeze3A_450, %dma_start3A_459] : memref<1000000x32xf32, #tpu.memory_space<hbm>> -> memref<1x32xf32, #tpu.memory_space<hbm>>
      tpu.enqueue_dma source(%dma_start3A_460 : memref<1x32xf32, #tpu.memory_space<hbm>>) target(%dma_start3A_458 : memref<1x32xf32, #tpu.memory_space<vmem>>) target_semaphore(%arg16 : memref<!tpu.dma_semaphore, #tpu.memory_space<semaphore_mem>>)
      %slice3A_461 = vector.extract_strided_slice %get3A_138 {offsets = [13], sizes = [1], strides = [1]} : vector<16xi32> to vector<1xi32>
      %squeeze3A_462 = vector.extract %slice3A_461[0] : i32 from vector<1xi32>
      %add3A_463 = arith.constant 13 : i32
      %add3A_464 = arith.addi %mul3A_129, %add3A_463 : i32
      %dma_start3A_465 = arith.constant 0 : i32
      %dma_start3A_466 = tpu.memref_slice %arg12[%add3A_464, %dma_start3A_465] : memref<256x32xf32, #tpu.memory_space<vmem>> -> memref<1x32xf32, #tpu.memory_space<vmem>>
      %dma_start3A_467 = arith.constant 0 : i32
      %dma_start3A_468 = tpu.memref_slice %arg5[%squeeze3A_462, %dma_start3A_467] : memref<1000000x32xf32, #tpu.memory_space<hbm>> -> memref<1x32xf32, #tpu.memory_space<hbm>>
      %dma_start3A_469 = arith.constant 0 : i32
      %dma_start3A_470 = tpu.memref_slice %arg12[%add3A_464, %dma_start3A_469] : memref<256x32xf32, #tpu.memory_space<vmem>> -> memref<1x32xf32, #tpu.memory_space<vmem>>
      %dma_start3A_471 = arith.constant 0 : i32
      %dma_start3A_472 = tpu.memref_slice %arg5[%squeeze3A_462, %dma_start3A_471] : memref<1000000x32xf32, #tpu.memory_space<hbm>> -> memref<1x32xf32, #tpu.memory_space<hbm>>
      tpu.enqueue_dma source(%dma_start3A_472 : memref<1x32xf32, #tpu.memory_space<hbm>>) target(%dma_start3A_470 : memref<1x32xf32, #tpu.memory_space<vmem>>) target_semaphore(%arg16 : memref<!tpu.dma_semaphore, #tpu.memory_space<semaphore_mem>>)
      %slice3A_473 = vector.extract_strided_slice %get3A_133 {offsets = [14], sizes = [1], strides = [1]} : vector<16xi32> to vector<1xi32>
      %squeeze3A_474 = vector.extract %slice3A_473[0] : i32 from vector<1xi32>
      %add3A_475 = arith.constant 14 : i32
      %add3A_476 = arith.addi %mul3A_129, %add3A_475 : i32
      %dma_start3A_477 = arith.constant 0 : i32
      %dma_start3A_478 = tpu.memref_slice %arg11[%add3A_476, %dma_start3A_477] : memref<256x32xf32, #tpu.memory_space<vmem>> -> memref<1x32xf32, #tpu.memory_space<vmem>>
      %dma_start3A_479 = arith.constant 0 : i32
      %dma_start3A_480 = tpu.memref_slice %arg4[%squeeze3A_474, %dma_start3A_479] : memref<1000000x32xf32, #tpu.memory_space<hbm>> -> memref<1x32xf32, #tpu.memory_space<hbm>>
      %dma_start3A_481 = arith.constant 0 : i32
      %dma_start3A_482 = tpu.memref_slice %arg11[%add3A_476, %dma_start3A_481] : memref<256x32xf32, #tpu.memory_space<vmem>> -> memref<1x32xf32, #tpu.memory_space<vmem>>
      %dma_start3A_483 = arith.constant 0 : i32
      %dma_start3A_484 = tpu.memref_slice %arg4[%squeeze3A_474, %dma_start3A_483] : memref<1000000x32xf32, #tpu.memory_space<hbm>> -> memref<1x32xf32, #tpu.memory_space<hbm>>
      tpu.enqueue_dma source(%dma_start3A_484 : memref<1x32xf32, #tpu.memory_space<hbm>>) target(%dma_start3A_482 : memref<1x32xf32, #tpu.memory_space<vmem>>) target_semaphore(%arg16 : memref<!tpu.dma_semaphore, #tpu.memory_space<semaphore_mem>>)
      %slice3A_485 = vector.extract_strided_slice %get3A_138 {offsets = [14], sizes = [1], strides = [1]} : vector<16xi32> to vector<1xi32>
      %squeeze3A_486 = vector.extract %slice3A_485[0] : i32 from vector<1xi32>
      %add3A_487 = arith.constant 14 : i32
      %add3A_488 = arith.addi %mul3A_129, %add3A_487 : i32
      %dma_start3A_489 = arith.constant 0 : i32
      %dma_start3A_490 = tpu.memref_slice %arg12[%add3A_488, %dma_start3A_489] : memref<256x32xf32, #tpu.memory_space<vmem>> -> memref<1x32xf32, #tpu.memory_space<vmem>>
      %dma_start3A_491 = arith.constant 0 : i32
      %dma_start3A_492 = tpu.memref_slice %arg5[%squeeze3A_486, %dma_start3A_491] : memref<1000000x32xf32, #tpu.memory_space<hbm>> -> memref<1x32xf32, #tpu.memory_space<hbm>>
      %dma_start3A_493 = arith.constant 0 : i32
      %dma_start3A_494 = tpu.memref_slice %arg12[%add3A_488, %dma_start3A_493] : memref<256x32xf32, #tpu.memory_space<vmem>> -> memref<1x32xf32, #tpu.memory_space<vmem>>
      %dma_start3A_495 = arith.constant 0 : i32
      %dma_start3A_496 = tpu.memref_slice %arg5[%squeeze3A_486, %dma_start3A_495] : memref<1000000x32xf32, #tpu.memory_space<hbm>> -> memref<1x32xf32, #tpu.memory_space<hbm>>
      tpu.enqueue_dma source(%dma_start3A_496 : memref<1x32xf32, #tpu.memory_space<hbm>>) target(%dma_start3A_494 : memref<1x32xf32, #tpu.memory_space<vmem>>) target_semaphore(%arg16 : memref<!tpu.dma_semaphore, #tpu.memory_space<semaphore_mem>>)
      %slice3A_497 = vector.extract_strided_slice %get3A_133 {offsets = [15], sizes = [1], strides = [1]} : vector<16xi32> to vector<1xi32>
      %squeeze3A_498 = vector.extract %slice3A_497[0] : i32 from vector<1xi32>
      %add3A_499 = arith.constant 15 : i32
      %add3A_500 = arith.addi %mul3A_129, %add3A_499 : i32
      %dma_start3A_501 = arith.constant 0 : i32
      %dma_start3A_502 = tpu.memref_slice %arg11[%add3A_500, %dma_start3A_501] : memref<256x32xf32, #tpu.memory_space<vmem>> -> memref<1x32xf32, #tpu.memory_space<vmem>>
      %dma_start3A_503 = arith.constant 0 : i32
      %dma_start3A_504 = tpu.memref_slice %arg4[%squeeze3A_498, %dma_start3A_503] : memref<1000000x32xf32, #tpu.memory_space<hbm>> -> memref<1x32xf32, #tpu.memory_space<hbm>>
      %dma_start3A_505 = arith.constant 0 : i32
      %dma_start3A_506 = tpu.memref_slice %arg11[%add3A_500, %dma_start3A_505] : memref<256x32xf32, #tpu.memory_space<vmem>> -> memref<1x32xf32, #tpu.memory_space<vmem>>
      %dma_start3A_507 = arith.constant 0 : i32
      %dma_start3A_508 = tpu.memref_slice %arg4[%squeeze3A_498, %dma_start3A_507] : memref<1000000x32xf32, #tpu.memory_space<hbm>> -> memref<1x32xf32, #tpu.memory_space<hbm>>
      tpu.enqueue_dma source(%dma_start3A_508 : memref<1x32xf32, #tpu.memory_space<hbm>>) target(%dma_start3A_506 : memref<1x32xf32, #tpu.memory_space<vmem>>) target_semaphore(%arg16 : memref<!tpu.dma_semaphore, #tpu.memory_space<semaphore_mem>>)
      %slice3A_509 = vector.extract_strided_slice %get3A_138 {offsets = [15], sizes = [1], strides = [1]} : vector<16xi32> to vector<1xi32>
      %squeeze3A_510 = vector.extract %slice3A_509[0] : i32 from vector<1xi32>
      %add3A_511 = arith.constant 15 : i32
      %add3A_512 = arith.addi %mul3A_129, %add3A_511 : i32
      %dma_start3A_513 = arith.constant 0 : i32
      %dma_start3A_514 = tpu.memref_slice %arg12[%add3A_512, %dma_start3A_513] : memref<256x32xf32, #tpu.memory_space<vmem>> -> memref<1x32xf32, #tpu.memory_space<vmem>>
      %dma_start3A_515 = arith.constant 0 : i32
      %dma_start3A_516 = tpu.memref_slice %arg5[%squeeze3A_510, %dma_start3A_515] : memref<1000000x32xf32, #tpu.memory_space<hbm>> -> memref<1x32xf32, #tpu.memory_space<hbm>>
      %dma_start3A_517 = arith.constant 0 : i32
      %dma_start3A_518 = tpu.memref_slice %arg12[%add3A_512, %dma_start3A_517] : memref<256x32xf32, #tpu.memory_space<vmem>> -> memref<1x32xf32, #tpu.memory_space<vmem>>
      %dma_start3A_519 = arith.constant 0 : i32
      %dma_start3A_520 = tpu.memref_slice %arg5[%squeeze3A_510, %dma_start3A_519] : memref<1000000x32xf32, #tpu.memory_space<hbm>> -> memref<1x32xf32, #tpu.memory_space<hbm>>
      tpu.enqueue_dma source(%dma_start3A_520 : memref<1x32xf32, #tpu.memory_space<hbm>>) target(%dma_start3A_518 : memref<1x32xf32, #tpu.memory_space<vmem>>) target_semaphore(%arg16 : memref<!tpu.dma_semaphore, #tpu.memory_space<semaphore_mem>>)
    }
    %scan3A_108 = arith.constant 16 : i32
    %dma_wait3A_109 = arith.constant 0 : i32
    %dma_wait3A_110 = arith.constant 0 : i32
    %dma_wait3A_111 = tpu.memref_slice %arg4[%dma_wait3A_109, %dma_wait3A_110] : memref<1000000x32xf32, #tpu.memory_space<hbm>> -> memref<256x32xf32, #tpu.memory_space<hbm>>
    %dma_wait3A_112 = arith.constant 0 : i32
    %dma_wait3A_113 = arith.constant 0 : i32
    %dma_wait3A_114 = tpu.memref_slice %arg4[%dma_wait3A_112, %dma_wait3A_113] : memref<1000000x32xf32, #tpu.memory_space<hbm>> -> memref<256x32xf32, #tpu.memory_space<hbm>>
    tpu.wait_dma2 semaphore(%arg16 : memref<!tpu.dma_semaphore, #tpu.memory_space<semaphore_mem>>) src(%dma_wait3A_114 : memref<256x32xf32, #tpu.memory_space<hbm>>) dst(%arg11 : memref<256x32xf32, #tpu.memory_space<vmem>>)
    %dma_wait3A_115 = arith.constant 0 : i32
    %dma_wait3A_116 = arith.constant 0 : i32
    %dma_wait3A_117 = tpu.memref_slice %arg5[%dma_wait3A_115, %dma_wait3A_116] : memref<1000000x32xf32, #tpu.memory_space<hbm>> -> memref<256x32xf32, #tpu.memory_space<hbm>>
    %dma_wait3A_118 = arith.constant 0 : i32
    %dma_wait3A_119 = arith.constant 0 : i32
    %dma_wait3A_120 = tpu.memref_slice %arg5[%dma_wait3A_118, %dma_wait3A_119] : memref<1000000x32xf32, #tpu.memory_space<hbm>> -> memref<256x32xf32, #tpu.memory_space<hbm>>
    tpu.wait_dma2 semaphore(%arg16 : memref<!tpu.dma_semaphore, #tpu.memory_space<semaphore_mem>>) src(%dma_wait3A_120 : memref<256x32xf32, #tpu.memory_space<hbm>>) dst(%arg12 : memref<256x32xf32, #tpu.memory_space<vmem>>)
    %scan3A_121 = arith.constant 0 : i32
    %scan3A_122 = arith.constant 0 : i32
    %scan3A_123 = arith.constant 16 : i32
    %scan3A_124 = arith.addi %scan3A_122, %scan3A_123 : i32
    %scan3A_125 = arith.constant 1 : i32
    scf.for %scan3A_127 = %scan3A_122 to %scan3A_124 step %scan3A_125  : i32 {
      %mul3A_128 = arith.constant 16 : i32
      %mul3A_129 = arith.muli %scan3A_127, %mul3A_128 : i32
      %add3A_130 = arith.constant 0 : i32
      %add3A_131 = arith.addi %mul3A_129, %add3A_130 : i32
      %get3A = arith.index_cast %add3A_131 : i32 to index
      %get3A_132 = arith.constant 0 : index
      %get3A_133 = tpu.vector_load %arg11[%get3A, %get3A_132] {strides = array<i32>} : memref<256x32xf32, #tpu.memory_space<vmem>>, vector<1x16xf32>,
      %get3A_134 = vector.shape_cast %get3A_133 : vector<1x16xf32> to vector<16xf32>
      %get3A_135 = arith.index_cast %add3A_131 : i32 to index
      %get3A_136 = arith.constant 0 : index
      %get3A_137 = tpu.vector_load %arg12[%get3A_135, %get3A_136] {strides = array<i32>} : memref<256x32xf32, #tpu.memory_space<vmem>>, vector<1x16xf32>,
      %get3A_138 = vector.shape_cast %get3A_137 : vector<1x16xf32> to vector<16xf32>
      %mul3A_139 = arith.mulf %get3A_134, %get3A_138 : vector<16xf32>
      %get3A_140 = arith.index_cast %add3A_131 : i32 to index
      %get3A_141 = arith.constant 16 : index
      %get3A_142 = tpu.vector_load %arg11[%get3A_140, %get3A_141] {strides = array<i32>} : memref<256x32xf32, #tpu.memory_space<vmem>>, vector<1x16xf32>,
      %get3A_143 = vector.shape_cast %get3A_142 : vector<1x16xf32> to vector<16xf32>
      %get3A_144 = arith.index_cast %add3A_131 : i32 to index
      %get3A_145 = arith.constant 16 : index
      %get3A_146 = tpu.vector_load %arg12[%get3A_144, %get3A_145] {strides = array<i32>} : memref<256x32xf32, #tpu.memory_space<vmem>>, vector<1x16xf32>,
      %get3A_147 = vector.shape_cast %get3A_146 : vector<1x16xf32> to vector<16xf32>
      %mul3A_148 = arith.mulf %get3A_143, %get3A_147 : vector<16xf32>
      %add3A_149 = arith.addf %mul3A_139, %mul3A_148 : vector<16xf32>
      %add3A_150 = arith.constant 1 : i32
      %add3A_151 = arith.addi %mul3A_129, %add3A_150 : i32
      %get3A_152 = arith.index_cast %add3A_151 : i32 to index
      %get3A_153 = arith.constant 0 : index
      %get3A_154 = tpu.vector_load %arg11[%get3A_152, %get3A_153] {strides = array<i32>} : memref<256x32xf32, #tpu.memory_space<vmem>>, vector<1x16xf32>,
      %get3A_155 = vector.shape_cast %get3A_154 : vector<1x16xf32> to vector<16xf32>
      %get3A_156 = arith.index_cast %add3A_151 : i32 to index
      %get3A_157 = arith.constant 0 : index
      %get3A_158 = tpu.vector_load %arg12[%get3A_156, %get3A_157] {strides = array<i32>} : memref<256x32xf32, #tpu.memory_space<vmem>>, vector<1x16xf32>,
      %get3A_159 = vector.shape_cast %get3A_158 : vector<1x16xf32> to vector<16xf32>
      %mul3A_160 = arith.mulf %get3A_155, %get3A_159 : vector<16xf32>
      %get3A_161 = arith.index_cast %add3A_151 : i32 to index
      %get3A_162 = arith.constant 16 : index
      %get3A_163 = tpu.vector_load %arg11[%get3A_161, %get3A_162] {strides = array<i32>} : memref<256x32xf32, #tpu.memory_space<vmem>>, vector<1x16xf32>,
      %get3A_164 = vector.shape_cast %get3A_163 : vector<1x16xf32> to vector<16xf32>
      %get3A_165 = arith.index_cast %add3A_151 : i32 to index
      %get3A_166 = arith.constant 16 : index
      %get3A_167 = tpu.vector_load %arg12[%get3A_165, %get3A_166] {strides = array<i32>} : memref<256x32xf32, #tpu.memory_space<vmem>>, vector<1x16xf32>,
      %get3A_168 = vector.shape_cast %get3A_167 : vector<1x16xf32> to vector<16xf32>
      %mul3A_169 = arith.mulf %get3A_164, %get3A_168 : vector<16xf32>
      %add3A_170 = arith.addf %mul3A_160, %mul3A_169 : vector<16xf32>
      %add3A_171 = arith.constant 2 : i32
      %add3A_172 = arith.addi %mul3A_129, %add3A_171 : i32
      %get3A_173 = arith.index_cast %add3A_172 : i32 to index
      %get3A_174 = arith.constant 0 : index
      %get3A_175 = tpu.vector_load %arg11[%get3A_173, %get3A_174] {strides = array<i32>} : memref<256x32xf32, #tpu.memory_space<vmem>>, vector<1x16xf32>,
      %get3A_176 = vector.shape_cast %get3A_175 : vector<1x16xf32> to vector<16xf32>
      %get3A_177 = arith.index_cast %add3A_172 : i32 to index
      %get3A_178 = arith.constant 0 : index
      %get3A_179 = tpu.vector_load %arg12[%get3A_177, %get3A_178] {strides = array<i32>} : memref<256x32xf32, #tpu.memory_space<vmem>>, vector<1x16xf32>,
      %get3A_180 = vector.shape_cast %get3A_179 : vector<1x16xf32> to vector<16xf32>
      %mul3A_181 = arith.mulf %get3A_176, %get3A_180 : vector<16xf32>
      %get3A_182 = arith.index_cast %add3A_172 : i32 to index
      %get3A_183 = arith.constant 16 : index
      %get3A_184 = tpu.vector_load %arg11[%get3A_182, %get3A_183] {strides = array<i32>} : memref<256x32xf32, #tpu.memory_space<vmem>>, vector<1x16xf32>,
      %get3A_185 = vector.shape_cast %get3A_184 : vector<1x16xf32> to vector<16xf32>
      %get3A_186 = arith.index_cast %add3A_172 : i32 to index
      %get3A_187 = arith.constant 16 : index
      %get3A_188 = tpu.vector_load %arg12[%get3A_186, %get3A_187] {strides = array<i32>} : memref<256x32xf32, #tpu.memory_space<vmem>>, vector<1x16xf32>,
      %get3A_189 = vector.shape_cast %get3A_188 : vector<1x16xf32> to vector<16xf32>
      %mul3A_190 = arith.mulf %get3A_185, %get3A_189 : vector<16xf32>
      %add3A_191 = arith.addf %mul3A_181, %mul3A_190 : vector<16xf32>
      %add3A_192 = arith.constant 3 : i32
      %add3A_193 = arith.addi %mul3A_129, %add3A_192 : i32
      %get3A_194 = arith.index_cast %add3A_193 : i32 to index
      %get3A_195 = arith.constant 0 : index
      %get3A_196 = tpu.vector_load %arg11[%get3A_194, %get3A_195] {strides = array<i32>} : memref<256x32xf32, #tpu.memory_space<vmem>>, vector<1x16xf32>,
      %get3A_197 = vector.shape_cast %get3A_196 : vector<1x16xf32> to vector<16xf32>
      %get3A_198 = arith.index_cast %add3A_193 : i32 to index
      %get3A_199 = arith.constant 0 : index
      %get3A_200 = tpu.vector_load %arg12[%get3A_198, %get3A_199] {strides = array<i32>} : memref<256x32xf32, #tpu.memory_space<vmem>>, vector<1x16xf32>,
      %get3A_201 = vector.shape_cast %get3A_200 : vector<1x16xf32> to vector<16xf32>
      %mul3A_202 = arith.mulf %get3A_197, %get3A_201 : vector<16xf32>
      %get3A_203 = arith.index_cast %add3A_193 : i32 to index
      %get3A_204 = arith.constant 16 : index
      %get3A_205 = tpu.vector_load %arg11[%get3A_203, %get3A_204] {strides = array<i32>} : memref<256x32xf32, #tpu.memory_space<vmem>>, vector<1x16xf32>,
      %get3A_206 = vector.shape_cast %get3A_205 : vector<1x16xf32> to vector<16xf32>
      %get3A_207 = arith.index_cast %add3A_193 : i32 to index
      %get3A_208 = arith.constant 16 : index
      %get3A_209 = tpu.vector_load %arg12[%get3A_207, %get3A_208] {strides = array<i32>} : memref<256x32xf32, #tpu.memory_space<vmem>>, vector<1x16xf32>,
      %get3A_210 = vector.shape_cast %get3A_209 : vector<1x16xf32> to vector<16xf32>
      %mul3A_211 = arith.mulf %get3A_206, %get3A_210 : vector<16xf32>
      %add3A_212 = arith.addf %mul3A_202, %mul3A_211 : vector<16xf32>
      %add3A_213 = arith.constant 4 : i32
      %add3A_214 = arith.addi %mul3A_129, %add3A_213 : i32
      %get3A_215 = arith.index_cast %add3A_214 : i32 to index
      %get3A_216 = arith.constant 0 : index
      %get3A_217 = tpu.vector_load %arg11[%get3A_215, %get3A_216] {strides = array<i32>} : memref<256x32xf32, #tpu.memory_space<vmem>>, vector<1x16xf32>,
      %get3A_218 = vector.shape_cast %get3A_217 : vector<1x16xf32> to vector<16xf32>
      %get3A_219 = arith.index_cast %add3A_214 : i32 to index
      %get3A_220 = arith.constant 0 : index
      %get3A_221 = tpu.vector_load %arg12[%get3A_219, %get3A_220] {strides = array<i32>} : memref<256x32xf32, #tpu.memory_space<vmem>>, vector<1x16xf32>,
      %get3A_222 = vector.shape_cast %get3A_221 : vector<1x16xf32> to vector<16xf32>
      %mul3A_223 = arith.mulf %get3A_218, %get3A_222 : vector<16xf32>
      %get3A_224 = arith.index_cast %add3A_214 : i32 to index
      %get3A_225 = arith.constant 16 : index
      %get3A_226 = tpu.vector_load %arg11[%get3A_224, %get3A_225] {strides = array<i32>} : memref<256x32xf32, #tpu.memory_space<vmem>>, vector<1x16xf32>,
      %get3A_227 = vector.shape_cast %get3A_226 : vector<1x16xf32> to vector<16xf32>
      %get3A_228 = arith.index_cast %add3A_214 : i32 to index
      %get3A_229 = arith.constant 16 : index
      %get3A_230 = tpu.vector_load %arg12[%get3A_228, %get3A_229] {strides = array<i32>} : memref<256x32xf32, #tpu.memory_space<vmem>>, vector<1x16xf32>,
      %get3A_231 = vector.shape_cast %get3A_230 : vector<1x16xf32> to vector<16xf32>
      %mul3A_232 = arith.mulf %get3A_227, %get3A_231 : vector<16xf32>
      %add3A_233 = arith.addf %mul3A_223, %mul3A_232 : vector<16xf32>
      %add3A_234 = arith.constant 5 : i32
      %add3A_235 = arith.addi %mul3A_129, %add3A_234 : i32
      %get3A_236 = arith.index_cast %add3A_235 : i32 to index
      %get3A_237 = arith.constant 0 : index
      %get3A_238 = tpu.vector_load %arg11[%get3A_236, %get3A_237] {strides = array<i32>} : memref<256x32xf32, #tpu.memory_space<vmem>>, vector<1x16xf32>,
      %get3A_239 = vector.shape_cast %get3A_238 : vector<1x16xf32> to vector<16xf32>
      %get3A_240 = arith.index_cast %add3A_235 : i32 to index
      %get3A_241 = arith.constant 0 : index
      %get3A_242 = tpu.vector_load %arg12[%get3A_240, %get3A_241] {strides = array<i32>} : memref<256x32xf32, #tpu.memory_space<vmem>>, vector<1x16xf32>,
      %get3A_243 = vector.shape_cast %get3A_242 : vector<1x16xf32> to vector<16xf32>
      %mul3A_244 = arith.mulf %get3A_239, %get3A_243 : vector<16xf32>
      %get3A_245 = arith.index_cast %add3A_235 : i32 to index
      %get3A_246 = arith.constant 16 : index
      %get3A_247 = tpu.vector_load %arg11[%get3A_245, %get3A_246] {strides = array<i32>} : memref<256x32xf32, #tpu.memory_space<vmem>>, vector<1x16xf32>,
      %get3A_248 = vector.shape_cast %get3A_247 : vector<1x16xf32> to vector<16xf32>
      %get3A_249 = arith.index_cast %add3A_235 : i32 to index
      %get3A_250 = arith.constant 16 : index
      %get3A_251 = tpu.vector_load %arg12[%get3A_249, %get3A_250] {strides = array<i32>} : memref<256x32xf32, #tpu.memory_space<vmem>>, vector<1x16xf32>,
      %get3A_252 = vector.shape_cast %get3A_251 : vector<1x16xf32> to vector<16xf32>
      %mul3A_253 = arith.mulf %get3A_248, %get3A_252 : vector<16xf32>
      %add3A_254 = arith.addf %mul3A_244, %mul3A_253 : vector<16xf32>
      %add3A_255 = arith.constant 6 : i32
      %add3A_256 = arith.addi %mul3A_129, %add3A_255 : i32
      %get3A_257 = arith.index_cast %add3A_256 : i32 to index
      %get3A_258 = arith.constant 0 : index
      %get3A_259 = tpu.vector_load %arg11[%get3A_257, %get3A_258] {strides = array<i32>} : memref<256x32xf32, #tpu.memory_space<vmem>>, vector<1x16xf32>,
      %get3A_260 = vector.shape_cast %get3A_259 : vector<1x16xf32> to vector<16xf32>
      %get3A_261 = arith.index_cast %add3A_256 : i32 to index
      %get3A_262 = arith.constant 0 : index
      %get3A_263 = tpu.vector_load %arg12[%get3A_261, %get3A_262] {strides = array<i32>} : memref<256x32xf32, #tpu.memory_space<vmem>>, vector<1x16xf32>,
      %get3A_264 = vector.shape_cast %get3A_263 : vector<1x16xf32> to vector<16xf32>
      %mul3A_265 = arith.mulf %get3A_260, %get3A_264 : vector<16xf32>
      %get3A_266 = arith.index_cast %add3A_256 : i32 to index
      %get3A_267 = arith.constant 16 : index
      %get3A_268 = tpu.vector_load %arg11[%get3A_266, %get3A_267] {strides = array<i32>} : memref<256x32xf32, #tpu.memory_space<vmem>>, vector<1x16xf32>,
      %get3A_269 = vector.shape_cast %get3A_268 : vector<1x16xf32> to vector<16xf32>
      %get3A_270 = arith.index_cast %add3A_256 : i32 to index
      %get3A_271 = arith.constant 16 : index
      %get3A_272 = tpu.vector_load %arg12[%get3A_270, %get3A_271] {strides = array<i32>} : memref<256x32xf32, #tpu.memory_space<vmem>>, vector<1x16xf32>,
      %get3A_273 = vector.shape_cast %get3A_272 : vector<1x16xf32> to vector<16xf32>
      %mul3A_274 = arith.mulf %get3A_269, %get3A_273 : vector<16xf32>
      %add3A_275 = arith.addf %mul3A_265, %mul3A_274 : vector<16xf32>
      %add3A_276 = arith.constant 7 : i32
      %add3A_277 = arith.addi %mul3A_129, %add3A_276 : i32
      %get3A_278 = arith.index_cast %add3A_277 : i32 to index
      %get3A_279 = arith.constant 0 : index
      %get3A_280 = tpu.vector_load %arg11[%get3A_278, %get3A_279] {strides = array<i32>} : memref<256x32xf32, #tpu.memory_space<vmem>>, vector<1x16xf32>,
      %get3A_281 = vector.shape_cast %get3A_280 : vector<1x16xf32> to vector<16xf32>
      %get3A_282 = arith.index_cast %add3A_277 : i32 to index
      %get3A_283 = arith.constant 0 : index
      %get3A_284 = tpu.vector_load %arg12[%get3A_282, %get3A_283] {strides = array<i32>} : memref<256x32xf32, #tpu.memory_space<vmem>>, vector<1x16xf32>,
      %get3A_285 = vector.shape_cast %get3A_284 : vector<1x16xf32> to vector<16xf32>
      %mul3A_286 = arith.mulf %get3A_281, %get3A_285 : vector<16xf32>
      %get3A_287 = arith.index_cast %add3A_277 : i32 to index
      %get3A_288 = arith.constant 16 : index
      %get3A_289 = tpu.vector_load %arg11[%get3A_287, %get3A_288] {strides = array<i32>} : memref<256x32xf32, #tpu.memory_space<vmem>>, vector<1x16xf32>,
      %get3A_290 = vector.shape_cast %get3A_289 : vector<1x16xf32> to vector<16xf32>
      %get3A_291 = arith.index_cast %add3A_277 : i32 to index
      %get3A_292 = arith.constant 16 : index
      %get3A_293 = tpu.vector_load %arg12[%get3A_291, %get3A_292] {strides = array<i32>} : memref<256x32xf32, #tpu.memory_space<vmem>>, vector<1x16xf32>,
      %get3A_294 = vector.shape_cast %get3A_293 : vector<1x16xf32> to vector<16xf32>
      %mul3A_295 = arith.mulf %get3A_290, %get3A_294 : vector<16xf32>
      %add3A_296 = arith.addf %mul3A_286, %mul3A_295 : vector<16xf32>
      %add3A_297 = arith.constant 8 : i32
      %add3A_298 = arith.addi %mul3A_129, %add3A_297 : i32
      %get3A_299 = arith.index_cast %add3A_298 : i32 to index
      %get3A_300 = arith.constant 0 : index
      %get3A_301 = tpu.vector_load %arg11[%get3A_299, %get3A_300] {strides = array<i32>} : memref<256x32xf32, #tpu.memory_space<vmem>>, vector<1x16xf32>,
      %get3A_302 = vector.shape_cast %get3A_301 : vector<1x16xf32> to vector<16xf32>
      %get3A_303 = arith.index_cast %add3A_298 : i32 to index
      %get3A_304 = arith.constant 0 : index
      %get3A_305 = tpu.vector_load %arg12[%get3A_303, %get3A_304] {strides = array<i32>} : memref<256x32xf32, #tpu.memory_space<vmem>>, vector<1x16xf32>,
      %get3A_306 = vector.shape_cast %get3A_305 : vector<1x16xf32> to vector<16xf32>
      %mul3A_307 = arith.mulf %get3A_302, %get3A_306 : vector<16xf32>
      %get3A_308 = arith.index_cast %add3A_298 : i32 to index
      %get3A_309 = arith.constant 16 : index
      %get3A_310 = tpu.vector_load %arg11[%get3A_308, %get3A_309] {strides = array<i32>} : memref<256x32xf32, #tpu.memory_space<vmem>>, vector<1x16xf32>,
      %get3A_311 = vector.shape_cast %get3A_310 : vector<1x16xf32> to vector<16xf32>
      %get3A_312 = arith.index_cast %add3A_298 : i32 to index
      %get3A_313 = arith.constant 16 : index
      %get3A_314 = tpu.vector_load %arg12[%get3A_312, %get3A_313] {strides = array<i32>} : memref<256x32xf32, #tpu.memory_space<vmem>>, vector<1x16xf32>,
      %get3A_315 = vector.shape_cast %get3A_314 : vector<1x16xf32> to vector<16xf32>
      %mul3A_316 = arith.mulf %get3A_311, %get3A_315 : vector<16xf32>
      %add3A_317 = arith.addf %mul3A_307, %mul3A_316 : vector<16xf32>
      %add3A_318 = arith.constant 9 : i32
      %add3A_319 = arith.addi %mul3A_129, %add3A_318 : i32
      %get3A_320 = arith.index_cast %add3A_319 : i32 to index
      %get3A_321 = arith.constant 0 : index
      %get3A_322 = tpu.vector_load %arg11[%get3A_320, %get3A_321] {strides = array<i32>} : memref<256x32xf32, #tpu.memory_space<vmem>>, vector<1x16xf32>,
      %get3A_323 = vector.shape_cast %get3A_322 : vector<1x16xf32> to vector<16xf32>
      %get3A_324 = arith.index_cast %add3A_319 : i32 to index
      %get3A_325 = arith.constant 0 : index
      %get3A_326 = tpu.vector_load %arg12[%get3A_324, %get3A_325] {strides = array<i32>} : memref<256x32xf32, #tpu.memory_space<vmem>>, vector<1x16xf32>,
      %get3A_327 = vector.shape_cast %get3A_326 : vector<1x16xf32> to vector<16xf32>
      %mul3A_328 = arith.mulf %get3A_323, %get3A_327 : vector<16xf32>
      %get3A_329 = arith.index_cast %add3A_319 : i32 to index
      %get3A_330 = arith.constant 16 : index
      %get3A_331 = tpu.vector_load %arg11[%get3A_329, %get3A_330] {strides = array<i32>} : memref<256x32xf32, #tpu.memory_space<vmem>>, vector<1x16xf32>,
      %get3A_332 = vector.shape_cast %get3A_331 : vector<1x16xf32> to vector<16xf32>
      %get3A_333 = arith.index_cast %add3A_319 : i32 to index
      %get3A_334 = arith.constant 16 : index
      %get3A_335 = tpu.vector_load %arg12[%get3A_333, %get3A_334] {strides = array<i32>} : memref<256x32xf32, #tpu.memory_space<vmem>>, vector<1x16xf32>,
      %get3A_336 = vector.shape_cast %get3A_335 : vector<1x16xf32> to vector<16xf32>
      %mul3A_337 = arith.mulf %get3A_332, %get3A_336 : vector<16xf32>
      %add3A_338 = arith.addf %mul3A_328, %mul3A_337 : vector<16xf32>
      %add3A_339 = arith.constant 10 : i32
      %add3A_340 = arith.addi %mul3A_129, %add3A_339 : i32
      %get3A_341 = arith.index_cast %add3A_340 : i32 to index
      %get3A_342 = arith.constant 0 : index
      %get3A_343 = tpu.vector_load %arg11[%get3A_341, %get3A_342] {strides = array<i32>} : memref<256x32xf32, #tpu.memory_space<vmem>>, vector<1x16xf32>,
      %get3A_344 = vector.shape_cast %get3A_343 : vector<1x16xf32> to vector<16xf32>
      %get3A_345 = arith.index_cast %add3A_340 : i32 to index
      %get3A_346 = arith.constant 0 : index
      %get3A_347 = tpu.vector_load %arg12[%get3A_345, %get3A_346] {strides = array<i32>} : memref<256x32xf32, #tpu.memory_space<vmem>>, vector<1x16xf32>,
      %get3A_348 = vector.shape_cast %get3A_347 : vector<1x16xf32> to vector<16xf32>
      %mul3A_349 = arith.mulf %get3A_344, %get3A_348 : vector<16xf32>
      %get3A_350 = arith.index_cast %add3A_340 : i32 to index
      %get3A_351 = arith.constant 16 : index
      %get3A_352 = tpu.vector_load %arg11[%get3A_350, %get3A_351] {strides = array<i32>} : memref<256x32xf32, #tpu.memory_space<vmem>>, vector<1x16xf32>,
      %get3A_353 = vector.shape_cast %get3A_352 : vector<1x16xf32> to vector<16xf32>
      %get3A_354 = arith.index_cast %add3A_340 : i32 to index
      %get3A_355 = arith.constant 16 : index
      %get3A_356 = tpu.vector_load %arg12[%get3A_354, %get3A_355] {strides = array<i32>} : memref<256x32xf32, #tpu.memory_space<vmem>>, vector<1x16xf32>,
      %get3A_357 = vector.shape_cast %get3A_356 : vector<1x16xf32> to vector<16xf32>
      %mul3A_358 = arith.mulf %get3A_353, %get3A_357 : vector<16xf32>
      %add3A_359 = arith.addf %mul3A_349, %mul3A_358 : vector<16xf32>
      %add3A_360 = arith.constant 11 : i32
      %add3A_361 = arith.addi %mul3A_129, %add3A_360 : i32
      %get3A_362 = arith.index_cast %add3A_361 : i32 to index
      %get3A_363 = arith.constant 0 : index
      %get3A_364 = tpu.vector_load %arg11[%get3A_362, %get3A_363] {strides = array<i32>} : memref<256x32xf32, #tpu.memory_space<vmem>>, vector<1x16xf32>,
      %get3A_365 = vector.shape_cast %get3A_364 : vector<1x16xf32> to vector<16xf32>
      %get3A_366 = arith.index_cast %add3A_361 : i32 to index
      %get3A_367 = arith.constant 0 : index
      %get3A_368 = tpu.vector_load %arg12[%get3A_366, %get3A_367] {strides = array<i32>} : memref<256x32xf32, #tpu.memory_space<vmem>>, vector<1x16xf32>,
      %get3A_369 = vector.shape_cast %get3A_368 : vector<1x16xf32> to vector<16xf32>
      %mul3A_370 = arith.mulf %get3A_365, %get3A_369 : vector<16xf32>
      %get3A_371 = arith.index_cast %add3A_361 : i32 to index
      %get3A_372 = arith.constant 16 : index
      %get3A_373 = tpu.vector_load %arg11[%get3A_371, %get3A_372] {strides = array<i32>} : memref<256x32xf32, #tpu.memory_space<vmem>>, vector<1x16xf32>,
      %get3A_374 = vector.shape_cast %get3A_373 : vector<1x16xf32> to vector<16xf32>
      %get3A_375 = arith.index_cast %add3A_361 : i32 to index
      %get3A_376 = arith.constant 16 : index
      %get3A_377 = tpu.vector_load %arg12[%get3A_375, %get3A_376] {strides = array<i32>} : memref<256x32xf32, #tpu.memory_space<vmem>>, vector<1x16xf32>,
      %get3A_378 = vector.shape_cast %get3A_377 : vector<1x16xf32> to vector<16xf32>
      %mul3A_379 = arith.mulf %get3A_374, %get3A_378 : vector<16xf32>
      %add3A_380 = arith.addf %mul3A_370, %mul3A_379 : vector<16xf32>
      %add3A_381 = arith.constant 12 : i32
      %add3A_382 = arith.addi %mul3A_129, %add3A_381 : i32
      %get3A_383 = arith.index_cast %add3A_382 : i32 to index
      %get3A_384 = arith.constant 0 : index
      %get3A_385 = tpu.vector_load %arg11[%get3A_383, %get3A_384] {strides = array<i32>} : memref<256x32xf32, #tpu.memory_space<vmem>>, vector<1x16xf32>,
      %get3A_386 = vector.shape_cast %get3A_385 : vector<1x16xf32> to vector<16xf32>
      %get3A_387 = arith.index_cast %add3A_382 : i32 to index
      %get3A_388 = arith.constant 0 : index
      %get3A_389 = tpu.vector_load %arg12[%get3A_387, %get3A_388] {strides = array<i32>} : memref<256x32xf32, #tpu.memory_space<vmem>>, vector<1x16xf32>,
      %get3A_390 = vector.shape_cast %get3A_389 : vector<1x16xf32> to vector<16xf32>
      %mul3A_391 = arith.mulf %get3A_386, %get3A_390 : vector<16xf32>
      %get3A_392 = arith.index_cast %add3A_382 : i32 to index
      %get3A_393 = arith.constant 16 : index
      %get3A_394 = tpu.vector_load %arg11[%get3A_392, %get3A_393] {strides = array<i32>} : memref<256x32xf32, #tpu.memory_space<vmem>>, vector<1x16xf32>,
      %get3A_395 = vector.shape_cast %get3A_394 : vector<1x16xf32> to vector<16xf32>
      %get3A_396 = arith.index_cast %add3A_382 : i32 to index
      %get3A_397 = arith.constant 16 : index
      %get3A_398 = tpu.vector_load %arg12[%get3A_396, %get3A_397] {strides = array<i32>} : memref<256x32xf32, #tpu.memory_space<vmem>>, vector<1x16xf32>,
      %get3A_399 = vector.shape_cast %get3A_398 : vector<1x16xf32> to vector<16xf32>
      %mul3A_400 = arith.mulf %get3A_395, %get3A_399 : vector<16xf32>
      %add3A_401 = arith.addf %mul3A_391, %mul3A_400 : vector<16xf32>
      %add3A_402 = arith.constant 13 : i32
      %add3A_403 = arith.addi %mul3A_129, %add3A_402 : i32
      %get3A_404 = arith.index_cast %add3A_403 : i32 to index
      %get3A_405 = arith.constant 0 : index
      %get3A_406 = tpu.vector_load %arg11[%get3A_404, %get3A_405] {strides = array<i32>} : memref<256x32xf32, #tpu.memory_space<vmem>>, vector<1x16xf32>,
      %get3A_407 = vector.shape_cast %get3A_406 : vector<1x16xf32> to vector<16xf32>
      %get3A_408 = arith.index_cast %add3A_403 : i32 to index
      %get3A_409 = arith.constant 0 : index
      %get3A_410 = tpu.vector_load %arg12[%get3A_408, %get3A_409] {strides = array<i32>} : memref<256x32xf32, #tpu.memory_space<vmem>>, vector<1x16xf32>,
      %get3A_411 = vector.shape_cast %get3A_410 : vector<1x16xf32> to vector<16xf32>
      %mul3A_412 = arith.mulf %get3A_407, %get3A_411 : vector<16xf32>
      %get3A_413 = arith.index_cast %add3A_403 : i32 to index
      %get3A_414 = arith.constant 16 : index
      %get3A_415 = tpu.vector_load %arg11[%get3A_413, %get3A_414] {strides = array<i32>} : memref<256x32xf32, #tpu.memory_space<vmem>>, vector<1x16xf32>,
      %get3A_416 = vector.shape_cast %get3A_415 : vector<1x16xf32> to vector<16xf32>
      %get3A_417 = arith.index_cast %add3A_403 : i32 to index
      %get3A_418 = arith.constant 16 : index
      %get3A_419 = tpu.vector_load %arg12[%get3A_417, %get3A_418] {strides = array<i32>} : memref<256x32xf32, #tpu.memory_space<vmem>>, vector<1x16xf32>,
      %get3A_420 = vector.shape_cast %get3A_419 : vector<1x16xf32> to vector<16xf32>
      %mul3A_421 = arith.mulf %get3A_416, %get3A_420 : vector<16xf32>
      %add3A_422 = arith.addf %mul3A_412, %mul3A_421 : vector<16xf32>
      %add3A_423 = arith.constant 14 : i32
      %add3A_424 = arith.addi %mul3A_129, %add3A_423 : i32
      %get3A_425 = arith.index_cast %add3A_424 : i32 to index
      %get3A_426 = arith.constant 0 : index
      %get3A_427 = tpu.vector_load %arg11[%get3A_425, %get3A_426] {strides = array<i32>} : memref<256x32xf32, #tpu.memory_space<vmem>>, vector<1x16xf32>,
      %get3A_428 = vector.shape_cast %get3A_427 : vector<1x16xf32> to vector<16xf32>
      %get3A_429 = arith.index_cast %add3A_424 : i32 to index
      %get3A_430 = arith.constant 0 : index
      %get3A_431 = tpu.vector_load %arg12[%get3A_429, %get3A_430] {strides = array<i32>} : memref<256x32xf32, #tpu.memory_space<vmem>>, vector<1x16xf32>,
      %get3A_432 = vector.shape_cast %get3A_431 : vector<1x16xf32> to vector<16xf32>
      %mul3A_433 = arith.mulf %get3A_428, %get3A_432 : vector<16xf32>
      %get3A_434 = arith.index_cast %add3A_424 : i32 to index
      %get3A_435 = arith.constant 16 : index
      %get3A_436 = tpu.vector_load %arg11[%get3A_434, %get3A_435] {strides = array<i32>} : memref<256x32xf32, #tpu.memory_space<vmem>>, vector<1x16xf32>,
      %get3A_437 = vector.shape_cast %get3A_436 : vector<1x16xf32> to vector<16xf32>
      %get3A_438 = arith.index_cast %add3A_424 : i32 to index
      %get3A_439 = arith.constant 16 : index
      %get3A_440 = tpu.vector_load %arg12[%get3A_438, %get3A_439] {strides = array<i32>} : memref<256x32xf32, #tpu.memory_space<vmem>>, vector<1x16xf32>,
      %get3A_441 = vector.shape_cast %get3A_440 : vector<1x16xf32> to vector<16xf32>
      %mul3A_442 = arith.mulf %get3A_437, %get3A_441 : vector<16xf32>
      %add3A_443 = arith.addf %mul3A_433, %mul3A_442 : vector<16xf32>
      %add3A_444 = arith.constant 15 : i32
      %add3A_445 = arith.addi %mul3A_129, %add3A_444 : i32
      %get3A_446 = arith.index_cast %add3A_445 : i32 to index
      %get3A_447 = arith.constant 0 : index
      %get3A_448 = tpu.vector_load %arg11[%get3A_446, %get3A_447] {strides = array<i32>} : memref<256x32xf32, #tpu.memory_space<vmem>>, vector<1x16xf32>,
      %get3A_449 = vector.shape_cast %get3A_448 : vector<1x16xf32> to vector<16xf32>
      %get3A_450 = arith.index_cast %add3A_445 : i32 to index
      %get3A_451 = arith.constant 0 : index
      %get3A_452 = tpu.vector_load %arg12[%get3A_450, %get3A_451] {strides = array<i32>} : memref<256x32xf32, #tpu.memory_space<vmem>>, vector<1x16xf32>,
      %get3A_453 = vector.shape_cast %get3A_452 : vector<1x16xf32> to vector<16xf32>
      %mul3A_454 = arith.mulf %get3A_449, %get3A_453 : vector<16xf32>
      %get3A_455 = arith.index_cast %add3A_445 : i32 to index
      %get3A_456 = arith.constant 16 : index
      %get3A_457 = tpu.vector_load %arg11[%get3A_455, %get3A_456] {strides = array<i32>} : memref<256x32xf32, #tpu.memory_space<vmem>>, vector<1x16xf32>,
      %get3A_458 = vector.shape_cast %get3A_457 : vector<1x16xf32> to vector<16xf32>
      %get3A_459 = arith.index_cast %add3A_445 : i32 to index
      %get3A_460 = arith.constant 16 : index
      %get3A_461 = tpu.vector_load %arg12[%get3A_459, %get3A_460] {strides = array<i32>} : memref<256x32xf32, #tpu.memory_space<vmem>>, vector<1x16xf32>,
      %get3A_462 = vector.shape_cast %get3A_461 : vector<1x16xf32> to vector<16xf32>
      %mul3A_463 = arith.mulf %get3A_458, %get3A_462 : vector<16xf32>
      %add3A_464 = arith.addf %mul3A_454, %mul3A_463 : vector<16xf32>
      %and3A_465 = arith.constant 8 : i32
      %and3A_466 = vector.broadcast %and3A_465 : i32 to vector<16xi32>
      %and3A_467 = arith.andi %iota3A, %and3A_466 : vector<16xi32>
      %eq3A = arith.constant 0 : i32
      %eq3A_468 = vector.broadcast %eq3A : i32 to vector<16xi32>
      %eq3A_469 = arith.cmpi eq, %and3A_467, %eq3A_468 : vector<16xi32>
      %xor3A = arith.constant 8 : i32
      %xor3A_470 = vector.broadcast %xor3A : i32 to vector<16xi32>
      %xor3A_471 = arith.xori %iota3A, %xor3A_470 : vector<16xi32>
      %broadcast_in_dim3A = vector.shape_cast %xor3A_471 : vector<16xi32> to vector<16x1xi32>
      %gather3A = vector.shape_cast %broadcast_in_dim3A : vector<16x1xi32> to vector<16xi32>
      %gather3A_472 = tpu.dynamic_gather %add3A_149[%gather3A] in [0] : vector<16xf32>, vector<16xi32> -> vector<16xf32>
      %add3A_473 = arith.addf %add3A_149, %gather3A_472 : vector<16xf32>
      %xor3A_474 = arith.constant 8 : i32
      %xor3A_475 = vector.broadcast %xor3A_474 : i32 to vector<16xi32>
      %xor3A_476 = arith.xori %iota3A, %xor3A_475 : vector<16xi32>
      %broadcast_in_dim3A_477 = vector.shape_cast %xor3A_476 : vector<16xi32> to vector<16x1xi32>
      %gather3A_478 = vector.shape_cast %broadcast_in_dim3A_477 : vector<16x1xi32> to vector<16xi32>
      %gather3A_479 = tpu.dynamic_gather %add3A_170[%gather3A_478] in [0] : vector<16xf32>, vector<16xi32> -> vector<16xf32>
      %add3A_480 = arith.addf %add3A_170, %gather3A_479 : vector<16xf32>
      %select_n3A = arith.select %eq3A_469, %add3A_473, %add3A_480 : vector<16xi1>, vector<16xf32>
      %xor3A_481 = arith.constant 8 : i32
      %xor3A_482 = vector.broadcast %xor3A_481 : i32 to vector<16xi32>
      %xor3A_483 = arith.xori %iota3A, %xor3A_482 : vector<16xi32>
      %broadcast_in_dim3A_484 = vector.shape_cast %xor3A_483 : vector<16xi32> to vector<16x1xi32>
      %gather3A_485 = vector.shape_cast %broadcast_in_dim3A_484 : vector<16x1xi32> to vector<16xi32>
      %gather3A_486 = tpu.dynamic_gather %add3A_191[%gather3A_485] in [0] : vector<16xf32>, vector<16xi32> -> vector<16xf32>
      %add3A_487 = arith.addf %add3A_191, %gather3A_486 : vector<16xf32>
      %xor3A_488 = arith.constant 8 : i32
      %xor3A_489 = vector.broadcast %xor3A_488 : i32 to vector<16xi32>
      %xor3A_490 = arith.xori %iota3A, %xor3A_489 : vector<16xi32>
      %broadcast_in_dim3A_491 = vector.shape_cast %xor3A_490 : vector<16xi32> to vector<16x1xi32>
      %gather3A_492 = vector.shape_cast %broadcast_in_dim3A_491 : vector<16x1xi32> to vector<16xi32>
      %gather3A_493 = tpu.dynamic_gather %add3A_212[%gather3A_492] in [0] : vector<16xf32>, vector<16xi32> -> vector<16xf32>
      %add3A_494 = arith.addf %add3A_212, %gather3A_493 : vector<16xf32>
      %select_n3A_495 = arith.select %eq3A_469, %add3A_487, %add3A_494 : vector<16xi1>, vector<16xf32>
      %xor3A_496 = arith.constant 8 : i32
      %xor3A_497 = vector.broadcast %xor3A_496 : i32 to vector<16xi32>
      %xor3A_498 = arith.xori %iota3A, %xor3A_497 : vector<16xi32>
      %broadcast_in_dim3A_499 = vector.shape_cast %xor3A_498 : vector<16xi32> to vector<16x1xi32>
      %gather3A_500 = vector.shape_cast %broadcast_in_dim3A_499 : vector<16x1xi32> to vector<16xi32>
      %gather3A_501 = tpu.dynamic_gather %add3A_233[%gather3A_500] in [0] : vector<16xf32>, vector<16xi32> -> vector<16xf32>
      %add3A_502 = arith.addf %add3A_233, %gather3A_501 : vector<16xf32>
      %xor3A_503 = arith.constant 8 : i32
      %xor3A_504 = vector.broadcast %xor3A_503 : i32 to vector<16xi32>
      %xor3A_505 = arith.xori %iota3A, %xor3A_504 : vector<16xi32>
      %broadcast_in_dim3A_506 = vector.shape_cast %xor3A_505 : vector<16xi32> to vector<16x1xi32>
      %gather3A_507 = vector.shape_cast %broadcast_in_dim3A_506 : vector<16x1xi32> to vector<16xi32>
      %gather3A_508 = tpu.dynamic_gather %add3A_254[%gather3A_507] in [0] : vector<16xf32>, vector<16xi32> -> vector<16xf32>
      %add3A_509 = arith.addf %add3A_254, %gather3A_508 : vector<16xf32>
      %select_n3A_510 = arith.select %eq3A_469, %add3A_502, %add3A_509 : vector<16xi1>, vector<16xf32>
      %xor3A_511 = arith.constant 8 : i32
      %xor3A_512 = vector.broadcast %xor3A_511 : i32 to vector<16xi32>
      %xor3A_513 = arith.xori %iota3A, %xor3A_512 : vector<16xi32>
      %broadcast_in_dim3A_514 = vector.shape_cast %xor3A_513 : vector<16xi32> to vector<16x1xi32>
      %gather3A_515 = vector.shape_cast %broadcast_in_dim3A_514 : vector<16x1xi32> to vector<16xi32>
      %gather3A_516 = tpu.dynamic_gather %add3A_275[%gather3A_515] in [0] : vector<16xf32>, vector<16xi32> -> vector<16xf32>
      %add3A_517 = arith.addf %add3A_275, %gather3A_516 : vector<16xf32>
      %xor3A_518 = arith.constant 8 : i32
      %xor3A_519 = vector.broadcast %xor3A_518 : i32 to vector<16xi32>
      %xor3A_520 = arith.xori %iota3A, %xor3A_519 : vector<16xi32>
      %broadcast_in_dim3A_521 = vector.shape_cast %xor3A_520 : vector<16xi32> to vector<16x1xi32>
      %gather3A_522 = vector.shape_cast %broadcast_in_dim3A_521 : vector<16x1xi32> to vector<16xi32>
      %gather3A_523 = tpu.dynamic_gather %add3A_296[%gather3A_522] in [0] : vector<16xf32>, vector<16xi32> -> vector<16xf32>
      %add3A_524 = arith.addf %add3A_296, %gather3A_523 : vector<16xf32>
      %select_n3A_525 = arith.select %eq3A_469, %add3A_517, %add3A_524 : vector<16xi1>, vector<16xf32>
      %xor3A_526 = arith.constant 8 : i32
      %xor3A_527 = vector.broadcast %xor3A_526 : i32 to vector<16xi32>
      %xor3A_528 = arith.xori %iota3A, %xor3A_527 : vector<16xi32>
      %broadcast_in_dim3A_529 = vector.shape_cast %xor3A_528 : vector<16xi32> to vector<16x1xi32>
      %gather3A_530 = vector.shape_cast %broadcast_in_dim3A_529 : vector<16x1xi32> to vector<16xi32>
      %gather3A_531 = tpu.dynamic_gather %add3A_317[%gather3A_530] in [0] : vector<16xf32>, vector<16xi32> -> vector<16xf32>
      %add3A_532 = arith.addf %add3A_317, %gather3A_531 : vector<16xf32>
      %xor3A_533 = arith.constant 8 : i32
      %xor3A_534 = vector.broadcast %xor3A_533 : i32 to vector<16xi32>
      %xor3A_535 = arith.xori %iota3A, %xor3A_534 : vector<16xi32>
      %broadcast_in_dim3A_536 = vector.shape_cast %xor3A_535 : vector<16xi32> to vector<16x1xi32>
      %gather3A_537 = vector.shape_cast %broadcast_in_dim3A_536 : vector<16x1xi32> to vector<16xi32>
      %gather3A_538 = tpu.dynamic_gather %add3A_338[%gather3A_537] in [0] : vector<16xf32>, vector<16xi32> -> vector<16xf32>
      %add3A_539 = arith.addf %add3A_338, %gather3A_538 : vector<16xf32>
      %select_n3A_540 = arith.select %eq3A_469, %add3A_532, %add3A_539 : vector<16xi1>, vector<16xf32>
      %xor3A_541 = arith.constant 8 : i32
      %xor3A_542 = vector.broadcast %xor3A_541 : i32 to vector<16xi32>
      %xor3A_543 = arith.xori %iota3A, %xor3A_542 : vector<16xi32>
      %broadcast_in_dim3A_544 = vector.shape_cast %xor3A_543 : vector<16xi32> to vector<16x1xi32>
      %gather3A_545 = vector.shape_cast %broadcast_in_dim3A_544 : vector<16x1xi32> to vector<16xi32>
      %gather3A_546 = tpu.dynamic_gather %add3A_359[%gather3A_545] in [0] : vector<16xf32>, vector<16xi32> -> vector<16xf32>
      %add3A_547 = arith.addf %add3A_359, %gather3A_546 : vector<16xf32>
      %xor3A_548 = arith.constant 8 : i32
      %xor3A_549 = vector.broadcast %xor3A_548 : i32 to vector<16xi32>
      %xor3A_550 = arith.xori %iota3A, %xor3A_549 : vector<16xi32>
      %broadcast_in_dim3A_551 = vector.shape_cast %xor3A_550 : vector<16xi32> to vector<16x1xi32>
      %gather3A_552 = vector.shape_cast %broadcast_in_dim3A_551 : vector<16x1xi32> to vector<16xi32>
      %gather3A_553 = tpu.dynamic_gather %add3A_380[%gather3A_552] in [0] : vector<16xf32>, vector<16xi32> -> vector<16xf32>
      %add3A_554 = arith.addf %add3A_380, %gather3A_553 : vector<16xf32>
      %select_n3A_555 = arith.select %eq3A_469, %add3A_547, %add3A_554 : vector<16xi1>, vector<16xf32>
      %xor3A_556 = arith.constant 8 : i32
      %xor3A_557 = vector.broadcast %xor3A_556 : i32 to vector<16xi32>
      %xor3A_558 = arith.xori %iota3A, %xor3A_557 : vector<16xi32>
      %broadcast_in_dim3A_559 = vector.shape_cast %xor3A_558 : vector<16xi32> to vector<16x1xi32>
      %gather3A_560 = vector.shape_cast %broadcast_in_dim3A_559 : vector<16x1xi32> to vector<16xi32>
      %gather3A_561 = tpu.dynamic_gather %add3A_401[%gather3A_560] in [0] : vector<16xf32>, vector<16xi32> -> vector<16xf32>
      %add3A_562 = arith.addf %add3A_401, %gather3A_561 : vector<16xf32>
      %xor3A_563 = arith.constant 8 : i32
      %xor3A_564 = vector.broadcast %xor3A_563 : i32 to vector<16xi32>
      %xor3A_565 = arith.xori %iota3A, %xor3A_564 : vector<16xi32>
      %broadcast_in_dim3A_566 = vector.shape_cast %xor3A_565 : vector<16xi32> to vector<16x1xi32>
      %gather3A_567 = vector.shape_cast %broadcast_in_dim3A_566 : vector<16x1xi32> to vector<16xi32>
      %gather3A_568 = tpu.dynamic_gather %add3A_422[%gather3A_567] in [0] : vector<16xf32>, vector<16xi32> -> vector<16xf32>
      %add3A_569 = arith.addf %add3A_422, %gather3A_568 : vector<16xf32>
      %select_n3A_570 = arith.select %eq3A_469, %add3A_562, %add3A_569 : vector<16xi1>, vector<16xf32>
      %xor3A_571 = arith.constant 8 : i32
      %xor3A_572 = vector.broadcast %xor3A_571 : i32 to vector<16xi32>
      %xor3A_573 = arith.xori %iota3A, %xor3A_572 : vector<16xi32>
      %broadcast_in_dim3A_574 = vector.shape_cast %xor3A_573 : vector<16xi32> to vector<16x1xi32>
      %gather3A_575 = vector.shape_cast %broadcast_in_dim3A_574 : vector<16x1xi32> to vector<16xi32>
      %gather3A_576 = tpu.dynamic_gather %add3A_443[%gather3A_575] in [0] : vector<16xf32>, vector<16xi32> -> vector<16xf32>
      %add3A_577 = arith.addf %add3A_443, %gather3A_576 : vector<16xf32>
      %xor3A_578 = arith.constant 8 : i32
      %xor3A_579 = vector.broadcast %xor3A_578 : i32 to vector<16xi32>
      %xor3A_580 = arith.xori %iota3A, %xor3A_579 : vector<16xi32>
      %broadcast_in_dim3A_581 = vector.shape_cast %xor3A_580 : vector<16xi32> to vector<16x1xi32>
      %gather3A_582 = vector.shape_cast %broadcast_in_dim3A_581 : vector<16x1xi32> to vector<16xi32>
      %gather3A_583 = tpu.dynamic_gather %add3A_464[%gather3A_582] in [0] : vector<16xf32>, vector<16xi32> -> vector<16xf32>
      %add3A_584 = arith.addf %add3A_464, %gather3A_583 : vector<16xf32>
      %select_n3A_585 = arith.select %eq3A_469, %add3A_577, %add3A_584 : vector<16xi1>, vector<16xf32>
      %and3A_586 = arith.constant 4 : i32
      %and3A_587 = vector.broadcast %and3A_586 : i32 to vector<16xi32>
      %and3A_588 = arith.andi %iota3A, %and3A_587 : vector<16xi32>
      %eq3A_589 = arith.constant 0 : i32
      %eq3A_590 = vector.broadcast %eq3A_589 : i32 to vector<16xi32>
      %eq3A_591 = arith.cmpi eq, %and3A_588, %eq3A_590 : vector<16xi32>
      %xor3A_592 = arith.constant 4 : i32
      %xor3A_593 = vector.broadcast %xor3A_592 : i32 to vector<16xi32>
      %xor3A_594 = arith.xori %iota3A, %xor3A_593 : vector<16xi32>
      %broadcast_in_dim3A_595 = vector.shape_cast %xor3A_594 : vector<16xi32> to vector<16x1xi32>
      %gather3A_596 = vector.shape_cast %broadcast_in_dim3A_595 : vector<16x1xi32> to vector<16xi32>
      %gather3A_597 = tpu.dynamic_gather %select_n3A[%gather3A_596] in [0] : vector<16xf32>, vector<16xi32> -> vector<16xf32>
      %add3A_598 = arith.addf %select_n3A, %gather3A_597 : vector<16xf32>
      %xor3A_599 = arith.constant 4 : i32
      %xor3A_600 = vector.broadcast %xor3A_599 : i32 to vector<16xi32>
      %xor3A_601 = arith.xori %iota3A, %xor3A_600 : vector<16xi32>
      %broadcast_in_dim3A_602 = vector.shape_cast %xor3A_601 : vector<16xi32> to vector<16x1xi32>
      %gather3A_603 = vector.shape_cast %broadcast_in_dim3A_602 : vector<16x1xi32> to vector<16xi32>
      %gather3A_604 = tpu.dynamic_gather %select_n3A_495[%gather3A_603] in [0] : vector<16xf32>, vector<16xi32> -> vector<16xf32>
      %add3A_605 = arith.addf %select_n3A_495, %gather3A_604 : vector<16xf32>
      %select_n3A_606 = arith.select %eq3A_591, %add3A_598, %add3A_605 : vector<16xi1>, vector<16xf32>
      %xor3A_607 = arith.constant 4 : i32
      %xor3A_608 = vector.broadcast %xor3A_607 : i32 to vector<16xi32>
      %xor3A_609 = arith.xori %iota3A, %xor3A_608 : vector<16xi32>
      %broadcast_in_dim3A_610 = vector.shape_cast %xor3A_609 : vector<16xi32> to vector<16x1xi32>
      %gather3A_611 = vector.shape_cast %broadcast_in_dim3A_610 : vector<16x1xi32> to vector<16xi32>
      %gather3A_612 = tpu.dynamic_gather %select_n3A_510[%gather3A_611] in [0] : vector<16xf32>, vector<16xi32> -> vector<16xf32>
      %add3A_613 = arith.addf %select_n3A_510, %gather3A_612 : vector<16xf32>
      %xor3A_614 = arith.constant 4 : i32
      %xor3A_615 = vector.broadcast %xor3A_614 : i32 to vector<16xi32>
      %xor3A_616 = arith.xori %iota3A, %xor3A_615 : vector<16xi32>
      %broadcast_in_dim3A_617 = vector.shape_cast %xor3A_616 : vector<16xi32> to vector<16x1xi32>
      %gather3A_618 = vector.shape_cast %broadcast_in_dim3A_617 : vector<16x1xi32> to vector<16xi32>
      %gather3A_619 = tpu.dynamic_gather %select_n3A_525[%gather3A_618] in [0] : vector<16xf32>, vector<16xi32> -> vector<16xf32>
      %add3A_620 = arith.addf %select_n3A_525, %gather3A_619 : vector<16xf32>
      %select_n3A_621 = arith.select %eq3A_591, %add3A_613, %add3A_620 : vector<16xi1>, vector<16xf32>
      %xor3A_622 = arith.constant 4 : i32
      %xor3A_623 = vector.broadcast %xor3A_622 : i32 to vector<16xi32>
      %xor3A_624 = arith.xori %iota3A, %xor3A_623 : vector<16xi32>
      %broadcast_in_dim3A_625 = vector.shape_cast %xor3A_624 : vector<16xi32> to vector<16x1xi32>
      %gather3A_626 = vector.shape_cast %broadcast_in_dim3A_625 : vector<16x1xi32> to vector<16xi32>
      %gather3A_627 = tpu.dynamic_gather %select_n3A_540[%gather3A_626] in [0] : vector<16xf32>, vector<16xi32> -> vector<16xf32>
      %add3A_628 = arith.addf %select_n3A_540, %gather3A_627 : vector<16xf32>
      %xor3A_629 = arith.constant 4 : i32
      %xor3A_630 = vector.broadcast %xor3A_629 : i32 to vector<16xi32>
      %xor3A_631 = arith.xori %iota3A, %xor3A_630 : vector<16xi32>
      %broadcast_in_dim3A_632 = vector.shape_cast %xor3A_631 : vector<16xi32> to vector<16x1xi32>
      %gather3A_633 = vector.shape_cast %broadcast_in_dim3A_632 : vector<16x1xi32> to vector<16xi32>
      %gather3A_634 = tpu.dynamic_gather %select_n3A_555[%gather3A_633] in [0] : vector<16xf32>, vector<16xi32> -> vector<16xf32>
      %add3A_635 = arith.addf %select_n3A_555, %gather3A_634 : vector<16xf32>
      %select_n3A_636 = arith.select %eq3A_591, %add3A_628, %add3A_635 : vector<16xi1>, vector<16xf32>
      %xor3A_637 = arith.constant 4 : i32
      %xor3A_638 = vector.broadcast %xor3A_637 : i32 to vector<16xi32>
      %xor3A_639 = arith.xori %iota3A, %xor3A_638 : vector<16xi32>
      %broadcast_in_dim3A_640 = vector.shape_cast %xor3A_639 : vector<16xi32> to vector<16x1xi32>
      %gather3A_641 = vector.shape_cast %broadcast_in_dim3A_640 : vector<16x1xi32> to vector<16xi32>
      %gather3A_642 = tpu.dynamic_gather %select_n3A_570[%gather3A_641] in [0] : vector<16xf32>, vector<16xi32> -> vector<16xf32>
      %add3A_643 = arith.addf %select_n3A_570, %gather3A_642 : vector<16xf32>
      %xor3A_644 = arith.constant 4 : i32
      %xor3A_645 = vector.broadcast %xor3A_644 : i32 to vector<16xi32>
      %xor3A_646 = arith.xori %iota3A, %xor3A_645 : vector<16xi32>
      %broadcast_in_dim3A_647 = vector.shape_cast %xor3A_646 : vector<16xi32> to vector<16x1xi32>
      %gather3A_648 = vector.shape_cast %broadcast_in_dim3A_647 : vector<16x1xi32> to vector<16xi32>
      %gather3A_649 = tpu.dynamic_gather %select_n3A_585[%gather3A_648] in [0] : vector<16xf32>, vector<16xi32> -> vector<16xf32>
      %add3A_650 = arith.addf %select_n3A_585, %gather3A_649 : vector<16xf32>
      %select_n3A_651 = arith.select %eq3A_591, %add3A_643, %add3A_650 : vector<16xi1>, vector<16xf32>
      %and3A_652 = arith.constant 2 : i32
      %and3A_653 = vector.broadcast %and3A_652 : i32 to vector<16xi32>
      %and3A_654 = arith.andi %iota3A, %and3A_653 : vector<16xi32>
      %eq3A_655 = arith.constant 0 : i32
      %eq3A_656 = vector.broadcast %eq3A_655 : i32 to vector<16xi32>
      %eq3A_657 = arith.cmpi eq, %and3A_654, %eq3A_656 : vector<16xi32>
      %xor3A_658 = arith.constant 2 : i32
      %xor3A_659 = vector.broadcast %xor3A_658 : i32 to vector<16xi32>
      %xor3A_660 = arith.xori %iota3A, %xor3A_659 : vector<16xi32>
      %broadcast_in_dim3A_661 = vector.shape_cast %xor3A_660 : vector<16xi32> to vector<16x1xi32>
      %gather3A_662 = vector.shape_cast %broadcast_in_dim3A_661 : vector<16x1xi32> to vector<16xi32>
      %gather3A_663 = tpu.dynamic_gather %select_n3A_606[%gather3A_662] in [0] : vector<16xf32>, vector<16xi32> -> vector<16xf32>
      %add3A_664 = arith.addf %select_n3A_606, %gather3A_663 : vector<16xf32>
      %xor3A_665 = arith.constant 2 : i32
      %xor3A_666 = vector.broadcast %xor3A_665 : i32 to vector<16xi32>
      %xor3A_667 = arith.xori %iota3A, %xor3A_666 : vector<16xi32>
      %broadcast_in_dim3A_668 = vector.shape_cast %xor3A_667 : vector<16xi32> to vector<16x1xi32>
      %gather3A_669 = vector.shape_cast %broadcast_in_dim3A_668 : vector<16x1xi32> to vector<16xi32>
      %gather3A_670 = tpu.dynamic_gather %select_n3A_621[%gather3A_669] in [0] : vector<16xf32>, vector<16xi32> -> vector<16xf32>
      %add3A_671 = arith.addf %select_n3A_621, %gather3A_670 : vector<16xf32>
      %select_n3A_672 = arith.select %eq3A_657, %add3A_664, %add3A_671 : vector<16xi1>, vector<16xf32>
      %xor3A_673 = arith.constant 2 : i32
      %xor3A_674 = vector.broadcast %xor3A_673 : i32 to vector<16xi32>
      %xor3A_675 = arith.xori %iota3A, %xor3A_674 : vector<16xi32>
      %broadcast_in_dim3A_676 = vector.shape_cast %xor3A_675 : vector<16xi32> to vector<16x1xi32>
      %gather3A_677 = vector.shape_cast %broadcast_in_dim3A_676 : vector<16x1xi32> to vector<16xi32>
      %gather3A_678 = tpu.dynamic_gather %select_n3A_636[%gather3A_677] in [0] : vector<16xf32>, vector<16xi32> -> vector<16xf32>
      %add3A_679 = arith.addf %select_n3A_636, %gather3A_678 : vector<16xf32>
      %xor3A_680 = arith.constant 2 : i32
      %xor3A_681 = vector.broadcast %xor3A_680 : i32 to vector<16xi32>
      %xor3A_682 = arith.xori %iota3A, %xor3A_681 : vector<16xi32>
      %broadcast_in_dim3A_683 = vector.shape_cast %xor3A_682 : vector<16xi32> to vector<16x1xi32>
      %gather3A_684 = vector.shape_cast %broadcast_in_dim3A_683 : vector<16x1xi32> to vector<16xi32>
      %gather3A_685 = tpu.dynamic_gather %select_n3A_651[%gather3A_684] in [0] : vector<16xf32>, vector<16xi32> -> vector<16xf32>
      %add3A_686 = arith.addf %select_n3A_651, %gather3A_685 : vector<16xf32>
      %select_n3A_687 = arith.select %eq3A_657, %add3A_679, %add3A_686 : vector<16xi1>, vector<16xf32>
      %and3A_688 = arith.constant 1 : i32
      %and3A_689 = vector.broadcast %and3A_688 : i32 to vector<16xi32>
      %and3A_690 = arith.andi %iota3A, %and3A_689 : vector<16xi32>
      %eq3A_691 = arith.constant 0 : i32
      %eq3A_692 = vector.broadcast %eq3A_691 : i32 to vector<16xi32>
      %eq3A_693 = arith.cmpi eq, %and3A_690, %eq3A_692 : vector<16xi32>
      %xor3A_694 = arith.constant 1 : i32
      %xor3A_695 = vector.broadcast %xor3A_694 : i32 to vector<16xi32>
      %xor3A_696 = arith.xori %iota3A, %xor3A_695 : vector<16xi32>
      %broadcast_in_dim3A_697 = vector.shape_cast %xor3A_696 : vector<16xi32> to vector<16x1xi32>
      %gather3A_698 = vector.shape_cast %broadcast_in_dim3A_697 : vector<16x1xi32> to vector<16xi32>
      %gather3A_699 = tpu.dynamic_gather %select_n3A_672[%gather3A_698] in [0] : vector<16xf32>, vector<16xi32> -> vector<16xf32>
      %add3A_700 = arith.addf %select_n3A_672, %gather3A_699 : vector<16xf32>
      %xor3A_701 = arith.constant 1 : i32
      %xor3A_702 = vector.broadcast %xor3A_701 : i32 to vector<16xi32>
      %xor3A_703 = arith.xori %iota3A, %xor3A_702 : vector<16xi32>
      %broadcast_in_dim3A_704 = vector.shape_cast %xor3A_703 : vector<16xi32> to vector<16x1xi32>
      %gather3A_705 = vector.shape_cast %broadcast_in_dim3A_704 : vector<16x1xi32> to vector<16xi32>
      %gather3A_706 = tpu.dynamic_gather %select_n3A_687[%gather3A_705] in [0] : vector<16xf32>, vector<16xi32> -> vector<16xf32>
      %add3A_707 = arith.addf %select_n3A_687, %gather3A_706 : vector<16xf32>
      %select_n3A_708 = arith.select %eq3A_693, %add3A_700, %add3A_707 : vector<16xi1>, vector<16xf32>
      %broadcast_in_dim3A_709 = vector.shape_cast %or3A_79 : vector<16xi32> to vector<16x1xi32>
      %gather3A_710 = vector.shape_cast %broadcast_in_dim3A_709 : vector<16x1xi32> to vector<16xi32>
      %gather3A_711 = tpu.dynamic_gather %select_n3A_708[%gather3A_710] in [0] : vector<16xf32>, vector<16xi32> -> vector<16xf32>
      %add3A_712 = arith.constant 256 : i32
      %add3A_713 = arith.addi %add3A_712, %mul3A_129 : i32
      %get3A_714 = arith.index_cast %add3A_713 : i32 to index
      %get3A_715 = tpu.vector_load %arg13[%get3A_714] {strides = array<i32>} : memref<512xf32, #tpu.memory_space<vmem>>, vector<16xf32>,
      %get3A_716 = vector.shape_cast %get3A_715 : vector<16xf32> to vector<16xf32>
      %add3A_717 = arith.addf %gather3A_711, %get3A_716 : vector<16xf32>
      %add3A_718 = arith.constant 256 : i32
      %add3A_719 = arith.addi %add3A_718, %mul3A_129 : i32
      %get3A_720 = arith.index_cast %add3A_719 : i32 to index
      %get3A_721 = tpu.vector_load %arg14[%get3A_720] {strides = array<i32>} : memref<512xf32, #tpu.memory_space<vmem>>, vector<16xf32>,
      %get3A_722 = vector.shape_cast %get3A_721 : vector<16xf32> to vector<16xf32>
      %add3A_723 = arith.addf %add3A_717, %get3A_722 : vector<16xf32>
      %add3A_724 = arith.constant 0.714285731 : f32
      %add3A_725 = vector.broadcast %add3A_724 : f32 to vector<16xf32>
      %add3A_726 = arith.addf %add3A_723, %add3A_725 : vector<16xf32>
      %add3A_727 = arith.constant 256 : i32
      %add3A_728 = arith.addi %add3A_727, %mul3A_129 : i32
      %swap3A = arith.index_cast %add3A_728 : i32 to index
      %swap3A_729 = tpu.vector_load %arg15[%swap3A] {strides = array<i32>} : memref<512xf32, #tpu.memory_space<vmem>>, vector<16xf32>,
      %swap3A_730 = vector.shape_cast %swap3A_729 : vector<16xf32> to vector<16xf32>
      %swap3A_731 = vector.shape_cast %add3A_726 : vector<16xf32> to vector<16xf32>
      tpu.vector_store %arg15[%swap3A], %swap3A_731 {strides = array<i32>} : memref<512xf32, #tpu.memory_space<vmem>>, vector<16xf32>,
    }
    %scan3A_126 = arith.constant 16 : i32
    "tpu.region"() ({
      %run_scoped3A = tpu.sem_alloc : memref<!tpu.dma_semaphore, #tpu.memory_space<semaphore_mem>>
      %dma_start3A_127 = tpu.memref_slice %arg8[%mul3A_2] : memref<16384xf32, #tpu.memory_space<hbm>> -> memref<512xf32, #tpu.memory_space<hbm>>
      %dma_start3A_128 = tpu.memref_slice %arg8[%mul3A_2] : memref<16384xf32, #tpu.memory_space<hbm>> -> memref<512xf32, #tpu.memory_space<hbm>>
      tpu.enqueue_dma source(%arg15 : memref<512xf32, #tpu.memory_space<vmem>>) target(%dma_start3A_128 : memref<512xf32, #tpu.memory_space<hbm>>) target_semaphore(%run_scoped3A : memref<!tpu.dma_semaphore, #tpu.memory_space<semaphore_mem>>)
      %dma_wait3A_129 = tpu.memref_slice %arg8[%mul3A_2] : memref<16384xf32, #tpu.memory_space<hbm>> -> memref<512xf32, #tpu.memory_space<hbm>>
      %dma_wait3A_130 = tpu.memref_slice %arg8[%mul3A_2] : memref<16384xf32, #tpu.memory_space<hbm>> -> memref<512xf32, #tpu.memory_space<hbm>>
      tpu.wait_dma2 semaphore(%run_scoped3A : memref<!tpu.dma_semaphore, #tpu.memory_space<semaphore_mem>>) src(%arg15 : memref<512xf32, #tpu.memory_space<vmem>>) dst(%dma_wait3A_130 : memref<512xf32, #tpu.memory_space<hbm>>)
      tpu.yield
    }) : () -> ()
    return
  }
}

</mosaic_0001>

<sc_bundles>
// kernel: kernel.3.cloned.1.call-start
scs
__scs_entry_jumppad:
0x0: {  	(pc) =	sbr.rel $0x88, $3  }
0x1: {  	(tag) =	ssettag $0x0;
	lr =	simm.s32 $0x1  }
0x2: {  	[smem:$0x3F9C] =	sst lr;
	_ =	strace $0xD0000000  }
0x3: {  	_ = 	snop  }
0x4: {  	_ = 	snop  }
0x5: {  	_ = 	snop  }
0x6: {  	_ = 	snop  }
0x7: {  	_ = 	snop  }
__scs_overlays_trampoline_lowered:
0x8: {  	[smem:$0x3FAB] =	sst s0  }
0x9: {  	[smem:$0x3FAC] =	sst s1  }
0xa: {  	[smem:$0x3FAD] =	sst s2  }
0xb: {  	[smem:$0x3FAE] =	sst s3  }
0xc: {  	[smem:$0x3FAF] =	sst s4  }
0xd: {  	[smem:$0x3FB0] =	sst s5  }
0xe: {  	[smem:$0x3FB1] =	sst s6  }
0xf: {  	[smem:$0x3FB2] =	sst s7  }
0x10: {  	[smem:$0x3FB3] =	sst s8  }
0x11: {  	[smem:$0x3FB4] =	sst s9;
	s0 =	simm.s32 @!p0 $0x0  }
0x12: {  	s1 =	sld [smem:$0x3F9A];
	s0 =	simm.s32 @p0 $0x1  }
0x13: {  	[smem:$0x3FB5] =	sst s0;
	s0 =	simm.s32 @!p1 $0x0  }
0x14: {  	s2 =	sld [smem:$0x3F99];
	s0 =	simm.s32 @p1 $0x1  }
0x15: {  	[smem:$0x3FB6] =	sst s0;
	s0 =	simm.s32 @!p2 $0x0  }
0x16: {  	s3 =	sld [smem:$0x3FDB];
	s0 =	simm.s32 @p2 $0x1  }
0x17: {  	s4 =	simm.s32 $0x1BF5;
	[smem:$0x3FB8] =	sst s0  }
0x18: {  	s0 =	sld [smem:$0x3F9B];
	_ =	swait.ge [sflag:s4], $0x0  }
0x19: {  	s7 =	sld [smem:$0x3F9C]  }
0x1a: {  	s8 =	sadd.s32 $0xFFFFE003, lr  }
0x1b: {  	s9 =	sadd.s32 $0xFFFFFEF7, lr;
	s5 =	simm.s32 $0xFFFFFFFF;
	p2 =	slt.u32 s8, $0xFFFFF086  }
0x1c: {  	p1 =	slt.u32 s9, $0xF7A;
	s5 =	simm.s32 @!p2 $0x0  }
0x1d: {  	s5 =	simm.s32 @p1 $0x1;
	p0 =	seq.s32 s7, s2  }
0x1e: {  	s7 =	smul.u32 @!p0 $0xF7A, s2;
	p2 =	seq.s32 @!p0 s5, $0x0  }
0x1f: {  	s9 =	smul.u32 $0xF7A, s1;
	s8 =	simm.s32 @!p0 $0x1BF5;
	p2 =	por !p2, p0  }
0x20: {  	[sflag:s8] =	ssyncset.s32 @!p0 $0xFFFFF086;
	s6 =	sadd.s32 @!p0 s3, s7;
	s7 =	simm.s32 @!p0 $0x108  }
0x21: {  	s3 =	sadd.s32 s3, s9;
	s6 =	sadd.s32 @!p0 $0x88, s6;
	s7 =	simm.s32 @p2 $0x1082  }
0x22: {  	[simem:s7], [sflag:s8] =	dma.local @!p0 [hbm:s6], $0xF7A  }
0x23: {  	s9 =	sor.u32 $0xD0000000, s2;
	s6 =	simm.s32 $0x108;
	_ =	swait.ge @!p0 [sflag:s8], $0x0  }
0x24: {  	s3 =	sadd.s32 $0x88, s3;
	s6 =	simm.s32 @!p1 $0x1082;
	[sflag:s4] =	ssyncset.s32 $0xFFFFF086  }
0x25: {  	[simem:s6], [sflag:s4] =	dma.local [hbm:s3], $0xF7A  }
0x26: {  	[smem:$0x3F9C] =	sst s1;
	(tag) =	ssettag s2;
	_ =	strace s9  }
0x27: {  	s1 =	sld [smem:$0x3FAC]  }
0x28: {  	s2 =	sld [smem:$0x3FAD]  }
0x29: {  	s4 =	sld [smem:$0x3FAF]  }
0x2a: {  	p0 =	seq.s32 s5, $0x0;
	s5 =	sld [smem:$0x3FB0]  }
0x2b: {  	s6 =	sld [smem:$0x3FB1]  }
0x2c: {  	s7 =	sld [smem:$0x3FB2]  }
0x2d: {  	s3 =	simm.s32 $0x108;
	s8 =	sld [smem:$0x3FB3]  }
0x2e: {  	s3 =	simm.s32 @!p0 $0x1082;
	s9 =	sld [smem:$0x3FB4]  }
0x2f: {  	lr =	sadd.s32 s0, s3;
	s0 =	sld [smem:$0x3FAB]  }
0x30: {  	s3 =	sld [smem:$0x3FAE]  }
0x31: {  	[smem:$0x3FB7] =	sst s10  }
0x32: {  	s10 =	sld [smem:$0x3FB5];
	_ =	sdelay $0x3  }
0x33: {  	p0 =	seq.s32 s10, $0x1;
	s10 =	sld [smem:$0x3FB7];
	_ =	sdelay $0x3  }
0x34: {  	[smem:$0x3FB7] =	sst s10  }
0x35: {  	s10 =	sld [smem:$0x3FB6];
	_ =	sdelay $0x3  }
0x36: {  	p1 =	seq.s32 s10, $0x1;
	s10 =	sld [smem:$0x3FB7];
	_ =	sdelay $0x3  }
0x37: {  	[smem:$0x3FB7] =	sst s10  }
0x38: {  	s10 =	sld [smem:$0x3FB8]  }
0x39: {  	_ = 	snop;
	(pc) =	sbr.ind lr, $3  }
0x3a: {  	_ = 	snop  }
0x3b: {  	_ = 	snop  }
0x3c: {  	p2 =	seq.s32 s10, $0x1;
	s10 =	sld [smem:$0x3FB7]  }
0x3d: {  	_ =	shalt  }
0x3e: {  	_ =	shalt  }
0x3f: {  	_ =	shalt  }
0x40: {  	_ =	shalt  }
0x41: {  	_ =	shalt  }
0x42: {  	_ =	shalt  }
0x43: {  	_ =	shalt  }
0x44: {  	_ =	shalt  }
0x45: {  	_ =	shalt  }
0x46: {  	_ =	shalt  }
0x47: {  	_ =	shalt  }
0x48: {  	_ =	shalt  }
0x49: {  	_ =	shalt  }
0x4a: {  	_ =	shalt  }
0x4b: {  	_ =	shalt  }
0x4c: {  	_ =	shalt  }
0x4d: {  	_ =	shalt  }
0x4e: {  	_ =	shalt  }
0x4f: {  	_ =	shalt  }
0x50: {  	_ =	shalt  }
0x51: {  	_ =	shalt  }
0x52: {  	_ =	shalt  }
0x53: {  	_ =	shalt  }
0x54: {  	_ =	shalt  }
0x55: {  	_ =	shalt  }
0x56: {  	_ =	shalt  }
0x57: {  	_ =	shalt  }
0x58: {  	_ =	shalt  }
0x59: {  	_ =	shalt  }
0x5a: {  	_ =	shalt  }
0x5b: {  	_ =	shalt  }
0x5c: {  	_ =	shalt  }
0x5d: {  	_ =	shalt  }
0x5e: {  	_ =	shalt  }
0x5f: {  	_ =	shalt  }
0x60: {  	_ =	shalt  }
0x61: {  	_ =	shalt  }
0x62: {  	_ =	shalt  }
0x63: {  	_ =	shalt  }
0x64: {  	_ =	shalt  }
0x65: {  	_ =	shalt  }
0x66: {  	_ =	shalt  }
0x67: {  	_ =	shalt  }
0x68: {  	_ =	shalt  }
0x69: {  	_ =	shalt  }
0x6a: {  	_ =	shalt  }
0x6b: {  	_ =	shalt  }
0x6c: {  	_ =	shalt  }
0x6d: {  	_ =	shalt  }
0x6e: {  	_ =	shalt  }
0x6f: {  	_ =	shalt  }
0x70: {  	_ =	shalt  }
0x71: {  	_ =	shalt  }
0x72: {  	_ =	shalt  }
0x73: {  	_ =	shalt  }
0x74: {  	_ =	shalt  }
0x75: {  	_ =	shalt  }
0x76: {  	_ =	shalt  }
0x77: {  	_ =	shalt  }
0x78: {  	_ =	shalt  }
0x79: {  	_ =	shalt  }
0x7a: {  	_ =	shalt  }
0x7b: {  	_ =	shalt  }
0x7c: {  	_ =	shalt  }
0x7d: {  	_ =	shalt  }
0x7e: {  	_ =	shalt  }
0x7f: {  	_ =	shalt  }
0x80: {  	_ =	shalt  }
0x81: {  	_ =	shalt  }
0x82: {  	_ =	shalt  }
0x83: {  	_ =	shalt  }
0x84: {  	_ =	shalt  }
0x85: {  	_ =	shalt  }
0x86: {  	_ =	shalt  }
0x87: {  	_ =	shalt  }
.Lfunc_end0:
.L_simem_size_0:
called_computation_lowered:
.L_overlay_start_0:
0x88: {  	s2 =	sld [smem:$0x3FD9]  }
0x89: {  	s3 =	sld [smem:$0x3FFE];
	_ =	sdelay $0x1  }
0x8a: {  	s1 =	srdreg.scid  }
0x8b: {  	s0 =	sand.u32 $0x1, s1  }
0x8c: {  	s17 =	sshll.u32 s0, $0xA;
	s2 =	sadd.s32 s3, s2  }
0x8d: {  	s2 =	sadd.s32 s2, s17  }
0x8e: {  	[smem:$0x3FC3] =	sst s2  }
0x8f: {  	_ = 	snop  }
0x90: {  	s2 =	sld [smem:$0x3FC6]  }
0x91: {  	s18 =	sld [smem:$0x3FC5]  }
0x92: {  	s4 =	sld [smem:$0x3FD0];
	(tm) =	ssettm $0x1  }
0x93: {  	s5 =	sld [smem:$0x3FFB];
	_ =	sdelay $0x3  }
0x94: {  	_ =	strace s5  }
0x95: {  	s5 =	sld [smem:$0x3FFC];
	_ =	sdelay $0x3  }
0x96: {  	_ =	strace s5  }
0x97: {  	s5 =	sld [smem:$0x3FFD];
	_ =	sdelay $0x3  }
0x98: {  	_ =	strace s5  }
0x99: {  	_ =	strace $0x8FFFFFFF  }
0x9a: {  	s19 =	sld [smem:$0x3FDB];
	_ =	sdelay $0x1  }
0x9b: {  	s6 =	simm.s32 $_scs_section_size  }
0x9c: {  	s7 =	simm.s32 $_size__tile_overlayer_lowered;
	s8 =	simm.s32 $_tile_overlayer_lowered  }
0x9d: {  	s22 =	simm.s32 $0x1BFF;
	s21 =	sshll.u32 s8, $0x1;
	s5 =	sadd.s32 s6, s19  }
0x9e: {  	s9 =	simm.s32 $0x0;
	s20 =	sshll.u32 s7, $0x1;
	s7 =	sadd.s32 s21, s5  }
0x9f: {  	[timem:s9], [sflag:s22] =	dma.local [hbm:s7], s20  }
0xa0: {  	_ =	swait.ge [sflag:s22], s20  }
0xa1: {  	s6 =	ssub.s32 $0x0, s20;
	[sflag:s22] =	ssyncset.done $0x0  }
0xa2: {  	[sflag:s22] =	ssyncadd.s32 s6;
	_ =	sdelay $0x1  }
0xa3: {  	s23 =	simm.s32 $0x1B8B  }
0xa4: {  	_ =	swait.ge [sflag:s23], $0x1  }
0xa5: {  	[sflag:s23] =	ssyncset.done $0x0  }
0xa6: {  	s25 =	simm.s32 $0x1B8E;
	s24 =	sld [smem:$0x3FFE];
	[sflag:s23] =	ssyncadd.s32 $0xFFFFFFFF  }
0xa7: {  	s26 =	simm.s32 $execute0_lowered;
	[smem:$0x3FD2] =	sst s25  }
0xa8: {  	s7 =	sshll.u32 s26, $0x1;
	_ =	strace $0x80000046;
	[dreg:$0x1] =	wrdreg $0xFFFFFFFF  }
0xa9: {  	s28 =	simm.s32 $_size_execute0_lowered;
	s5 =	sadd.s32 s5, s7;
	[dreg:$0x0] =	wrdreg $0x0  }
0xaa: {  	s7 =	sshll.u32 s28, $0x1;
	[dreg:$0x2] =	wrdreg s5  }
0xab: {  	[dreg:$0x3] =	wrdreg s7  }
0xac: {  	[dreg:$0x4] =	wrdreg $0xC0  }
0xad: {  	_ =	task [dreg:s9], $0x5FFFF  }
0xae: {  	[dreg:$0x1] =	wrdreg $0xFFFFFFFF  }
0xaf: {  	[dreg:$0x0] =	wrdreg $0x60  }
0xb0: {  	[dreg:$0x2] =	wrdreg s24  }
0xb1: {  	[dreg:$0x3] =	wrdreg s2  }
0xb2: {  	[dreg:$0x4] =	wrdreg s18  }
0xb3: {  	[dreg:$0x5] =	wrdreg s4  }
0xb4: {  	[dreg:$0x6] =	wrdreg $0x9  }
0xb5: {  	_ =	task.clear_ibuf [dreg:s9], $0x7FFFF;
	_ =	strace $0x90000046  }
0xb6: {  	s29 =	simm.s32 $0x9;
	_ =	strace $0x80000048  }
0xb7: {  	_ =	swait.ge [sflag:s29], $0x1  }
0xb8: {  	[sflag:s29] =	ssyncadd.s32 $0xFFFFFFFF  }
0xb9: {  	_ =	strace $0x90000048  }
0xba: {  	_ =	sfence  }
0xbb: {  	s30 =	sld [smem:$0x0];
	_ =	sdelay $0x2  }
0xbc: {  	s31 =	sshll.u32 s1, $0xD;
	s1 =	sshrl.u32 s1, $0x2  }
0xbd: {  	s3 =	sand.u32 $0x4000, s31;
	s1 =	sadd.s32 s1, s30  }
0xbe: {  	s0 =	sor.u32 s3, s0;
	s1 =	sshll.u32 s1, $0x11  }
0xbf: {  	s0 =	sor.u32 s1, s0  }
0xc0: {  	s0 =	sadd.s32 $0x8F2B, s0  }
0xc1: {  	[sflag:s0] =	ssyncadd.remote.s32 $0x1  }
0xc2: {  	_ =	sfence.sel $0xFFFF  }
0xc3: {  	[dreg:$0x0] =	wrdreg $0xFFFFFFFF;
	(pc) =	sbr.abs _section_cstart, $3  }
0xc4: {  	[dreg:$0x1] =	wrdreg $0xFFFFFFFF  }
0xc5: {  	_ =	task.clear_ibuf [dreg:s9], $0x2FFFF;
	_ =	strace $0x9FFFFFFF  }
0xc6: {  	(tm) =	ssettm $0x7FFFFFFF  }
0xc7: {  	_ =	shalt  }
tec
execute0_lowered:
.L_overlay_start_1:
0x0: {  	(tag) =	ssettag $0x1  }
0x1: {  	v0 =	vimm.s32 $0x76543210;
	v1 =	vimm.s32 $0xFEDCBA98  }
0x2: {  	v2 =	vimm.s32 $0xBA98FEDC;
	v3 =	vimm.s32 $0x32107654;
	v4 =	vimm.s32 $0xDCFE98BA  }
0x3: {  	v5 =	vimm.s32 $0x54761032;
	vm0 =	vcmask $0x2F20;
	vm1 =	vcmask $0xF00  }
0x4: {  	vm2 =	vcmask $0x700;
	vm3 =	vcmask $0xB08;
	vm4 =	vcmask $0x300  }
0x5: {  	v6 =	vimm.s32 $0xE6A2C480;
	v0 =	vunpack.c.l.s4.s8 v0;
	v1 =	vunpack.c.l.s4.s8 v1  }
0x6: {  	v2 =	vunpack.c.l.s4.s8 v2;
	v3 =	vunpack.c.l.s4.s8 v3;
	v4 =	vunpack.c.l.s4.s8 v4  }
0x7: {  	v5 =	vunpack.c.l.s4.s8 v5;
	vm0 =	vmor vm1, vm0;
	vm1 =	vcmask $0x1710  }
0x8: {  	vm3 =	vmor vm4, vm3;
	vm4 =	vcmask $0x1310;
	v6 =	vunpack.c.l.s4.s8 v6  }
0x9: {  	vm1 =	vmor vm2, vm1;
	vm2 =	vcmask $0x2720;
	v1 =	vunpack.c.0.s8.s32 v1  }
0xa: {  	vm3 =	vmor vm3, vm4;
	vm4 =	vcmask $0x1B18;
	v0 =	vunpack.c.0.s8.s32 v0  }
0xb: {  	v2 =	vunpack.c.0.s8.s32 v2;
	v3 =	vunpack.c.0.s8.s32 v3;
	v1 =	vand.u32 $0xF, v1  }
0xc: {  	vm3 =	vmor vm3, vm4;
	vm4 =	vcmask $0x2320;
	v0 =	vcombine.low v1, v0  }
0xd: {  	v1 =	vcombine.low v3, v2;
	v2 =	vunpack.c.0.s8.s32 v4;
	v3 =	vunpack.c.0.s8.s32 v5  }
0xe: {  	s0 =	rddreg [dreg:$0x0];
	s2 =	srdreg.scid;
	s4 =	simm.s32 $0x0;
	vm1 =	vmor vm1, vm2;
	vm2 =	vcmask $0x3730;
	vm3 =	vmor vm3, vm4  }
0xf: {  	s3 =	stileid.u32;
	s2 =	sand.u32 $0x1, s2;
	[smem:$0x7FF] =	sst s4;
	v4 =	vimm.s32 $0x67452301;
	v2 =	vcombine.low v3, v2;
	v3 =	vimm.s32 $0xEFCDAB89  }
0x10: {  	s3 =	sshll.u32 s3, $0x7;
	s6 =	sadd.s32 $0xF43A00, s0;
	s5 =	sshll.u32 s2, $0x6;
	vm4 =	vcmask $0x2B28;
	v4 =	vunpack.c.l.s4.s8 v4;
	v3 =	vunpack.c.l.s4.s8 v3  }
0x11: {  	s1 =	rddreg [dreg:$0x3];
	_ =	strace $0x80000047;
	s3 =	sor.u32 s5, s3;
	vm3 =	vmor vm3, vm4;
	vm4 =	vcmask $0x3330;
	v5 =	vimm.s32 $0xF7B3D591  }
0x12: {  	s2 =	ssub.s32 $0x2, s2;
	s7 =	sadd.s32 s3, s0;
	s1 =	sadd.s32 s1, s3;
	v5 =	vunpack.c.l.s4.s8 v5;
	v4 =	vunpack.c.0.s8.s32 v4;
	v3 =	vunpack.c.0.s8.s32 v3  }
0x13: {  	s8 =	sshrl.u32 s2, $0x1;
	vm1 =	vmor vm1, vm2;
	s30 =	sadd.s32 $0xE00, s7;
	[dreg:$0x19] =	wrdreg s1;
	vm2 =	vmor vm3, vm4;
	vm3 =	vcmask $0x3B38  }
0x14: {  	s29 =	ssub.s32 s2, s8;
	s31 =	sadd.s32 $0x600, s7;
	[dreg:$0x17] =	wrdreg s30;
	v3 =	vcombine.low v4, v3;
	v4 =	vunpack.c.0.s8.s32 v5;
	v5 =	vunpack.c.0.s8.s32 v6  }
0x15: {  	s5 =	sadd.s32 $0x1600, s0;
	s0 =	smax.u32 s29, $0x1;
	[dreg:$0x18] =	wrdreg s31;
	vm2 =	vmor vm2, vm3;
	vm3 =	vmmov $0xff;
	v1 =	vand.u32 $0xF, v1  }
0x16: {  	s2 =	simm.s32 $0x2;
	s1 =	simm.s32 $0x0;
	[dreg:$0x1a] =	wrdreg s0;
	v2 =	vand.u32 $0xF, v2;
	v3 =	vand.u32 $0xF, v3;
	v4 =	vcombine.low v5, v4  }
.LBB2_1:
0x17: {  	[dreg:$0x1b] =	wrdreg s1  }
0x18: {  	s0 =	rddreg [dreg:$0x17]  }
0x19: {  	[tilespmem:s4], [sflag:$0x2] =	stream.linear.gather [hbm4b:s0+s4], $0x200, $0x38;
	[tilespmem:$0x10A00] =	vst v63  }
0x1a: {  	_ =	swait.ge [sflag:s2], $0x200  }
0x1b: {  	[sflag:s2] =	ssyncset.done $0x0  }
0x1c: {  	s24 =	simm.s32 $0x200;
	s25 =	rddreg [dreg:$0x18];
	[sflag:s2] =	ssyncadd.s32 $0xFFFFFE00  }
0x1d: {  	[tilespmem:s24], [sflag:$0x2] =	stream.linear.gather [hbm4b:s25+s4], $0x200, $0x38;
	[tilespmem:$0x10A00] =	vst v63  }
0x1e: {  	_ =	swait.ge [sflag:s2], $0x200  }
0x1f: {  	[sflag:s2] =	ssyncset.done $0x0  }
0x20: {  	[sflag:s2] =	ssyncadd.s32 $0xFFFFFE00  }
0x21: {  	s3 =	simm.s32 $0x80;
	s28 =	simm.s32 $0x10400;
	s26 =	rddreg [dreg:$0x1]  }
0x22: {  	[tilespmem:s28], [sflag:$0x1] =	stream.indirect.gather [hbm4b:s26+s3], $0x1, s4, s3, $0xb8;
	[tilespmem:$0x10A00] =	vst v63  }
0x23: {  	s7 =	simm.s32 $0x10600;
	s29 =	rddreg [dreg:$0x2]  }
0x24: {  	[tilespmem:s7], [sflag:$0x1] =	stream.indirect.gather [hbm4b:s29+s3], $0x1, s24, s3, $0xb8;
	[tilespmem:$0x10A00] =	vst v63  }
0x25: {  	s8 =	simm.s32 $0x10480  }
0x26: {  	[tilespmem:s8], [sflag:$0x1] =	stream.indirect.gather [hbm4b:s26+s3], $0x1, s3, s3, $0xb8;
	[tilespmem:$0x10A00] =	vst v63  }
0x27: {  	s9 =	simm.s32 $0x280;
	s8 =	simm.s32 $0x10680  }
0x28: {  	[tilespmem:s8], [sflag:$0x1] =	stream.indirect.gather [hbm4b:s29+s3], $0x1, s9, s3, $0xb8;
	[tilespmem:$0x10A00] =	vst v63  }
0x29: {  	s10 =	simm.s32 $0x100;
	s11 =	simm.s32 $0x10500  }
0x2a: {  	[tilespmem:s11], [sflag:$0x1] =	stream.indirect.gather [hbm4b:s26+s3], $0x1, s10, s3, $0xb8;
	[tilespmem:$0x10A00] =	vst v63  }
0x2b: {  	s12 =	simm.s32 $0x300;
	s13 =	simm.s32 $0x10700  }
0x2c: {  	[tilespmem:s13], [sflag:$0x1] =	stream.indirect.gather [hbm4b:s29+s3], $0x1, s12, s3, $0xb8;
	[tilespmem:$0x10A00] =	vst v63  }
0x2d: {  	s14 =	simm.s32 $0x180;
	s15 =	simm.s32 $0x10580  }
0x2e: {  	[tilespmem:s15], [sflag:$0x1] =	stream.indirect.gather [hbm4b:s26+s3], $0x1, s14, s3, $0xb8;
	[tilespmem:$0x10A00] =	vst v63  }
0x2f: {  	s16 =	simm.s32 $0x380;
	s17 =	simm.s32 $0x10780;
	s18 =	simm.s32 $0x1  }
0x30: {  	[tilespmem:s17], [sflag:$0x1] =	stream.indirect.gather [hbm4b:s29+s3], $0x1, s16, s3, $0xb8;
	[tilespmem:$0x10A00] =	vst v63  }
0x31: {  	_ =	swait.ge [sflag:s18], $0x200  }
0x32: {  	[sflag:s18] =	ssyncset.done $0x0  }
0x33: {  	[sflag:s18] =	ssyncadd.s32 $0xFFFFFE00  }
0x34: {  	_ =	swait.ge [sflag:s18], $0x200  }
0x35: {  	[sflag:s18] =	ssyncset.done $0x0  }
0x36: {  	[sflag:s18] =	ssyncadd.s32 $0xFFFFFE00  }
0x37: {  	v5 =	vld [tilespmem:s4+$0x0]  }
0x38: {  	v7 =	vld [tilespmem:s24+$0x0];
	_ =	sdelay $0x3  }
0x39: {  	v6 =	vshll.u32 v5, $0x4  }
0x3a: {  	v5 =	vshll.u32 v7, $0x4;
	(v2sf) =	vpush v6, $0x0  }
0x3b: {  	(v2sf) =	vpush v5, $0x0  }
0x3c: {  	(v2sf) =	vpush v6, $0x1;
	_ =	sdelay $0x1  }
0x3d: {  	(v2sf) =	vpush v5, $0x1;
	_ =	sdelay $0x2  }
0x3e: {  	(v2sf) =	vpush v6, $0x2;
	_ =	sdelay $0x1  }
0x3f: {  	(v2sf) =	vpush v5, $0x2;
	_ =	sdelay $0x1  }
0x40: {  	s31 =	simm.s32 $0x2000;
	(v2sf) =	vpush v6, $0x3  }
0x41: {  	s30 =	simm.s32 $0x0;
	s19 =	simm.s32 $0x8400;
	s1 =	simm.s32 $0x680  }
0x42: {  	s20 =	simm.s32 $0x400;
	s0 =	simm.s32 $0x880;
	s28 =	simm.s32 $0x8480  }
0x43: {  	s7 =	simm.s32 $0x8900;
	s9 =	simm.s32 $0x600;
	s10 =	simm.s32 $0x580  }
0x44: {  	s15 =	simm.s32 $0x8500;
	s3 =	simm.s32 $0x8580;
	s21 =	spop (v2sf);
	(v2sf) =	vpush v5, $0x3  }
0x45: {  	s24 =	simm.s32 $0x480;
	s8 =	sand.u32 $0x1FFFFFF0, s21;
	s11 =	spop (v2sf)  }
0x46: {  	(v2sf) =	vpush v6, $0x4;
	s8 =	sadd.s32 s5, s8;
	s22 =	sand.u32 $0x1FFFFFF0, s11;
	s23 =	spop (v2sf)  }
0x47: {  	(v2sf) =	vpush v5, $0x4;
	[tilespmem:s20], [sflag:$0x1] =	stream.linear.gather [hbm4b:s8+s4], $0x80, $0x38;
	[tilespmem:$0x10A00] =	vst v63  }
0x48: {  	s8 =	sadd.s32 s6, s22;
	s11 =	sand.u32 $0x1FFFFFF0, s23;
	s12 =	spop (v2sf)  }
0x49: {  	(v2sf) =	vpush v6, $0x5;
	s20 =	simm.s32 $0x8600;
	s25 =	sadd.s32 s5, s11;
	s26 =	sand.u32 $0x1FFFFFF0, s12  }
0x4a: {  	(v2sf) =	vpush v5, $0x5;
	[tilespmem:s19], [sflag:$0x1] =	stream.linear.gather [hbm4b:s8+s4], $0x80, $0x38;
	[tilespmem:$0x10A00] =	vst v63  }
0x4b: {  	s29 =	spop (v2sf);
	s12 =	simm.s32 $0x500;
	s11 =	sadd.s32 s6, s26  }
0x4c: {  	(v2sf) =	vpush v6, $0x6;
	[tilespmem:s24], [sflag:$0x1] =	stream.linear.gather [hbm4b:s25+s4], $0x80, $0x38;
	[tilespmem:$0x10A00] =	vst v63  }
0x4d: {  	s8 =	sand.u32 $0x1FFFFFF0, s29;
	s13 =	spop (v2sf);
	s26 =	simm.s32 $0x8680  }
0x4e: {  	[tilespmem:s28], [sflag:$0x1] =	stream.linear.gather [hbm4b:s11+s4], $0x80, $0x38;
	[tilespmem:$0x10A00] =	vst v63  }
0x4f: {  	s8 =	sadd.s32 s5, s8;
	s14 =	spop (v2sf);
	s11 =	sand.u32 $0x1FFFFFF0, s13  }
0x50: {  	(v2sf) =	vpush v5, $0x6;
	[tilespmem:s12], [sflag:$0x1] =	stream.linear.gather [hbm4b:s8+s4], $0x80, $0x38;
	[tilespmem:$0x10A00] =	vst v63  }
0x51: {  	s29 =	simm.s32 $0x700;
	s17 =	sand.u32 $0x1FFFFFF0, s14;
	s16 =	sadd.s32 s6, s11  }
0x52: {  	[tilespmem:s15], [sflag:$0x1] =	stream.linear.gather [hbm4b:s16+s4], $0x80, $0x38;
	[tilespmem:$0x10A00] =	vst v63  }
0x53: {  	s25 =	simm.s32 $0x8A00;
	s19 =	sadd.s32 s5, s17;
	s18 =	spop (v2sf)  }
0x54: {  	(v2sf) =	vpush v6, $0x7;
	[tilespmem:s10], [sflag:$0x1] =	stream.linear.gather [hbm4b:s19+s4], $0x80, $0x38;
	[tilespmem:$0x10A00] =	vst v63  }
0x55: {  	s17 =	simm.s32 $0x8700;
	s2 =	sand.u32 $0x1FFFFFF0, s18;
	s21 =	spop (v2sf)  }
0x56: {  	(v2sf) =	vpush v5, $0x7;
	s2 =	sadd.s32 s6, s2;
	s10 =	sand.u32 $0x1FFFFFF0, s21;
	s22 =	spop (v2sf)  }
0x57: {  	(v2sf) =	vpush v6, $0x8;
	[tilespmem:s3], [sflag:$0x1] =	stream.linear.gather [hbm4b:s2+s4], $0x80, $0x38;
	[tilespmem:$0x10A00] =	vst v63  }
0x58: {  	s3 =	simm.s32 $0xA80;
	s24 =	sand.u32 $0x1FFFFFF0, s22;
	s28 =	spop (v2sf)  }
0x59: {  	s23 =	sadd.s32 s5, s10;
	(v2sf) =	vpush v5, $0x8;
	s10 =	sadd.s32 s6, s24;
	s11 =	spop (v2sf)  }
0x5a: {  	(v2sf) =	vpush v6, $0x9;
	[tilespmem:s9], [sflag:$0x1] =	stream.linear.gather [hbm4b:s23+s4], $0x80, $0x38;
	[tilespmem:$0x10A00] =	vst v63  }
0x5b: {  	s9 =	sand.u32 $0x1FFFFFF0, s28;
	s12 =	spop (v2sf);
	s23 =	simm.s32 $0x8780  }
0x5c: {  	(v2sf) =	vpush v5, $0x9;
	[tilespmem:s20], [sflag:$0x1] =	stream.linear.gather [hbm4b:s10+s4], $0x80, $0x38;
	[tilespmem:$0x10A00] =	vst v63  }
0x5d: {  	s9 =	sadd.s32 s5, s9;
	s14 =	sand.u32 $0x1FFFFFF0, s12;
	(v2sf) =	vpush v6, $0xA;
	s10 =	sand.u32 $0x1FFFFFF0, s11  }
0x5e: {  	[tilespmem:s1], [sflag:$0x1] =	stream.linear.gather [hbm4b:s9+s4], $0x80, $0x38;
	[tilespmem:$0x10A00] =	vst v63  }
0x5f: {  	s15 =	spop (v2sf);
	s11 =	simm.s32 $0x8A80;
	(v2sf) =	vpush v5, $0xA;
	s13 =	sadd.s32 s6, s10  }
0x60: {  	[tilespmem:s26], [sflag:$0x1] =	stream.linear.gather [hbm4b:s13+s4], $0x80, $0x38;
	[tilespmem:$0x10A00] =	vst v63  }
0x61: {  	s16 =	sadd.s32 s5, s14;
	s2 =	sand.u32 $0x1FFFFFF0, s15;
	s20 =	simm.s32 $0x780  }
0x62: {  	[tilespmem:s29], [sflag:$0x1] =	stream.linear.gather [hbm4b:s16+s4], $0x80, $0x38;
	[tilespmem:$0x10A00] =	vst v63  }
0x63: {  	s15 =	simm.s32 $0x900;
	s2 =	sadd.s32 s6, s2;
	s18 =	spop (v2sf)  }
0x64: {  	[tilespmem:s17], [sflag:$0x1] =	stream.linear.gather [hbm4b:s2+s4], $0x80, $0x38;
	[tilespmem:$0x10A00] =	vst v63  }
0x65: {  	s1 =	simm.s32 $0x8980;
	(v2sf) =	vpush v6, $0xB;
	s9 =	sand.u32 $0x1FFFFFF0, s18;
	s19 =	spop (v2sf)  }
0x66: {  	s26 =	simm.s32 $0x800;
	s21 =	sadd.s32 s5, s9;
	s24 =	spop (v2sf)  }
0x67: {  	(v2sf) =	vpush v5, $0xB;
	[tilespmem:s20], [sflag:$0x1] =	stream.linear.gather [hbm4b:s21+s4], $0x80, $0x38;
	[tilespmem:$0x10A00] =	vst v63  }
0x68: {  	s13 =	simm.s32 $0x8880;
	s22 =	sand.u32 $0x1FFFFFF0, s19;
	s28 =	spop (v2sf)  }
0x69: {  	s9 =	sadd.s32 s6, s22;
	s8 =	sand.u32 $0x1FFFFFF0, s24;
	s29 =	spop (v2sf)  }
0x6a: {  	[tilespmem:s23], [sflag:$0x1] =	stream.linear.gather [hbm4b:s9+s4], $0x80, $0x38;
	[tilespmem:$0x10A00] =	vst v63  }
0x6b: {  	(v2sf) =	vpush v6, $0xC;
	s24 =	simm.s32 $0x980;
	s8 =	sadd.s32 s5, s8;
	s14 =	spop (v2sf)  }
0x6c: {  	s9 =	sand.u32 $0x1FFFFFF0, s28;
	s12 =	sand.u32 $0x1FFFFFF0, s29;
	s16 =	spop (v2sf)  }
0x6d: {  	(v2sf) =	vpush v5, $0xC;
	[tilespmem:s26], [sflag:$0x1] =	stream.linear.gather [hbm4b:s8+s4], $0x80, $0x38;
	[tilespmem:$0x10A00] =	vst v63  }
0x6e: {  	s9 =	sadd.s32 s6, s9;
	s8 =	simm.s32 $0x8800;
	s17 =	spop (v2sf)  }
0x6f: {  	[tilespmem:s8], [sflag:$0x1] =	stream.linear.gather [hbm4b:s9+s4], $0x80, $0x38;
	[tilespmem:$0x10A00] =	vst v63  }
0x70: {  	s19 =	sand.u32 $0x1FFFFFF0, s17;
	s9 =	sadd.s32 s5, s12;
	s8 =	sand.u32 $0x1FFFFFF0, s14  }
0x71: {  	[tilespmem:s0], [sflag:$0x1] =	stream.linear.gather [hbm4b:s9+s4], $0x80, $0x38;
	[tilespmem:$0x10A00] =	vst v63  }
0x72: {  	s17 =	simm.s32 $0xB00;
	s8 =	sadd.s32 s6, s8;
	s9 =	sand.u32 $0x1FFFFFF0, s16  }
0x73: {  	[tilespmem:s13], [sflag:$0x1] =	stream.linear.gather [hbm4b:s8+s4], $0x80, $0x38;
	[tilespmem:$0x10A00] =	vst v63  }
0x74: {  	s21 =	sadd.s32 s6, s19;
	s18 =	sadd.s32 s5, s9;
	s20 =	spop (v2sf)  }
0x75: {  	[tilespmem:s15], [sflag:$0x1] =	stream.linear.gather [hbm4b:s18+s4], $0x80, $0x38;
	[tilespmem:$0x10A00] =	vst v63  }
0x76: {  	s14 =	simm.s32 $0x10;
	s22 =	sand.u32 $0x1FFFFFF0, s20;
	s23 =	spop (v2sf)  }
0x77: {  	(v2sf) =	vpush v6, $0xD;
	[tilespmem:s7], [sflag:$0x1] =	stream.linear.gather [hbm4b:s21+s4], $0x80, $0x38;
	[tilespmem:$0x10A00] =	vst v63  }
0x78: {  	s16 =	simm.s32 $0x8B00;
	(v2sf) =	vpush v5, $0xD;
	s2 =	sadd.s32 s5, s22;
	s26 =	sand.u32 $0x1FFFFFF0, s23  }
0x79: {  	(v2sf) =	vpush v6, $0xE;
	[tilespmem:s24], [sflag:$0x1] =	stream.linear.gather [hbm4b:s2+s4], $0x80, $0x38;
	[tilespmem:$0x10A00] =	vst v63  }
0x7a: {  	s18 =	simm.s32 $0xA00;
	s28 =	sadd.s32 s6, s26;
	(v2sf) =	vpush v5, $0xE;
	s29 =	spop (v2sf)  }
0x7b: {  	(v2sf) =	vpush v6, $0xF;
	[tilespmem:s1], [sflag:$0x1] =	stream.linear.gather [hbm4b:s28+s4], $0x80, $0x38;
	[tilespmem:$0x10A00] =	vst v63  }
0x7c: {  	s15 =	simm.s32 $0x210;
	s0 =	sand.u32 $0x1FFFFFF0, s29;
	(v2sf) =	vpush v5, $0xF;
	s1 =	spop (v2sf)  }
.LBB2_2:
0x7d: {  	_ =	sdelay $0x4  }
0x7e: {  	s0 =	sadd.s32 s5, s0;
	s1 =	sand.u32 $0x1FFFFFF0, s1  }
0x7f: {  	[tilespmem:s18], [sflag:$0x1] =	stream.linear.gather [hbm4b:s0+s4], $0x80, $0x38;
	[tilespmem:$0x10A00] =	vst v63  }
0x80: {  	s13 =	sadd.s32 s6, s1  }
0x81: {  	[tilespmem:s25], [sflag:$0x1] =	stream.linear.gather [hbm4b:s13+s4], $0x80, $0x38;
	[tilespmem:$0x10A00] =	vst v63  }
0x82: {  	s2 =	spop (v2sf)  }
0x83: {  	s18 =	sand.u32 $0x1FFFFFF0, s2;
	s19 =	spop (v2sf)  }
0x84: {  	s20 =	sadd.s32 s5, s18;
	s21 =	sand.u32 $0x1FFFFFF0, s19;
	s22 =	spop (v2sf)  }
0x85: {  	[tilespmem:s3], [sflag:$0x1] =	stream.linear.gather [hbm4b:s20+s4], $0x80, $0x38;
	[tilespmem:$0x10A00] =	vst v63  }
0x86: {  	s23 =	sadd.s32 s6, s21;
	s24 =	sand.u32 $0x1FFFFFF0, s22;
	s25 =	spop (v2sf)  }
0x87: {  	[tilespmem:s11], [sflag:$0x1] =	stream.linear.gather [hbm4b:s23+s4], $0x80, $0x38;
	[tilespmem:$0x10A00] =	vst v63  }
0x88: {  	s26 =	sadd.s32 s5, s24;
	s28 =	sand.u32 $0x1FFFFFF0, s25;
	s29 =	spop (v2sf)  }
0x89: {  	[tilespmem:s17], [sflag:$0x1] =	stream.linear.gather [hbm4b:s26+s4], $0x80, $0x38;
	[tilespmem:$0x10A00] =	vst v63  }
0x8a: {  	s1 =	sadd.s32 s6, s28;
	s2 =	sand.u32 $0x1FFFFFF0, s29;
	s3 =	spop (v2sf)  }
0x8b: {  	[tilespmem:s16], [sflag:$0x1] =	stream.linear.gather [hbm4b:s1+s4], $0x80, $0x38;
	[tilespmem:$0x10A00] =	vst v63  }
0x8c: {  	s7 =	sadd.s32 $0xB80, s30;
	s1 =	sadd.s32 s5, s2;
	s2 =	sand.u32 $0x1FFFFFF0, s3  }
0x8d: {  	[tilespmem:s7], [sflag:$0x1] =	stream.linear.gather [hbm4b:s1+s4], $0x80, $0x38;
	[tilespmem:$0x10A00] =	vst v63  }
0x8e: {  	s8 =	sadd.s32 $0x8B80, s30;
	s9 =	sadd.s32 s6, s2  }
0x8f: {  	[tilespmem:s8], [sflag:$0x1] =	stream.linear.gather [hbm4b:s9+s4], $0x80, $0x38;
	[tilespmem:$0x10A00] =	vst v63  }
0x90: {  	v5 =	vld [tilespmem:s14+$0x0]  }
0x91: {  	v7 =	vld [tilespmem:s15+$0x0];
	_ =	sdelay $0x3  }
0x92: {  	v6 =	vshll.u32 v5, $0x4  }
0x93: {  	s10 =	smov.u32 s31;
	v5 =	vshll.u32 v7, $0x4;
	(v2sf) =	vpush v6, $0x0  }
0x94: {  	s30 =	sshra.s32 s10, $0x2;
	(v2sf) =	vpush v5, $0x0  }
0x95: {  	p0 =	sne.s32 s31, $0x1E000;
	s31 =	sadd.s32 $0x2000, s31;
	s0 =	sadd.s32 $0x880, s30;
	(v2sf) =	vpush v6, $0x1  }
0x96: {  	s12 =	sadd.s32 $0x600, s30;
	[dreg:$0xb] =	wrdreg s0;
	s13 =	sadd.s32 $0xA80, s30  }
0x97: {  	s10 =	sadd.s32 $0x8700, s30;
	[dreg:$0x5] =	wrdreg s13;
	s13 =	sadd.s32 $0x980, s30;
	(v2sf) =	vpush v5, $0x1  }
0x98: {  	s0 =	sadd.s32 $0x8A80, s30;
	[dreg:$0x11] =	wrdreg s13;
	s19 =	sadd.s32 $0x500, s30  }
0x99: {  	s18 =	sadd.s32 $0x900, s30;
	s20 =	sadd.s32 $0x8400, s30;
	s22 =	sadd.s32 $0x400, s30;
	(v2sf) =	vpush v6, $0x2  }
0x9a: {  	s21 =	sadd.s32 $0x8480, s30;
	[dreg:$0xd] =	wrdreg s18;
	s18 =	sadd.s32 $0xA00, s30  }
0x9b: {  	s25 =	sadd.s32 $0x8A00, s30;
	s24 =	sadd.s32 $0x800, s30;
	s11 =	sadd.s32 $0x8900, s30;
	(v2sf) =	vpush v5, $0x2  }
0x9c: {  	s29 =	sadd.s32 $0x8580, s30;
	s23 =	sadd.s32 $0x8800, s30;
	[dreg:$0x15] =	wrdreg s24  }
0x9d: {  	s28 =	sadd.s32 $0x8780, s30;
	[dreg:$0x7] =	wrdreg s11;
	s11 =	sadd.s32 $0x8600, s30;
	(v2sf) =	vpush v6, $0x3  }
0x9e: {  	[dreg:$0x13] =	wrdreg s23;
	s23 =	sadd.s32 $0x480, s30;
	s17 =	sadd.s32 $0x8880, s30  }
0x9f: {  	s26 =	sadd.s32 $0x580, s30;
	[dreg:$0xf] =	wrdreg s17;
	s16 =	sadd.s32 $0x8980, s30;
	(v2sf) =	vpush v5, $0x3  }
0xa0: {  	s17 =	sadd.s32 $0xB00, s30;
	s2 =	sadd.s32 $0x8500, s30;
	[dreg:$0x9] =	wrdreg s16  }
0xa1: {  	s16 =	sadd.s32 $0x8B00, s30;
	s7 =	sadd.s32 $0x680, s30;
	s1 =	sadd.s32 $0x8680, s30;
	(v2sf) =	vpush v6, $0x4  }
0xa2: {  	s8 =	sadd.s32 $0x700, s30;
	s9 =	sadd.s32 $0x780, s30;
	s24 =	spop (v2sf)  }
0xa3: {  	s14 =	sadd.s32 $0x10, s14;
	s24 =	sand.u32 $0x1FFFFFF0, s24;
	s13 =	spop (v2sf);
	(v2sf) =	vpush v5, $0x4  }
0xa4: {  	s24 =	sadd.s32 s5, s24;
	s3 =	sand.u32 $0x1FFFFFF0, s13;
	s13 =	spop (v2sf)  }
0xa5: {  	(v2sf) =	vpush v6, $0x5;
	[tilespmem:s22], [sflag:$0x1] =	stream.linear.gather [hbm4b:s24+s4], $0x80, $0x38;
	[tilespmem:$0x10A00] =	vst v63  }
0xa6: {  	s3 =	sadd.s32 s6, s3;
	s13 =	sand.u32 $0x1FFFFFF0, s13;
	s24 =	spop (v2sf);
	(v2sf) =	vpush v5, $0x5  }
0xa7: {  	[tilespmem:s20], [sflag:$0x1] =	stream.linear.gather [hbm4b:s3+s4], $0x80, $0x38;
	[tilespmem:$0x10A00] =	vst v63  }
0xa8: {  	s22 =	sand.u32 $0x1FFFFFF0, s24;
	s24 =	spop (v2sf);
	(v2sf) =	vpush v6, $0x6;
	s20 =	sadd.s32 s5, s13  }
0xa9: {  	[tilespmem:s23], [sflag:$0x1] =	stream.linear.gather [hbm4b:s20+s4], $0x80, $0x38;
	[tilespmem:$0x10A00] =	vst v63  }
0xaa: {  	s22 =	sadd.s32 s6, s22;
	s23 =	sand.u32 $0x1FFFFFF0, s24;
	s24 =	spop (v2sf);
	(v2sf) =	vpush v5, $0x6  }
0xab: {  	[tilespmem:s21], [sflag:$0x1] =	stream.linear.gather [hbm4b:s22+s4], $0x80, $0x38;
	[tilespmem:$0x10A00] =	vst v63  }
0xac: {  	s13 =	sadd.s32 s5, s23;
	s20 =	sand.u32 $0x1FFFFFF0, s24;
	s21 =	spop (v2sf)  }
0xad: {  	(v2sf) =	vpush v6, $0x7;
	[tilespmem:s19], [sflag:$0x1] =	stream.linear.gather [hbm4b:s13+s4], $0x80, $0x38;
	[tilespmem:$0x10A00] =	vst v63  }
0xae: {  	s22 =	sadd.s32 s6, s20;
	s23 =	sand.u32 $0x1FFFFFF0, s21;
	s24 =	spop (v2sf)  }
0xaf: {  	(v2sf) =	vpush v5, $0x7;
	[tilespmem:s2], [sflag:$0x1] =	stream.linear.gather [hbm4b:s22+s4], $0x80, $0x38;
	[tilespmem:$0x10A00] =	vst v63  }
0xb0: {  	s20 =	sadd.s32 s5, s23;
	s21 =	sand.u32 $0x1FFFFFF0, s24;
	s22 =	spop (v2sf)  }
0xb1: {  	(v2sf) =	vpush v6, $0x8;
	[tilespmem:s26], [sflag:$0x1] =	stream.linear.gather [hbm4b:s20+s4], $0x80, $0x38;
	[tilespmem:$0x10A00] =	vst v63  }
0xb2: {  	s15 =	sadd.s32 $0x10, s15;
	s23 =	sadd.s32 s6, s21;
	s26 =	spop (v2sf)  }
0xb3: {  	[tilespmem:s29], [sflag:$0x1] =	stream.linear.gather [hbm4b:s23+s4], $0x80, $0x38;
	[tilespmem:$0x10A00] =	vst v63  }
0xb4: {  	s24 =	sand.u32 $0x1FFFFFF0, s22;
	s19 =	sand.u32 $0x1FFFFFF0, s26;
	s20 =	spop (v2sf)  }
0xb5: {  	s3 =	sadd.s32 s5, s24;
	(v2sf) =	vpush v5, $0x8;
	s21 =	sadd.s32 s6, s19;
	s23 =	spop (v2sf)  }
0xb6: {  	(v2sf) =	vpush v6, $0x9;
	[tilespmem:s12], [sflag:$0x1] =	stream.linear.gather [hbm4b:s3+s4], $0x80, $0x38;
	[tilespmem:$0x10A00] =	vst v63  }
0xb7: {  	s22 =	sand.u32 $0x1FFFFFF0, s20;
	s26 =	sand.u32 $0x1FFFFFF0, s23;
	s29 =	spop (v2sf)  }
0xb8: {  	(v2sf) =	vpush v5, $0x9;
	[tilespmem:s11], [sflag:$0x1] =	stream.linear.gather [hbm4b:s21+s4], $0x80, $0x38;
	[tilespmem:$0x10A00] =	vst v63  }
0xb9: {  	s24 =	sadd.s32 s5, s22;
	s3 =	sadd.s32 s6, s26;
	s12 =	spop (v2sf)  }
0xba: {  	(v2sf) =	vpush v6, $0xA;
	[tilespmem:s7], [sflag:$0x1] =	stream.linear.gather [hbm4b:s24+s4], $0x80, $0x38;
	[tilespmem:$0x10A00] =	vst v63  }
0xbb: {  	s11 =	smov.u32 s0;
	s7 =	sand.u32 $0x1FFFFFF0, s29;
	s19 =	sand.u32 $0x1FFFFFF0, s12  }
0xbc: {  	s13 =	sadd.s32 s5, s7;
	s20 =	spop (v2sf);
	s21 =	sadd.s32 s6, s19  }
0xbd: {  	[tilespmem:s1], [sflag:$0x1] =	stream.linear.gather [hbm4b:s3+s4], $0x80, $0x38;
	[tilespmem:$0x10A00] =	vst v63  }
0xbe: {  	(v2sf) =	vpush v5, $0xA;
	s22 =	sand.u32 $0x1FFFFFF0, s20;
	s23 =	spop (v2sf);
	s20 =	rddreg [dreg:$0x13]  }
0xbf: {  	[tilespmem:s8], [sflag:$0x1] =	stream.linear.gather [hbm4b:s13+s4], $0x80, $0x38;
	[tilespmem:$0x10A00] =	vst v63  }
0xc0: {  	(v2sf) =	vpush v6, $0xB;
	s24 =	sadd.s32 s5, s22;
	s26 =	sand.u32 $0x1FFFFFF0, s23;
	s29 =	spop (v2sf)  }
0xc1: {  	[tilespmem:s10], [sflag:$0x1] =	stream.linear.gather [hbm4b:s21+s4], $0x80, $0x38;
	[tilespmem:$0x10A00] =	vst v63  }
0xc2: {  	s1 =	sadd.s32 s6, s26;
	s2 =	sand.u32 $0x1FFFFFF0, s29;
	s10 =	rddreg [dreg:$0x15]  }
0xc3: {  	[tilespmem:s9], [sflag:$0x1] =	stream.linear.gather [hbm4b:s24+s4], $0x80, $0x38;
	[tilespmem:$0x10A00] =	vst v63  }
0xc4: {  	(v2sf) =	vpush v5, $0xB;
	s7 =	sadd.s32 s5, s2;
	s3 =	spop (v2sf);
	s24 =	rddreg [dreg:$0xb]  }
0xc5: {  	(v2sf) =	vpush v6, $0xC;
	s8 =	sand.u32 $0x1FFFFFF0, s3;
	s9 =	spop (v2sf);
	s3 =	rddreg [dreg:$0x5]  }
0xc6: {  	[tilespmem:s28], [sflag:$0x1] =	stream.linear.gather [hbm4b:s1+s4], $0x80, $0x38;
	[tilespmem:$0x10A00] =	vst v63  }
0xc7: {  	(v2sf) =	vpush v5, $0xC;
	s12 =	sadd.s32 s6, s8;
	s13 =	sand.u32 $0x1FFFFFF0, s9;
	s19 =	spop (v2sf)  }
0xc8: {  	[tilespmem:s10], [sflag:$0x1] =	stream.linear.gather [hbm4b:s7+s4], $0x80, $0x38;
	[tilespmem:$0x10A00] =	vst v63  }
0xc9: {  	s21 =	sadd.s32 s5, s13;
	s22 =	sand.u32 $0x1FFFFFF0, s19;
	s23 =	spop (v2sf)  }
0xca: {  	[tilespmem:s20], [sflag:$0x1] =	stream.linear.gather [hbm4b:s12+s4], $0x80, $0x38;
	[tilespmem:$0x10A00] =	vst v63  }
0xcb: {  	s26 =	sadd.s32 s6, s22;
	s28 =	sand.u32 $0x1FFFFFF0, s23;
	s7 =	rddreg [dreg:$0xf]  }
0xcc: {  	[tilespmem:s24], [sflag:$0x1] =	stream.linear.gather [hbm4b:s21+s4], $0x80, $0x38;
	[tilespmem:$0x10A00] =	vst v63  }
0xcd: {  	s8 =	sadd.s32 s5, s28;
	s29 =	spop (v2sf);
	s12 =	rddreg [dreg:$0xd]  }
0xce: {  	[tilespmem:s7], [sflag:$0x1] =	stream.linear.gather [hbm4b:s26+s4], $0x80, $0x38;
	[tilespmem:$0x10A00] =	vst v63  }
0xcf: {  	s9 =	sand.u32 $0x1FFFFFF0, s29;
	s29 =	rddreg [dreg:$0x9];
	s10 =	spop (v2sf)  }
0xd0: {  	[tilespmem:s12], [sflag:$0x1] =	stream.linear.gather [hbm4b:s8+s4], $0x80, $0x38;
	[tilespmem:$0x10A00] =	vst v63  }
0xd1: {  	s13 =	sadd.s32 s6, s9;
	s21 =	rddreg [dreg:$0x7];
	s19 =	sand.u32 $0x1FFFFFF0, s10  }
0xd2: {  	(v2sf) =	vpush v6, $0xD;
	[tilespmem:s21], [sflag:$0x1] =	stream.linear.gather [hbm4b:s13+s4], $0x80, $0x38;
	[tilespmem:$0x10A00] =	vst v63  }
.Ltmp0:
0xd3: {  	(v2sf) =	vpush v5, $0xD;
	s20 =	spop (v2sf);
	s22 =	sadd.s32 s5, s19;
	(pc) =	sbr.rel @p0 .LBB2_2-.Ltmp0, $4  }
0xd4: {  	(v2sf) =	vpush v6, $0xE;
	s23 =	sand.u32 $0x1FFFFFF0, s20;
	s26 =	rddreg [dreg:$0x11];
	s24 =	spop (v2sf)  }
0xd5: {  	(v2sf) =	vpush v5, $0xE;
	[tilespmem:s26], [sflag:$0x1] =	stream.linear.gather [hbm4b:s22+s4], $0x80, $0x38;
	[tilespmem:$0x10A00] =	vst v63  }
0xd6: {  	(v2sf) =	vpush v6, $0xF;
	s28 =	sadd.s32 s6, s23;
	s0 =	sand.u32 $0x1FFFFFF0, s24;
	s1 =	spop (v2sf)  }
0xd7: {  	(v2sf) =	vpush v5, $0xF;
	[tilespmem:s29], [sflag:$0x1] =	stream.linear.gather [hbm4b:s28+s4], $0x80, $0x38;
	[tilespmem:$0x10A00] =	vst v63  }
0xd8: {  	_ =	sdelay $0x4  }
0xd9: {  	s0 =	sadd.s32 s5, s0;
	s1 =	sand.u32 $0x1FFFFFF0, s1  }
0xda: {  	[tilespmem:s18], [sflag:$0x1] =	stream.linear.gather [hbm4b:s0+s4], $0x80, $0x38;
	[tilespmem:$0x10A00] =	vst v63  }
0xdb: {  	s7 =	sadd.s32 s6, s1  }
0xdc: {  	[tilespmem:s25], [sflag:$0x1] =	stream.linear.gather [hbm4b:s7+s4], $0x80, $0x38;
	[tilespmem:$0x10A00] =	vst v63  }
0xdd: {  	s2 =	spop (v2sf)  }
0xde: {  	s8 =	sand.u32 $0x1FFFFFF0, s2;
	s9 =	spop (v2sf)  }
0xdf: {  	s10 =	sadd.s32 s5, s8;
	s12 =	sand.u32 $0x1FFFFFF0, s9;
	s13 =	spop (v2sf)  }
0xe0: {  	[tilespmem:s3], [sflag:$0x1] =	stream.linear.gather [hbm4b:s10+s4], $0x80, $0x38;
	[tilespmem:$0x10A00] =	vst v63  }
0xe1: {  	s14 =	sadd.s32 s6, s12;
	s15 =	sand.u32 $0x1FFFFFF0, s13;
	s18 =	spop (v2sf)  }
0xe2: {  	[tilespmem:s11], [sflag:$0x1] =	stream.linear.gather [hbm4b:s14+s4], $0x80, $0x38;
	[tilespmem:$0x10A00] =	vst v63  }
0xe3: {  	s19 =	sadd.s32 s5, s15;
	s20 =	sand.u32 $0x1FFFFFF0, s18;
	s21 =	spop (v2sf)  }
0xe4: {  	[tilespmem:s17], [sflag:$0x1] =	stream.linear.gather [hbm4b:s19+s4], $0x80, $0x38;
	[tilespmem:$0x10A00] =	vst v63  }
0xe5: {  	s22 =	sadd.s32 s6, s20;
	s23 =	sand.u32 $0x1FFFFFF0, s21;
	s24 =	spop (v2sf)  }
0xe6: {  	[tilespmem:s16], [sflag:$0x1] =	stream.linear.gather [hbm4b:s22+s4], $0x80, $0x38;
	[tilespmem:$0x10A00] =	vst v63  }
0xe7: {  	s25 =	sadd.s32 $0xB80, s30;
	s1 =	sadd.s32 s5, s23;
	s2 =	sand.u32 $0x1FFFFFF0, s24  }
0xe8: {  	[tilespmem:s25], [sflag:$0x1] =	stream.linear.gather [hbm4b:s1+s4], $0x80, $0x38;
	[tilespmem:$0x10A00] =	vst v63  }
0xe9: {  	s26 =	sadd.s32 $0x8B80, s30;
	s29 =	simm.s32 $0x1;
	s28 =	sadd.s32 s6, s2  }
0xea: {  	[tilespmem:s26], [sflag:$0x1] =	stream.linear.gather [hbm4b:s28+s4], $0x80, $0x38;
	[tilespmem:$0x10A00] =	vst v63  }
0xeb: {  	_ =	swait.ge [sflag:s29], $0x8000  }
0xec: {  	[sflag:s29] =	ssyncset.done $0x0  }
0xed: {  	[sflag:s29] =	ssyncadd.s32 $0xFFFF8000  }
0xee: {  	_ =	swait.ge [sflag:s29], $0x8000  }
0xef: {  	[sflag:s29] =	ssyncset.done $0x0  }
0xf0: {  	s30 =	simm.s32 $0x8800;
	[sflag:s29] =	ssyncadd.s32 $0xFFFF8000  }
0xf1: {  	s31 =	simm.s32 $0x800;
	v5 =	vld [tilespmem:s30+$0xFFFFFC00]  }
0xf2: {  	v6 =	vld [tilespmem:s31+$0xFFFFFC00]  }
0xf3: {  	v7 =	vld [tilespmem:s31+$0xFFFFFC10]  }
0xf4: {  	v8 =	vld [tilespmem:s30+$0xFFFFFC10]  }
0xf5: {  	v9 =	vld [tilespmem:s31+$0xFFFFFC80]  }
0xf6: {  	v10 =	vld [tilespmem:s30+$0xFFFFFC80]  }
0xf7: {  	v11 =	vld [tilespmem:s31+$0xFFFFFC90]  }
0xf8: {  	v12 =	vld [tilespmem:s30+$0xFFFFFC90]  }
0xf9: {  	v13 =	vld [tilespmem:s31+$0xFFFFFD00]  }
0xfa: {  	v14 =	vld [tilespmem:s30+$0xFFFFFD00]  }
0xfb: {  	v15 =	vld [tilespmem:s31+$0xFFFFFD10]  }
0xfc: {  	v16 =	vld [tilespmem:s30+$0xFFFFFD10]  }
0xfd: {  	v17 =	vld [tilespmem:s31+$0xFFFFFD80]  }
0xfe: {  	v18 =	vld [tilespmem:s30+$0xFFFFFD80]  }
0xff: {  	v19 =	vld [tilespmem:s31+$0xFFFFFD90]  }
0x100: {  	v20 =	vld [tilespmem:s30+$0xFFFFFD90]  }
0x101: {  	v21 =	vld [tilespmem:s31+$0xFFFFFE00]  }
0x102: {  	v22 =	vld [tilespmem:s30+$0xFFFFFE00]  }
0x103: {  	v23 =	vld [tilespmem:s31+$0xFFFFFE10]  }
0x104: {  	v24 =	vld [tilespmem:s30+$0xFFFFFE10]  }
0x105: {  	v25 =	vld [tilespmem:s31+$0xFFFFFE80]  }
0x106: {  	v26 =	vld [tilespmem:s30+$0xFFFFFE80]  }
0x107: {  	v27 =	vld [tilespmem:s31+$0xFFFFFE90]  }
0x108: {  	v28 =	vld [tilespmem:s30+$0xFFFFFE90]  }
0x109: {  	v29 =	vld [tilespmem:s31+$0xFFFFFF00]  }
0x10a: {  	v30 =	vld [tilespmem:s30+$0xFFFFFF00]  }
0x10b: {  	v31 =	vld [tilespmem:s31+$0xFFFFFF10]  }
0x10c: {  	v32 =	vld [tilespmem:s30+$0xFFFFFF10]  }
0x10d: {  	v33 =	vld [tilespmem:s31+$0xFFFFFF80]  }
0x10e: {  	v34 =	vld [tilespmem:s30+$0xFFFFFF80]  }
0x10f: {  	v35 =	vld [tilespmem:s31+$0xFFFFFF90]  }
0x110: {  	v36 =	vld [tilespmem:s30+$0xFFFFFF90]  }
0x111: {  	v37 =	vld [tilespmem:s31+$0x0]  }
0x112: {  	v38 =	vld [tilespmem:s30+$0x0]  }
0x113: {  	v39 =	vld [tilespmem:s31+$0x10]  }
0x114: {  	v40 =	vld [tilespmem:s30+$0x10]  }
0x115: {  	v41 =	vld [tilespmem:s31+$0x80]  }
0x116: {  	v42 =	vld [tilespmem:s30+$0x80]  }
0x117: {  	v43 =	vld [tilespmem:s31+$0x90]  }
0x118: {  	v44 =	vld [tilespmem:s30+$0x90]  }
0x119: {  	v45 =	vld [tilespmem:s31+$0x100]  }
0x11a: {  	v46 =	vld [tilespmem:s30+$0x100];
	v5 =	vmul.f32 v5, v6;
	v6 =	vmul.f32 v8, v7  }
0x11b: {  	v47 =	vld [tilespmem:s31+$0x110];
	v7 =	vmul.f32 v10, v9;
	v8 =	vmul.f32 v12, v11  }
0x11c: {  	v48 =	vld [tilespmem:s30+$0x110];
	v9 =	vmul.f32 v16, v15;
	v11 =	vadd.f32 v6, v5;
	v6 =	vmul.f32 v14, v13  }
0x11d: {  	v10 =	vmul.f32 v20, v19;
	v7 =	vadd.f32 v8, v7;
	v8 =	vmul.f32 v18, v17;
	v5 =	vld [tilespmem:s31+$0x180]  }
0x11e: {  	v12 =	vadd.f32 v9, v6;
	v6 =	vld [tilespmem:s30+$0x180]  }
0x11f: {  	v13 =	vadd.f32 v10, v8;
	v8 =	vld [tilespmem:s31+$0x190]  }
0x120: {  	v19 =	vmul.f32 v24, v23;
	v18 =	vmul.f32 v22, v21;
	v9 =	vld [tilespmem:s30+$0x190]  }
0x121: {  	v20 =	vmul.f32 v28, v27;
	v10 =	vld [tilespmem:s31+$0x200]  }
0x122: {  	v14 =	vperm.xlane v11, v0;
	v15 =	vperm.xlane v7, v0;
	v21 =	vadd.f32 v19, v18;
	v18 =	vld [tilespmem:s31+$0x290]  }
0x123: {  	v27 =	vmul.f32 v32, v31;
	v19 =	vld [tilespmem:s30+$0x290];
	v16 =	vperm.xlane v12, v0  }
0x124: {  	v17 =	vadd.f32 v14, v11;
	v7 =	vadd.f32 v15, v7;
	v15 =	vperm.xlane v13, v0;
	v11 =	vld [tilespmem:s30+$0x200]  }
0x125: {  	v28 =	vmul.f32 v34, v33;
	v14 =	vld [tilespmem:s31+$0x210];
	v12 =	vadd.f32 v16, v12;
	v16 =	vmul.f32 v26, v25  }
0x126: {  	v31 =	vmul.f32 v38, v37;
	v23 =	vperm.xlane v21, v0;
	v13 =	vadd.f32 v15, v13;
	v15 =	vld [tilespmem:s30+$0x210]  }
0x127: {  	v59 =	vmul.f32 v40, v39;
	v7 =	vsel vm3, v17, v7;
	v17 =	vld [tilespmem:s30+$0x280];
	v22 =	vadd.f32 v20, v16  }
0x128: {  	v60 =	vmul.f32 v42, v41;
	v26 =	vmul.f32 v30, v29;
	v30 =	vadd.f32 v23, v21;
	v21 =	vld [tilespmem:s30+$0x300]  }
0x129: {  	v61 =	vmul.f32 v44, v43;
	v23 =	vld [tilespmem:s30+$0x310];
	v25 =	vperm.xlane v22, v0  }
0x12a: {  	v33 =	vmul.f32 v46, v45;
	v29 =	vmul.f32 v36, v35;
	v16 =	vld [tilespmem:s31+$0x280];
	v12 =	vsel vm3, v12, v13  }
0x12b: {  	v13 =	vperm.xlane v7, v1;
	v20 =	vld [tilespmem:s31+$0x300];
	v62 =	vadd.f32 v27, v26;
	v25 =	vadd.f32 v25, v22  }
0x12c: {  	v36 =	vmul.f32 v48, v47;
	v29 =	vadd.f32 v29, v28;
	v27 =	vadd.f32 v61, v60;
	v26 =	vld [tilespmem:s30+$0x380]  }
0x12d: {  	v28 =	vld [tilespmem:s31+$0x390];
	v24 =	vperm.xlane v12, v1;
	v7 =	vadd.f32 v13, v7;
	v13 =	vsel vm3, v30, v25  }
0x12e: {  	v63 =	vperm.xlane v62, v0;
	v22 =	vld [tilespmem:s31+$0x310];
	v30 =	vadd.f32 v59, v31;
	v31 =	vperm.xlane v13, v1  }
0x12f: {  	v34 =	vperm.xlane v29, v0;
	v32 =	vperm.xlane v27, v0;
	v12 =	vadd.f32 v24, v12;
	v25 =	vld [tilespmem:s31+$0x380]  }
0x130: {  	s3 =	simm.s32 $0x40;
	s2 =	simm.s32 $0x0;
	v24 =	vadd.f32 v63, v62;
	v35 =	vperm.xlane v30, v0;
	v13 =	vadd.f32 v31, v13;
	v31 =	vld [tilespmem:s30+$0x390]  }
.LBB2_4:
0x131: {  	p0 =	sne.s32 s3, $0x3C0;
	v5 =	vmul.f32 v6, v5;
	v6 =	vmul.f32 v9, v8;
	v8 =	vadd.f32 v34, v29  }
0x132: {  	v9 =	vmul.f32 v11, v10;
	v10 =	vmul.f32 v15, v14;
	v11 =	vadd.f32 v35, v30  }
0x133: {  	v14 =	vmul.f32 v17, v16;
	v15 =	vmul.f32 v19, v18;
	v16 =	vadd.f32 v32, v27  }
0x134: {  	v18 =	vmul.f32 v21, v20;
	v19 =	vmul.f32 v23, v22;
	v17 =	vadd.f32 v36, v33  }
0x135: {  	v5 =	vadd.f32 v6, v5;
	v6 =	vmul.f32 v26, v25;
	v20 =	vmul.f32 v31, v28  }
0x136: {  	v9 =	vadd.f32 v10, v9;
	v10 =	vadd.f32 v15, v14;
	v14 =	vperm.xlane v17, v0  }
0x137: {  	v15 =	vadd.f32 v19, v18;
	v18 =	vperm.xlane v5, v0;
	v6 =	vadd.f32 v20, v6  }
0x138: {  	v19 =	vperm.xlane v10, v0;
	v14 =	vadd.f32 v14, v17;
	v17 =	vperm.xlane v9, v0  }
0x139: {  	v5 =	vadd.f32 v18, v5;
	v18 =	vperm.xlane v15, v0;
	v20 =	vperm.xlane v6, v0  }
0x13a: {  	v8 =	vsel vm3, v24, v8;
	v10 =	vadd.f32 v19, v10;
	v9 =	vadd.f32 v17, v9  }
0x13b: {  	v11 =	vsel vm3, v11, v16;
	v15 =	vadd.f32 v18, v15;
	v6 =	vadd.f32 v20, v6  }
0x13c: {  	v16 =	vperm.xlane v11, v1;
	v5 =	vsel vm3, v14, v5;
	v14 =	vperm.xlane v8, v1  }
0x13d: {  	v9 =	vsel vm3, v9, v10;
	v10 =	vperm.xlane v5, v1;
	v6 =	vsel vm3, v15, v6  }
0x13e: {  	v8 =	vadd.f32 v14, v8;
	v14 =	vperm.xlane v9, v1;
	v15 =	vperm.xlane v6, v1  }
0x13f: {  	v11 =	vadd.f32 v16, v11;
	v5 =	vadd.f32 v10, v5  }
0x140: {  	v7 =	vsel vm0, v7, v12;
	v9 =	vadd.f32 v14, v9;
	v6 =	vadd.f32 v15, v6  }
0x141: {  	v10 =	vperm.xlane v7, v2;
	v8 =	vsel vm0, v13, v8  }
0x142: {  	v5 =	vsel vm0, v11, v5;
	v6 =	vsel vm0, v9, v6;
	v9 =	vperm.xlane v8, v2  }
0x143: {  	v11 =	vperm.xlane v5, v2;
	v12 =	vperm.xlane v6, v2  }
0x144: {  	v7 =	vadd.f32 v10, v7;
	v8 =	vadd.f32 v9, v8  }
0x145: {  	v5 =	vadd.f32 v11, v5;
	v6 =	vadd.f32 v12, v6;
	_ =	sdelay $0x1  }
0x146: {  	v7 =	vsel vm1, v7, v8;
	v5 =	vsel vm1, v5, v6  }
0x147: {  	v6 =	vperm.xlane v7, v3;
	v8 =	vperm.xlane v5, v3  }
0x148: {  	s0 =	sshra.s32 s2, $0x2;
	s2 =	smov.u32 s3  }
0x149: {  	v6 =	vadd.f32 v6, v7;
	v5 =	vadd.f32 v8, v5;
	v7 =	vld [tilespmem:s0+$0x10400];
	_ =	sdelay $0x1  }
0x14a: {  	v5 =	vsel vm2, v6, v5;
	v6 =	vld [tilespmem:s0+$0x10600]  }
0x14b: {  	v5 =	vperm.xlane v5, v4;
	_ =	sdelay $0x1  }
0x14c: {  	v5 =	vadd.f32 v7, v5;
	_ =	sdelay $0x1  }
0x14d: {  	v5 =	vadd.f32 v6, v5;
	_ =	sdelay $0x1  }
0x14e: {  	v5 =	vadd.f32 $7.142857310e-01, v5;
	_ =	sdelay $0x1  }
0x14f: {  	s30 =	sadd.s32 $0x800, s30;
	[tilespmem:s0+$0x10800] =	vst v5  }
0x150: {  	s31 =	sadd.s32 $0x800, s31;
	v5 =	vld [tilespmem:s30+$0xFFFFFC00]  }
0x151: {  	v6 =	vld [tilespmem:s31+$0xFFFFFC00]  }
0x152: {  	v7 =	vld [tilespmem:s31+$0xFFFFFC10]  }
0x153: {  	v8 =	vld [tilespmem:s30+$0xFFFFFC10]  }
0x154: {  	v9 =	vld [tilespmem:s31+$0xFFFFFC80]  }
0x155: {  	v10 =	vld [tilespmem:s30+$0xFFFFFC80]  }
0x156: {  	v11 =	vld [tilespmem:s31+$0xFFFFFC90]  }
0x157: {  	v12 =	vld [tilespmem:s30+$0xFFFFFC90]  }
0x158: {  	v13 =	vld [tilespmem:s31+$0xFFFFFD00]  }
0x159: {  	v14 =	vld [tilespmem:s30+$0xFFFFFD00]  }
0x15a: {  	v15 =	vld [tilespmem:s31+$0xFFFFFD10]  }
0x15b: {  	v16 =	vld [tilespmem:s30+$0xFFFFFD10]  }
0x15c: {  	v17 =	vld [tilespmem:s31+$0xFFFFFD80]  }
0x15d: {  	v18 =	vld [tilespmem:s30+$0xFFFFFD80]  }
0x15e: {  	v19 =	vld [tilespmem:s31+$0xFFFFFD90]  }
0x15f: {  	v20 =	vld [tilespmem:s30+$0xFFFFFD90]  }
0x160: {  	v21 =	vld [tilespmem:s31+$0xFFFFFE00]  }
0x161: {  	v22 =	vld [tilespmem:s30+$0xFFFFFE00]  }
0x162: {  	v23 =	vld [tilespmem:s31+$0xFFFFFE10]  }
0x163: {  	v24 =	vld [tilespmem:s30+$0xFFFFFE10]  }
0x164: {  	v25 =	vld [tilespmem:s31+$0xFFFFFE80]  }
0x165: {  	v26 =	vld [tilespmem:s30+$0xFFFFFE80]  }
0x166: {  	v27 =	vld [tilespmem:s31+$0xFFFFFE90]  }
0x167: {  	v28 =	vld [tilespmem:s30+$0xFFFFFE90]  }
0x168: {  	v29 =	vld [tilespmem:s31+$0xFFFFFF00]  }
0x169: {  	v30 =	vld [tilespmem:s30+$0xFFFFFF00]  }
0x16a: {  	v31 =	vld [tilespmem:s31+$0xFFFFFF10]  }
0x16b: {  	v32 =	vld [tilespmem:s30+$0xFFFFFF10]  }
0x16c: {  	v33 =	vld [tilespmem:s31+$0xFFFFFF80]  }
0x16d: {  	v34 =	vld [tilespmem:s30+$0xFFFFFF80]  }
0x16e: {  	v35 =	vld [tilespmem:s31+$0xFFFFFF90]  }
0x16f: {  	v36 =	vld [tilespmem:s30+$0xFFFFFF90]  }
0x170: {  	v37 =	vld [tilespmem:s31+$0x0]  }
0x171: {  	v38 =	vld [tilespmem:s30+$0x0]  }
0x172: {  	v39 =	vld [tilespmem:s31+$0x10]  }
0x173: {  	v40 =	vld [tilespmem:s30+$0x10]  }
0x174: {  	v41 =	vld [tilespmem:s31+$0x80]  }
0x175: {  	v42 =	vld [tilespmem:s30+$0x80]  }
0x176: {  	v43 =	vld [tilespmem:s31+$0x90]  }
0x177: {  	v44 =	vld [tilespmem:s30+$0x90]  }
0x178: {  	v45 =	vld [tilespmem:s31+$0x100]  }
0x179: {  	v5 =	vmul.f32 v5, v6;
	v6 =	vmul.f32 v8, v7;
	v46 =	vld [tilespmem:s30+$0x100]  }
0x17a: {  	v7 =	vmul.f32 v10, v9;
	v8 =	vmul.f32 v12, v11;
	v47 =	vld [tilespmem:s31+$0x110]  }
0x17b: {  	v11 =	vadd.f32 v6, v5;
	v6 =	vmul.f32 v14, v13;
	v9 =	vmul.f32 v16, v15;
	v48 =	vld [tilespmem:s30+$0x110]  }
0x17c: {  	v7 =	vadd.f32 v8, v7;
	v8 =	vmul.f32 v18, v17;
	v10 =	vmul.f32 v20, v19;
	v5 =	vld [tilespmem:s31+$0x180]  }
0x17d: {  	v12 =	vadd.f32 v9, v6;
	v6 =	vld [tilespmem:s30+$0x180]  }
0x17e: {  	v14 =	vperm.xlane v11, v0;
	v15 =	vperm.xlane v7, v0;
	v13 =	vadd.f32 v10, v8;
	v8 =	vld [tilespmem:s31+$0x190]  }
0x17f: {  	v16 =	vperm.xlane v12, v0;
	v9 =	vld [tilespmem:s30+$0x190]  }
0x180: {  	v17 =	vadd.f32 v14, v11;
	v7 =	vadd.f32 v15, v7;
	v15 =	vperm.xlane v13, v0;
	v10 =	vld [tilespmem:s31+$0x200]  }
0x181: {  	v18 =	vmul.f32 v22, v21;
	v12 =	vadd.f32 v16, v12;
	v19 =	vmul.f32 v24, v23;
	v11 =	vld [tilespmem:s30+$0x200]  }
0x182: {  	v16 =	vmul.f32 v26, v25;
	v13 =	vadd.f32 v15, v13;
	v20 =	vmul.f32 v28, v27;
	v14 =	vld [tilespmem:s31+$0x210]  }
0x183: {  	v7 =	vsel vm3, v17, v7;
	v15 =	vld [tilespmem:s30+$0x210]  }
0x184: {  	v21 =	vadd.f32 v19, v18;
	v12 =	vsel vm3, v12, v13;
	v22 =	vadd.f32 v20, v16;
	v16 =	vld [tilespmem:s31+$0x280]  }
0x185: {  	v13 =	vperm.xlane v7, v1;
	v24 =	vperm.xlane v12, v1;
	v17 =	vld [tilespmem:s30+$0x280]  }
0x186: {  	v23 =	vperm.xlane v21, v0;
	v25 =	vperm.xlane v22, v0;
	v18 =	vld [tilespmem:s31+$0x290]  }
0x187: {  	v26 =	vmul.f32 v30, v29;
	v27 =	vmul.f32 v32, v31;
	v19 =	vld [tilespmem:s30+$0x290]  }
0x188: {  	v30 =	vadd.f32 v23, v21;
	v28 =	vmul.f32 v34, v33;
	v29 =	vmul.f32 v36, v35;
	v20 =	vld [tilespmem:s31+$0x300]  }
0x189: {  	v25 =	vadd.f32 v25, v22;
	v31 =	vmul.f32 v38, v37;
	v32 =	vmul.f32 v40, v39;
	v21 =	vld [tilespmem:s30+$0x300]  }
0x18a: {  	v7 =	vadd.f32 v13, v7;
	v33 =	vmul.f32 v42, v41;
	v34 =	vmul.f32 v44, v43;
	v22 =	vld [tilespmem:s31+$0x310]  }
.Ltmp1:
0x18b: {  	v13 =	vsel vm3, v30, v25;
	v37 =	vadd.f32 v27, v26;
	v29 =	vadd.f32 v29, v28;
	v23 =	vld [tilespmem:s30+$0x310];
	(pc) =	sbr.rel @p0 .LBB2_4-.Ltmp1, $4  }
0x18c: {  	v30 =	vadd.f32 v32, v31;
	v31 =	vperm.xlane v13, v1;
	v27 =	vadd.f32 v34, v33;
	v25 =	vld [tilespmem:s31+$0x380]  }
0x18d: {  	v12 =	vadd.f32 v24, v12;
	v38 =	vperm.xlane v37, v0;
	v34 =	vperm.xlane v29, v0;
	v26 =	vld [tilespmem:s30+$0x380]  }
0x18e: {  	v35 =	vperm.xlane v30, v0;
	v13 =	vadd.f32 v31, v13;
	v32 =	vperm.xlane v27, v0;
	v28 =	vld [tilespmem:s31+$0x390]  }
0x18f: {  	s3 =	sadd.s32 $0x40, s3;
	v24 =	vadd.f32 v38, v37;
	v33 =	vmul.f32 v46, v45;
	v36 =	vmul.f32 v48, v47;
	v31 =	vld [tilespmem:s30+$0x390]  }
0x190: {  	v5 =	vmul.f32 v6, v5  }
0x191: {  	v6 =	vmul.f32 v9, v8;
	v40 =	vmul.f32 v11, v10  }
0x192: {  	v39 =	vadd.f32 v34, v29;
	v41 =	vmul.f32 v15, v14;
	v43 =	vmul.f32 v17, v16  }
0x193: {  	v42 =	vadd.f32 v35, v30;
	v44 =	vmul.f32 v19, v18;
	v47 =	vmul.f32 v21, v20  }
0x194: {  	v48 =	vmul.f32 v23, v22;
	v46 =	vadd.f32 v36, v33;
	v5 =	vadd.f32 v6, v5  }
0x195: {  	v6 =	vmul.f32 v26, v25;
	v9 =	vadd.f32 v41, v40;
	v49 =	vmul.f32 v31, v28  }
0x196: {  	v50 =	vadd.f32 v44, v43;
	v52 =	vadd.f32 v48, v47;
	v51 =	vperm.xlane v46, v0  }
0x197: {  	v53 =	vperm.xlane v5, v0;
	v54 =	vperm.xlane v9, v0;
	v6 =	vadd.f32 v49, v6  }
0x198: {  	v45 =	vadd.f32 v32, v27;
	v55 =	vperm.xlane v50, v0;
	v56 =	vperm.xlane v52, v0  }
0x199: {  	v14 =	vadd.f32 v51, v46;
	v5 =	vadd.f32 v53, v5;
	v20 =	vperm.xlane v6, v0  }
0x19a: {  	v8 =	vsel vm3, v24, v39;
	v9 =	vadd.f32 v54, v9;
	v10 =	vadd.f32 v55, v50  }
0x19b: {  	v11 =	vsel vm3, v42, v45;
	v15 =	vadd.f32 v56, v52;
	v6 =	vadd.f32 v20, v6  }
0x19c: {  	v57 =	vperm.xlane v8, v1;
	v16 =	vperm.xlane v11, v1;
	v5 =	vsel vm3, v14, v5  }
0x19d: {  	v9 =	vsel vm3, v9, v10;
	v58 =	vperm.xlane v5, v1;
	v6 =	vsel vm3, v15, v6  }
0x19e: {  	v8 =	vadd.f32 v57, v8;
	v59 =	vperm.xlane v9, v1;
	v15 =	vperm.xlane v6, v1  }
0x19f: {  	v11 =	vadd.f32 v16, v11;
	v5 =	vadd.f32 v58, v5  }
0x1a0: {  	v7 =	vsel vm0, v7, v12;
	v9 =	vadd.f32 v59, v9;
	v6 =	vadd.f32 v15, v6  }
0x1a1: {  	v60 =	vperm.xlane v7, v2;
	v8 =	vsel vm0, v13, v8  }
0x1a2: {  	v61 =	vperm.xlane v8, v2;
	v5 =	vsel vm0, v11, v5;
	v6 =	vsel vm0, v9, v6  }
0x1a3: {  	v11 =	vperm.xlane v5, v2;
	v62 =	vperm.xlane v6, v2  }
0x1a4: {  	v7 =	vadd.f32 v60, v7;
	v8 =	vadd.f32 v61, v8  }
0x1a5: {  	v5 =	vadd.f32 v11, v5;
	v6 =	vadd.f32 v62, v6;
	_ =	sdelay $0x1  }
0x1a6: {  	v7 =	vsel vm1, v7, v8;
	v5 =	vsel vm1, v5, v6  }
0x1a7: {  	v6 =	vperm.xlane v7, v3;
	v63 =	vperm.xlane v5, v3  }
0x1a8: {  	s0 =	sshra.s32 s2, $0x2  }
0x1a9: {  	v6 =	vadd.f32 v6, v7;
	v7 =	vld [tilespmem:s0+$0x10400];
	v5 =	vadd.f32 v63, v5;
	_ =	sdelay $0x1  }
0x1aa: {  	v5 =	vsel vm2, v6, v5;
	v6 =	vld [tilespmem:s0+$0x10600]  }
0x1ab: {  	v5 =	vperm.xlane v5, v4;
	_ =	sdelay $0x1  }
0x1ac: {  	v5 =	vadd.f32 v7, v5;
	_ =	sdelay $0x1  }
0x1ad: {  	v5 =	vadd.f32 v6, v5;
	_ =	sdelay $0x1  }
0x1ae: {  	v5 =	vadd.f32 $7.142857310e-01, v5;
	_ =	sdelay $0x1  }
0x1af: {  	s19 =	simm.s32 $0x100;
	[tilespmem:s0+$0x10800] =	vst v5  }
0x1b0: {  	s20 =	simm.s32 $0x300;
	v5 =	vld [tilespmem:s19+$0x0]  }
0x1b1: {  	v7 =	vld [tilespmem:s20+$0x0];
	_ =	sdelay $0x3  }
0x1b2: {  	v6 =	vshll.u32 v5, $0x4  }
0x1b3: {  	v5 =	vshll.u32 v7, $0x4;
	(v2sf) =	vpush v6, $0x0  }
0x1b4: {  	(v2sf) =	vpush v5, $0x0  }
0x1b5: {  	(v2sf) =	vpush v6, $0x1;
	_ =	sdelay $0x1  }
0x1b6: {  	(v2sf) =	vpush v5, $0x1;
	_ =	sdelay $0x2  }
0x1b7: {  	(v2sf) =	vpush v6, $0x2;
	_ =	sdelay $0x1  }
0x1b8: {  	(v2sf) =	vpush v5, $0x2;
	_ =	sdelay $0x1  }
0x1b9: {  	s31 =	simm.s32 $0x2000;
	(v2sf) =	vpush v6, $0x3  }
0x1ba: {  	s30 =	simm.s32 $0x0;
	s21 =	simm.s32 $0x8400;
	s1 =	simm.s32 $0x680  }
0x1bb: {  	s3 =	simm.s32 $0x400;
	s9 =	simm.s32 $0x600;
	s7 =	simm.s32 $0x8900  }
0x1bc: {  	s10 =	simm.s32 $0x580;
	s24 =	simm.s32 $0x480;
	s28 =	simm.s32 $0x8480  }
0x1bd: {  	s15 =	simm.s32 $0x8500;
	s0 =	simm.s32 $0x880;
	s8 =	spop (v2sf);
	(v2sf) =	vpush v5, $0x3  }
0x1be: {  	s20 =	simm.s32 $0x8600;
	s8 =	sand.u32 $0x1FFFFFF0, s8;
	s11 =	spop (v2sf)  }
0x1bf: {  	(v2sf) =	vpush v6, $0x4;
	s8 =	sadd.s32 s5, s8;
	s22 =	sand.u32 $0x1FFFFFF0, s11;
	s23 =	spop (v2sf)  }
0x1c0: {  	(v2sf) =	vpush v5, $0x4;
	[tilespmem:s3], [sflag:$0x1] =	stream.linear.gather [hbm4b:s8+s4], $0x80, $0x38;
	[tilespmem:$0x10A00] =	vst v63  }
0x1c1: {  	s3 =	simm.s32 $0x8580;
	s11 =	sand.u32 $0x1FFFFFF0, s23;
	s12 =	spop (v2sf)  }
0x1c2: {  	s8 =	sadd.s32 s6, s22;
	(v2sf) =	vpush v6, $0x5;
	s25 =	sadd.s32 s5, s11;
	s26 =	sand.u32 $0x1FFFFFF0, s12  }
0x1c3: {  	(v2sf) =	vpush v5, $0x5;
	[tilespmem:s21], [sflag:$0x1] =	stream.linear.gather [hbm4b:s8+s4], $0x80, $0x38;
	[tilespmem:$0x10A00] =	vst v63  }
0x1c4: {  	s29 =	spop (v2sf);
	s12 =	simm.s32 $0x500;
	s11 =	sadd.s32 s6, s26  }
0x1c5: {  	(v2sf) =	vpush v6, $0x6;
	[tilespmem:s24], [sflag:$0x1] =	stream.linear.gather [hbm4b:s25+s4], $0x80, $0x38;
	[tilespmem:$0x10A00] =	vst v63  }
0x1c6: {  	s8 =	sand.u32 $0x1FFFFFF0, s29;
	s13 =	spop (v2sf);
	s26 =	simm.s32 $0x8680  }
0x1c7: {  	[tilespmem:s28], [sflag:$0x1] =	stream.linear.gather [hbm4b:s11+s4], $0x80, $0x38;
	[tilespmem:$0x10A00] =	vst v63  }
0x1c8: {  	s8 =	sadd.s32 s5, s8;
	s14 =	spop (v2sf);
	s11 =	sand.u32 $0x1FFFFFF0, s13  }
0x1c9: {  	(v2sf) =	vpush v5, $0x6;
	[tilespmem:s12], [sflag:$0x1] =	stream.linear.gather [hbm4b:s8+s4], $0x80, $0x38;
	[tilespmem:$0x10A00] =	vst v63  }
0x1ca: {  	s29 =	simm.s32 $0x700;
	s17 =	sand.u32 $0x1FFFFFF0, s14;
	s16 =	sadd.s32 s6, s11  }
0x1cb: {  	[tilespmem:s15], [sflag:$0x1] =	stream.linear.gather [hbm4b:s16+s4], $0x80, $0x38;
	[tilespmem:$0x10A00] =	vst v63  }
0x1cc: {  	s25 =	simm.s32 $0x8A00;
	s19 =	sadd.s32 s5, s17;
	s18 =	spop (v2sf)  }
0x1cd: {  	(v2sf) =	vpush v6, $0x7;
	[tilespmem:s10], [sflag:$0x1] =	stream.linear.gather [hbm4b:s19+s4], $0x80, $0x38;
	[tilespmem:$0x10A00] =	vst v63  }
0x1ce: {  	s17 =	simm.s32 $0x8700;
	s2 =	sand.u32 $0x1FFFFFF0, s18;
	s21 =	spop (v2sf)  }
0x1cf: {  	(v2sf) =	vpush v5, $0x7;
	s2 =	sadd.s32 s6, s2;
	s10 =	sand.u32 $0x1FFFFFF0, s21;
	s22 =	spop (v2sf)  }
0x1d0: {  	(v2sf) =	vpush v6, $0x8;
	[tilespmem:s3], [sflag:$0x1] =	stream.linear.gather [hbm4b:s2+s4], $0x80, $0x38;
	[tilespmem:$0x10A00] =	vst v63  }
0x1d1: {  	s3 =	simm.s32 $0xA80;
	s24 =	sand.u32 $0x1FFFFFF0, s22;
	s28 =	spop (v2sf)  }
0x1d2: {  	s23 =	sadd.s32 s5, s10;
	(v2sf) =	vpush v5, $0x8;
	s10 =	sadd.s32 s6, s24;
	s11 =	spop (v2sf)  }
0x1d3: {  	(v2sf) =	vpush v6, $0x9;
	[tilespmem:s9], [sflag:$0x1] =	stream.linear.gather [hbm4b:s23+s4], $0x80, $0x38;
	[tilespmem:$0x10A00] =	vst v63  }
0x1d4: {  	s9 =	sand.u32 $0x1FFFFFF0, s28;
	s12 =	spop (v2sf);
	s23 =	simm.s32 $0x8780  }
0x1d5: {  	(v2sf) =	vpush v5, $0x9;
	[tilespmem:s20], [sflag:$0x1] =	stream.linear.gather [hbm4b:s10+s4], $0x80, $0x38;
	[tilespmem:$0x10A00] =	vst v63  }
0x1d6: {  	s9 =	sadd.s32 s5, s9;
	s14 =	sand.u32 $0x1FFFFFF0, s12;
	(v2sf) =	vpush v6, $0xA;
	s10 =	sand.u32 $0x1FFFFFF0, s11  }
0x1d7: {  	[tilespmem:s1], [sflag:$0x1] =	stream.linear.gather [hbm4b:s9+s4], $0x80, $0x38;
	[tilespmem:$0x10A00] =	vst v63  }
0x1d8: {  	s15 =	spop (v2sf);
	s11 =	simm.s32 $0x8A80;
	(v2sf) =	vpush v5, $0xA;
	s13 =	sadd.s32 s6, s10  }
0x1d9: {  	[tilespmem:s26], [sflag:$0x1] =	stream.linear.gather [hbm4b:s13+s4], $0x80, $0x38;
	[tilespmem:$0x10A00] =	vst v63  }
0x1da: {  	s16 =	sadd.s32 s5, s14;
	s2 =	sand.u32 $0x1FFFFFF0, s15;
	s20 =	simm.s32 $0x780  }
0x1db: {  	[tilespmem:s29], [sflag:$0x1] =	stream.linear.gather [hbm4b:s16+s4], $0x80, $0x38;
	[tilespmem:$0x10A00] =	vst v63  }
0x1dc: {  	s15 =	simm.s32 $0x900;
	s2 =	sadd.s32 s6, s2;
	s18 =	spop (v2sf)  }
0x1dd: {  	[tilespmem:s17], [sflag:$0x1] =	stream.linear.gather [hbm4b:s2+s4], $0x80, $0x38;
	[tilespmem:$0x10A00] =	vst v63  }
0x1de: {  	s1 =	simm.s32 $0x8980;
	(v2sf) =	vpush v6, $0xB;
	s9 =	sand.u32 $0x1FFFFFF0, s18;
	s19 =	spop (v2sf)  }
0x1df: {  	s26 =	simm.s32 $0x800;
	s21 =	sadd.s32 s5, s9;
	s24 =	spop (v2sf)  }
0x1e0: {  	(v2sf) =	vpush v5, $0xB;
	[tilespmem:s20], [sflag:$0x1] =	stream.linear.gather [hbm4b:s21+s4], $0x80, $0x38;
	[tilespmem:$0x10A00] =	vst v63  }
0x1e1: {  	s13 =	simm.s32 $0x8880;
	s22 =	sand.u32 $0x1FFFFFF0, s19;
	s28 =	spop (v2sf)  }
0x1e2: {  	s9 =	sadd.s32 s6, s22;
	s8 =	sand.u32 $0x1FFFFFF0, s24;
	s29 =	spop (v2sf)  }
0x1e3: {  	[tilespmem:s23], [sflag:$0x1] =	stream.linear.gather [hbm4b:s9+s4], $0x80, $0x38;
	[tilespmem:$0x10A00] =	vst v63  }
0x1e4: {  	(v2sf) =	vpush v6, $0xC;
	s24 =	simm.s32 $0x980;
	s8 =	sadd.s32 s5, s8;
	s14 =	spop (v2sf)  }
0x1e5: {  	s9 =	sand.u32 $0x1FFFFFF0, s28;
	s12 =	sand.u32 $0x1FFFFFF0, s29;
	s16 =	spop (v2sf)  }
0x1e6: {  	(v2sf) =	vpush v5, $0xC;
	[tilespmem:s26], [sflag:$0x1] =	stream.linear.gather [hbm4b:s8+s4], $0x80, $0x38;
	[tilespmem:$0x10A00] =	vst v63  }
0x1e7: {  	s9 =	sadd.s32 s6, s9;
	s8 =	simm.s32 $0x8800;
	s17 =	spop (v2sf)  }
0x1e8: {  	[tilespmem:s8], [sflag:$0x1] =	stream.linear.gather [hbm4b:s9+s4], $0x80, $0x38;
	[tilespmem:$0x10A00] =	vst v63  }
0x1e9: {  	s19 =	sand.u32 $0x1FFFFFF0, s17;
	s9 =	sadd.s32 s5, s12;
	s8 =	sand.u32 $0x1FFFFFF0, s14  }
0x1ea: {  	[tilespmem:s0], [sflag:$0x1] =	stream.linear.gather [hbm4b:s9+s4], $0x80, $0x38;
	[tilespmem:$0x10A00] =	vst v63  }
0x1eb: {  	s17 =	simm.s32 $0xB00;
	s8 =	sadd.s32 s6, s8;
	s9 =	sand.u32 $0x1FFFFFF0, s16  }
0x1ec: {  	[tilespmem:s13], [sflag:$0x1] =	stream.linear.gather [hbm4b:s8+s4], $0x80, $0x38;
	[tilespmem:$0x10A00] =	vst v63  }
0x1ed: {  	s21 =	sadd.s32 s6, s19;
	s18 =	sadd.s32 s5, s9;
	s20 =	spop (v2sf)  }
0x1ee: {  	[tilespmem:s15], [sflag:$0x1] =	stream.linear.gather [hbm4b:s18+s4], $0x80, $0x38;
	[tilespmem:$0x10A00] =	vst v63  }
0x1ef: {  	s14 =	simm.s32 $0x110;
	s22 =	sand.u32 $0x1FFFFFF0, s20;
	s23 =	spop (v2sf)  }
0x1f0: {  	(v2sf) =	vpush v6, $0xD;
	[tilespmem:s7], [sflag:$0x1] =	stream.linear.gather [hbm4b:s21+s4], $0x80, $0x38;
	[tilespmem:$0x10A00] =	vst v63  }
0x1f1: {  	s16 =	simm.s32 $0x8B00;
	(v2sf) =	vpush v5, $0xD;
	s2 =	sadd.s32 s5, s22;
	s26 =	sand.u32 $0x1FFFFFF0, s23  }
0x1f2: {  	(v2sf) =	vpush v6, $0xE;
	[tilespmem:s24], [sflag:$0x1] =	stream.linear.gather [hbm4b:s2+s4], $0x80, $0x38;
	[tilespmem:$0x10A00] =	vst v63  }
0x1f3: {  	s18 =	simm.s32 $0xA00;
	s28 =	sadd.s32 s6, s26;
	(v2sf) =	vpush v5, $0xE;
	s29 =	spop (v2sf)  }
0x1f4: {  	(v2sf) =	vpush v6, $0xF;
	[tilespmem:s1], [sflag:$0x1] =	stream.linear.gather [hbm4b:s28+s4], $0x80, $0x38;
	[tilespmem:$0x10A00] =	vst v63  }
0x1f5: {  	s15 =	simm.s32 $0x310;
	s0 =	sand.u32 $0x1FFFFFF0, s29;
	(v2sf) =	vpush v5, $0xF;
	s1 =	spop (v2sf)  }
.LBB2_6:
0x1f6: {  	_ =	sdelay $0x4  }
0x1f7: {  	s0 =	sadd.s32 s5, s0;
	s1 =	sand.u32 $0x1FFFFFF0, s1  }
0x1f8: {  	[tilespmem:s18], [sflag:$0x1] =	stream.linear.gather [hbm4b:s0+s4], $0x80, $0x38;
	[tilespmem:$0x10A00] =	vst v63  }
0x1f9: {  	s13 =	sadd.s32 s6, s1  }
0x1fa: {  	[tilespmem:s25], [sflag:$0x1] =	stream.linear.gather [hbm4b:s13+s4], $0x80, $0x38;
	[tilespmem:$0x10A00] =	vst v63  }
0x1fb: {  	s2 =	spop (v2sf)  }
0x1fc: {  	s18 =	sand.u32 $0x1FFFFFF0, s2;
	s19 =	spop (v2sf)  }
0x1fd: {  	s20 =	sadd.s32 s5, s18;
	s21 =	sand.u32 $0x1FFFFFF0, s19;
	s22 =	spop (v2sf)  }
0x1fe: {  	[tilespmem:s3], [sflag:$0x1] =	stream.linear.gather [hbm4b:s20+s4], $0x80, $0x38;
	[tilespmem:$0x10A00] =	vst v63  }
0x1ff: {  	s23 =	sadd.s32 s6, s21;
	s24 =	sand.u32 $0x1FFFFFF0, s22;
	s25 =	spop (v2sf)  }
0x200: {  	[tilespmem:s11], [sflag:$0x1] =	stream.linear.gather [hbm4b:s23+s4], $0x80, $0x38;
	[tilespmem:$0x10A00] =	vst v63  }
0x201: {  	s26 =	sadd.s32 s5, s24;
	s28 =	sand.u32 $0x1FFFFFF0, s25;
	s29 =	spop (v2sf)  }
0x202: {  	[tilespmem:s17], [sflag:$0x1] =	stream.linear.gather [hbm4b:s26+s4], $0x80, $0x38;
	[tilespmem:$0x10A00] =	vst v63  }
0x203: {  	s1 =	sadd.s32 s6, s28;
	s2 =	sand.u32 $0x1FFFFFF0, s29;
	s3 =	spop (v2sf)  }
0x204: {  	[tilespmem:s16], [sflag:$0x1] =	stream.linear.gather [hbm4b:s1+s4], $0x80, $0x38;
	[tilespmem:$0x10A00] =	vst v63  }
0x205: {  	s7 =	sadd.s32 $0xB80, s30;
	s1 =	sadd.s32 s5, s2;
	s2 =	sand.u32 $0x1FFFFFF0, s3  }
0x206: {  	[tilespmem:s7], [sflag:$0x1] =	stream.linear.gather [hbm4b:s1+s4], $0x80, $0x38;
	[tilespmem:$0x10A00] =	vst v63  }
0x207: {  	s8 =	sadd.s32 $0x8B80, s30;
	s9 =	sadd.s32 s6, s2  }
0x208: {  	[tilespmem:s8], [sflag:$0x1] =	stream.linear.gather [hbm4b:s9+s4], $0x80, $0x38;
	[tilespmem:$0x10A00] =	vst v63  }
0x209: {  	v5 =	vld [tilespmem:s14+$0x0]  }
0x20a: {  	v7 =	vld [tilespmem:s15+$0x0];
	_ =	sdelay $0x3  }
0x20b: {  	v6 =	vshll.u32 v5, $0x4  }
0x20c: {  	s10 =	smov.u32 s31;
	v5 =	vshll.u32 v7, $0x4;
	(v2sf) =	vpush v6, $0x0  }
0x20d: {  	s30 =	sshra.s32 s10, $0x2;
	(v2sf) =	vpush v5, $0x0  }
0x20e: {  	p0 =	sne.s32 s31, $0x1E000;
	s31 =	sadd.s32 $0x2000, s31;
	s0 =	sadd.s32 $0x880, s30;
	(v2sf) =	vpush v6, $0x1  }
0x20f: {  	s12 =	sadd.s32 $0x600, s30;
	[dreg:$0xc] =	wrdreg s0;
	s13 =	sadd.s32 $0xA80, s30  }
0x210: {  	s10 =	sadd.s32 $0x8700, s30;
	[dreg:$0x6] =	wrdreg s13;
	s13 =	sadd.s32 $0x980, s30;
	(v2sf) =	vpush v5, $0x1  }
0x211: {  	s0 =	sadd.s32 $0x8A80, s30;
	[dreg:$0x12] =	wrdreg s13;
	s19 =	sadd.s32 $0x500, s30  }
0x212: {  	s18 =	sadd.s32 $0x900, s30;
	s20 =	sadd.s32 $0x8400, s30;
	s22 =	sadd.s32 $0x400, s30;
	(v2sf) =	vpush v6, $0x2  }
0x213: {  	s21 =	sadd.s32 $0x8480, s30;
	[dreg:$0xe] =	wrdreg s18;
	s18 =	sadd.s32 $0xA00, s30  }
0x214: {  	s25 =	sadd.s32 $0x8A00, s30;
	s24 =	sadd.s32 $0x800, s30;
	s11 =	sadd.s32 $0x8900, s30;
	(v2sf) =	vpush v5, $0x2  }
0x215: {  	s29 =	sadd.s32 $0x8580, s30;
	s23 =	sadd.s32 $0x8800, s30;
	[dreg:$0x16] =	wrdreg s24  }
0x216: {  	s28 =	sadd.s32 $0x8780, s30;
	[dreg:$0x8] =	wrdreg s11;
	s11 =	sadd.s32 $0x8600, s30;
	(v2sf) =	vpush v6, $0x3  }
0x217: {  	[dreg:$0x14] =	wrdreg s23;
	s23 =	sadd.s32 $0x480, s30;
	s17 =	sadd.s32 $0x8880, s30  }
0x218: {  	s26 =	sadd.s32 $0x580, s30;
	[dreg:$0x10] =	wrdreg s17;
	s16 =	sadd.s32 $0x8980, s30;
	(v2sf) =	vpush v5, $0x3  }
0x219: {  	s17 =	sadd.s32 $0xB00, s30;
	s2 =	sadd.s32 $0x8500, s30;
	[dreg:$0xa] =	wrdreg s16  }
0x21a: {  	s16 =	sadd.s32 $0x8B00, s30;
	s7 =	sadd.s32 $0x680, s30;
	s1 =	sadd.s32 $0x8680, s30;
	(v2sf) =	vpush v6, $0x4  }
0x21b: {  	s8 =	sadd.s32 $0x700, s30;
	s9 =	sadd.s32 $0x780, s30;
	s24 =	spop (v2sf)  }
0x21c: {  	s14 =	sadd.s32 $0x10, s14;
	s24 =	sand.u32 $0x1FFFFFF0, s24;
	s13 =	spop (v2sf);
	(v2sf) =	vpush v5, $0x4  }
0x21d: {  	s24 =	sadd.s32 s5, s24;
	s3 =	sand.u32 $0x1FFFFFF0, s13;
	s13 =	spop (v2sf)  }
0x21e: {  	(v2sf) =	vpush v6, $0x5;
	[tilespmem:s22], [sflag:$0x1] =	stream.linear.gather [hbm4b:s24+s4], $0x80, $0x38;
	[tilespmem:$0x10A00] =	vst v63  }
0x21f: {  	s3 =	sadd.s32 s6, s3;
	s13 =	sand.u32 $0x1FFFFFF0, s13;
	s24 =	spop (v2sf);
	(v2sf) =	vpush v5, $0x5  }
0x220: {  	[tilespmem:s20], [sflag:$0x1] =	stream.linear.gather [hbm4b:s3+s4], $0x80, $0x38;
	[tilespmem:$0x10A00] =	vst v63  }
0x221: {  	s22 =	sand.u32 $0x1FFFFFF0, s24;
	s24 =	spop (v2sf);
	(v2sf) =	vpush v6, $0x6;
	s20 =	sadd.s32 s5, s13  }
0x222: {  	[tilespmem:s23], [sflag:$0x1] =	stream.linear.gather [hbm4b:s20+s4], $0x80, $0x38;
	[tilespmem:$0x10A00] =	vst v63  }
0x223: {  	s22 =	sadd.s32 s6, s22;
	s23 =	sand.u32 $0x1FFFFFF0, s24;
	s24 =	spop (v2sf);
	(v2sf) =	vpush v5, $0x6  }
0x224: {  	[tilespmem:s21], [sflag:$0x1] =	stream.linear.gather [hbm4b:s22+s4], $0x80, $0x38;
	[tilespmem:$0x10A00] =	vst v63  }
0x225: {  	s13 =	sadd.s32 s5, s23;
	s20 =	sand.u32 $0x1FFFFFF0, s24;
	s21 =	spop (v2sf)  }
0x226: {  	(v2sf) =	vpush v6, $0x7;
	[tilespmem:s19], [sflag:$0x1] =	stream.linear.gather [hbm4b:s13+s4], $0x80, $0x38;
	[tilespmem:$0x10A00] =	vst v63  }
0x227: {  	s22 =	sadd.s32 s6, s20;
	s23 =	sand.u32 $0x1FFFFFF0, s21;
	s24 =	spop (v2sf)  }
0x228: {  	(v2sf) =	vpush v5, $0x7;
	[tilespmem:s2], [sflag:$0x1] =	stream.linear.gather [hbm4b:s22+s4], $0x80, $0x38;
	[tilespmem:$0x10A00] =	vst v63  }
0x229: {  	s20 =	sadd.s32 s5, s23;
	s21 =	sand.u32 $0x1FFFFFF0, s24;
	s22 =	spop (v2sf)  }
0x22a: {  	(v2sf) =	vpush v6, $0x8;
	[tilespmem:s26], [sflag:$0x1] =	stream.linear.gather [hbm4b:s20+s4], $0x80, $0x38;
	[tilespmem:$0x10A00] =	vst v63  }
0x22b: {  	s15 =	sadd.s32 $0x10, s15;
	s23 =	sadd.s32 s6, s21;
	s26 =	spop (v2sf)  }
0x22c: {  	[tilespmem:s29], [sflag:$0x1] =	stream.linear.gather [hbm4b:s23+s4], $0x80, $0x38;
	[tilespmem:$0x10A00] =	vst v63  }
0x22d: {  	s24 =	sand.u32 $0x1FFFFFF0, s22;
	s19 =	sand.u32 $0x1FFFFFF0, s26;
	s20 =	spop (v2sf)  }
0x22e: {  	s3 =	sadd.s32 s5, s24;
	(v2sf) =	vpush v5, $0x8;
	s21 =	sadd.s32 s6, s19;
	s23 =	spop (v2sf)  }
0x22f: {  	(v2sf) =	vpush v6, $0x9;
	[tilespmem:s12], [sflag:$0x1] =	stream.linear.gather [hbm4b:s3+s4], $0x80, $0x38;
	[tilespmem:$0x10A00] =	vst v63  }
0x230: {  	s22 =	sand.u32 $0x1FFFFFF0, s20;
	s26 =	sand.u32 $0x1FFFFFF0, s23;
	s29 =	spop (v2sf)  }
0x231: {  	(v2sf) =	vpush v5, $0x9;
	[tilespmem:s11], [sflag:$0x1] =	stream.linear.gather [hbm4b:s21+s4], $0x80, $0x38;
	[tilespmem:$0x10A00] =	vst v63  }
0x232: {  	s24 =	sadd.s32 s5, s22;
	s3 =	sadd.s32 s6, s26;
	s12 =	spop (v2sf)  }
0x233: {  	(v2sf) =	vpush v6, $0xA;
	[tilespmem:s7], [sflag:$0x1] =	stream.linear.gather [hbm4b:s24+s4], $0x80, $0x38;
	[tilespmem:$0x10A00] =	vst v63  }
0x234: {  	s11 =	smov.u32 s0;
	s7 =	sand.u32 $0x1FFFFFF0, s29;
	s19 =	sand.u32 $0x1FFFFFF0, s12  }
0x235: {  	s13 =	sadd.s32 s5, s7;
	s20 =	spop (v2sf);
	s21 =	sadd.s32 s6, s19  }
0x236: {  	[tilespmem:s1], [sflag:$0x1] =	stream.linear.gather [hbm4b:s3+s4], $0x80, $0x38;
	[tilespmem:$0x10A00] =	vst v63  }
0x237: {  	(v2sf) =	vpush v5, $0xA;
	s22 =	sand.u32 $0x1FFFFFF0, s20;
	s23 =	spop (v2sf);
	s20 =	rddreg [dreg:$0x14]  }
0x238: {  	[tilespmem:s8], [sflag:$0x1] =	stream.linear.gather [hbm4b:s13+s4], $0x80, $0x38;
	[tilespmem:$0x10A00] =	vst v63  }
0x239: {  	(v2sf) =	vpush v6, $0xB;
	s24 =	sadd.s32 s5, s22;
	s26 =	sand.u32 $0x1FFFFFF0, s23;
	s29 =	spop (v2sf)  }
0x23a: {  	[tilespmem:s10], [sflag:$0x1] =	stream.linear.gather [hbm4b:s21+s4], $0x80, $0x38;
	[tilespmem:$0x10A00] =	vst v63  }
0x23b: {  	s1 =	sadd.s32 s6, s26;
	s2 =	sand.u32 $0x1FFFFFF0, s29;
	s10 =	rddreg [dreg:$0x16]  }
0x23c: {  	[tilespmem:s9], [sflag:$0x1] =	stream.linear.gather [hbm4b:s24+s4], $0x80, $0x38;
	[tilespmem:$0x10A00] =	vst v63  }
0x23d: {  	(v2sf) =	vpush v5, $0xB;
	s7 =	sadd.s32 s5, s2;
	s3 =	spop (v2sf);
	s24 =	rddreg [dreg:$0xc]  }
0x23e: {  	(v2sf) =	vpush v6, $0xC;
	s8 =	sand.u32 $0x1FFFFFF0, s3;
	s9 =	spop (v2sf);
	s3 =	rddreg [dreg:$0x6]  }
0x23f: {  	[tilespmem:s28], [sflag:$0x1] =	stream.linear.gather [hbm4b:s1+s4], $0x80, $0x38;
	[tilespmem:$0x10A00] =	vst v63  }
0x240: {  	(v2sf) =	vpush v5, $0xC;
	s12 =	sadd.s32 s6, s8;
	s13 =	sand.u32 $0x1FFFFFF0, s9;
	s19 =	spop (v2sf)  }
0x241: {  	[tilespmem:s10], [sflag:$0x1] =	stream.linear.gather [hbm4b:s7+s4], $0x80, $0x38;
	[tilespmem:$0x10A00] =	vst v63  }
0x242: {  	s21 =	sadd.s32 s5, s13;
	s22 =	sand.u32 $0x1FFFFFF0, s19;
	s23 =	spop (v2sf)  }
0x243: {  	[tilespmem:s20], [sflag:$0x1] =	stream.linear.gather [hbm4b:s12+s4], $0x80, $0x38;
	[tilespmem:$0x10A00] =	vst v63  }
0x244: {  	s26 =	sadd.s32 s6, s22;
	s28 =	sand.u32 $0x1FFFFFF0, s23;
	s7 =	rddreg [dreg:$0x10]  }
0x245: {  	[tilespmem:s24], [sflag:$0x1] =	stream.linear.gather [hbm4b:s21+s4], $0x80, $0x38;
	[tilespmem:$0x10A00] =	vst v63  }
0x246: {  	s8 =	sadd.s32 s5, s28;
	s29 =	spop (v2sf);
	s12 =	rddreg [dreg:$0xe]  }
0x247: {  	[tilespmem:s7], [sflag:$0x1] =	stream.linear.gather [hbm4b:s26+s4], $0x80, $0x38;
	[tilespmem:$0x10A00] =	vst v63  }
0x248: {  	s9 =	sand.u32 $0x1FFFFFF0, s29;
	s29 =	rddreg [dreg:$0xa];
	s10 =	spop (v2sf)  }
0x249: {  	[tilespmem:s12], [sflag:$0x1] =	stream.linear.gather [hbm4b:s8+s4], $0x80, $0x38;
	[tilespmem:$0x10A00] =	vst v63  }
0x24a: {  	s13 =	sadd.s32 s6, s9;
	s21 =	rddreg [dreg:$0x8];
	s19 =	sand.u32 $0x1FFFFFF0, s10  }
0x24b: {  	(v2sf) =	vpush v6, $0xD;
	[tilespmem:s21], [sflag:$0x1] =	stream.linear.gather [hbm4b:s13+s4], $0x80, $0x38;
	[tilespmem:$0x10A00] =	vst v63  }
.Ltmp2:
0x24c: {  	(v2sf) =	vpush v5, $0xD;
	s20 =	spop (v2sf);
	s22 =	sadd.s32 s5, s19;
	(pc) =	sbr.rel @p0 .LBB2_6-.Ltmp2, $4  }
0x24d: {  	(v2sf) =	vpush v6, $0xE;
	s23 =	sand.u32 $0x1FFFFFF0, s20;
	s26 =	rddreg [dreg:$0x12];
	s24 =	spop (v2sf)  }
0x24e: {  	(v2sf) =	vpush v5, $0xE;
	[tilespmem:s26], [sflag:$0x1] =	stream.linear.gather [hbm4b:s22+s4], $0x80, $0x38;
	[tilespmem:$0x10A00] =	vst v63  }
0x24f: {  	(v2sf) =	vpush v6, $0xF;
	s28 =	sadd.s32 s6, s23;
	s0 =	sand.u32 $0x1FFFFFF0, s24;
	s1 =	spop (v2sf)  }
0x250: {  	(v2sf) =	vpush v5, $0xF;
	[tilespmem:s29], [sflag:$0x1] =	stream.linear.gather [hbm4b:s28+s4], $0x80, $0x38;
	[tilespmem:$0x10A00] =	vst v63  }
0x251: {  	_ =	sdelay $0x4  }
0x252: {  	s0 =	sadd.s32 s5, s0;
	s1 =	sand.u32 $0x1FFFFFF0, s1  }
0x253: {  	[tilespmem:s18], [sflag:$0x1] =	stream.linear.gather [hbm4b:s0+s4], $0x80, $0x38;
	[tilespmem:$0x10A00] =	vst v63  }
0x254: {  	s7 =	sadd.s32 s6, s1  }
0x255: {  	[tilespmem:s25], [sflag:$0x1] =	stream.linear.gather [hbm4b:s7+s4], $0x80, $0x38;
	[tilespmem:$0x10A00] =	vst v63  }
0x256: {  	s2 =	spop (v2sf)  }
0x257: {  	s8 =	sand.u32 $0x1FFFFFF0, s2;
	s9 =	spop (v2sf)  }
0x258: {  	s10 =	sadd.s32 s5, s8;
	s12 =	sand.u32 $0x1FFFFFF0, s9;
	s13 =	spop (v2sf)  }
0x259: {  	[tilespmem:s3], [sflag:$0x1] =	stream.linear.gather [hbm4b:s10+s4], $0x80, $0x38;
	[tilespmem:$0x10A00] =	vst v63  }
0x25a: {  	s14 =	sadd.s32 s6, s12;
	s15 =	sand.u32 $0x1FFFFFF0, s13;
	s18 =	spop (v2sf)  }
0x25b: {  	[tilespmem:s11], [sflag:$0x1] =	stream.linear.gather [hbm4b:s14+s4], $0x80, $0x38;
	[tilespmem:$0x10A00] =	vst v63  }
0x25c: {  	s19 =	sadd.s32 s5, s15;
	s20 =	sand.u32 $0x1FFFFFF0, s18;
	s21 =	spop (v2sf)  }
0x25d: {  	[tilespmem:s17], [sflag:$0x1] =	stream.linear.gather [hbm4b:s19+s4], $0x80, $0x38;
	[tilespmem:$0x10A00] =	vst v63  }
0x25e: {  	s22 =	sadd.s32 s6, s20;
	s23 =	sand.u32 $0x1FFFFFF0, s21;
	s24 =	spop (v2sf)  }
0x25f: {  	[tilespmem:s16], [sflag:$0x1] =	stream.linear.gather [hbm4b:s22+s4], $0x80, $0x38;
	[tilespmem:$0x10A00] =	vst v63  }
0x260: {  	s25 =	sadd.s32 $0xB80, s30;
	s1 =	sadd.s32 s5, s23;
	s2 =	sand.u32 $0x1FFFFFF0, s24  }
0x261: {  	[tilespmem:s25], [sflag:$0x1] =	stream.linear.gather [hbm4b:s1+s4], $0x80, $0x38;
	[tilespmem:$0x10A00] =	vst v63  }
0x262: {  	s26 =	sadd.s32 $0x8B80, s30;
	s29 =	simm.s32 $0x1;
	s28 =	sadd.s32 s6, s2  }
0x263: {  	[tilespmem:s26], [sflag:$0x1] =	stream.linear.gather [hbm4b:s28+s4], $0x80, $0x38;
	[tilespmem:$0x10A00] =	vst v63  }
0x264: {  	_ =	swait.ge [sflag:s29], $0x8000  }
0x265: {  	[sflag:s29] =	ssyncset.done $0x0  }
0x266: {  	[sflag:s29] =	ssyncadd.s32 $0xFFFF8000  }
0x267: {  	_ =	swait.ge [sflag:s29], $0x8000  }
0x268: {  	[sflag:s29] =	ssyncset.done $0x0  }
0x269: {  	s30 =	simm.s32 $0x8800;
	[sflag:s29] =	ssyncadd.s32 $0xFFFF8000  }
0x26a: {  	s31 =	simm.s32 $0x800;
	v5 =	vld [tilespmem:s30+$0xFFFFFC00]  }
0x26b: {  	v6 =	vld [tilespmem:s31+$0xFFFFFC00]  }
0x26c: {  	v7 =	vld [tilespmem:s31+$0xFFFFFC10]  }
0x26d: {  	v8 =	vld [tilespmem:s30+$0xFFFFFC10]  }
0x26e: {  	v9 =	vld [tilespmem:s31+$0xFFFFFC80]  }
0x26f: {  	v10 =	vld [tilespmem:s30+$0xFFFFFC80]  }
0x270: {  	v11 =	vld [tilespmem:s31+$0xFFFFFC90]  }
0x271: {  	v12 =	vld [tilespmem:s30+$0xFFFFFC90]  }
0x272: {  	v13 =	vld [tilespmem:s31+$0xFFFFFD00]  }
0x273: {  	v14 =	vld [tilespmem:s30+$0xFFFFFD00]  }
0x274: {  	v15 =	vld [tilespmem:s31+$0xFFFFFD10]  }
0x275: {  	v16 =	vld [tilespmem:s30+$0xFFFFFD10]  }
0x276: {  	v17 =	vld [tilespmem:s31+$0xFFFFFD80]  }
0x277: {  	v18 =	vld [tilespmem:s30+$0xFFFFFD80]  }
0x278: {  	v19 =	vld [tilespmem:s31+$0xFFFFFD90]  }
0x279: {  	v20 =	vld [tilespmem:s30+$0xFFFFFD90]  }
0x27a: {  	v21 =	vld [tilespmem:s31+$0xFFFFFE00]  }
0x27b: {  	v22 =	vld [tilespmem:s30+$0xFFFFFE00]  }
0x27c: {  	v23 =	vld [tilespmem:s31+$0xFFFFFE10]  }
0x27d: {  	v24 =	vld [tilespmem:s30+$0xFFFFFE10]  }
0x27e: {  	v25 =	vld [tilespmem:s31+$0xFFFFFE80]  }
0x27f: {  	v26 =	vld [tilespmem:s30+$0xFFFFFE80]  }
0x280: {  	v27 =	vld [tilespmem:s31+$0xFFFFFE90]  }
0x281: {  	v28 =	vld [tilespmem:s30+$0xFFFFFE90]  }
0x282: {  	v29 =	vld [tilespmem:s31+$0xFFFFFF00]  }
0x283: {  	v30 =	vld [tilespmem:s30+$0xFFFFFF00]  }
0x284: {  	v31 =	vld [tilespmem:s31+$0xFFFFFF10]  }
0x285: {  	v32 =	vld [tilespmem:s30+$0xFFFFFF10]  }
0x286: {  	v33 =	vld [tilespmem:s31+$0xFFFFFF80]  }
0x287: {  	v34 =	vld [tilespmem:s30+$0xFFFFFF80]  }
0x288: {  	v35 =	vld [tilespmem:s31+$0xFFFFFF90]  }
0x289: {  	v36 =	vld [tilespmem:s30+$0xFFFFFF90]  }
0x28a: {  	v37 =	vld [tilespmem:s31+$0x0]  }
0x28b: {  	v38 =	vld [tilespmem:s30+$0x0]  }
0x28c: {  	v39 =	vld [tilespmem:s31+$0x10]  }
0x28d: {  	v40 =	vld [tilespmem:s30+$0x10]  }
0x28e: {  	v41 =	vld [tilespmem:s31+$0x80]  }
0x28f: {  	v42 =	vld [tilespmem:s30+$0x80]  }
0x290: {  	v43 =	vld [tilespmem:s31+$0x90]  }
0x291: {  	v44 =	vld [tilespmem:s30+$0x90]  }
0x292: {  	v45 =	vld [tilespmem:s31+$0x100]  }
0x293: {  	v46 =	vld [tilespmem:s30+$0x100];
	v5 =	vmul.f32 v5, v6;
	v6 =	vmul.f32 v8, v7  }
0x294: {  	v47 =	vld [tilespmem:s31+$0x110];
	v7 =	vmul.f32 v10, v9;
	v8 =	vmul.f32 v12, v11  }
0x295: {  	v48 =	vld [tilespmem:s30+$0x110];
	v9 =	vmul.f32 v16, v15;
	v11 =	vadd.f32 v6, v5;
	v6 =	vmul.f32 v14, v13  }
0x296: {  	v10 =	vmul.f32 v20, v19;
	v7 =	vadd.f32 v8, v7;
	v8 =	vmul.f32 v18, v17;
	v5 =	vld [tilespmem:s31+$0x180]  }
0x297: {  	v12 =	vadd.f32 v9, v6;
	v6 =	vld [tilespmem:s30+$0x180]  }
0x298: {  	v13 =	vadd.f32 v10, v8;
	v8 =	vld [tilespmem:s31+$0x190]  }
0x299: {  	v19 =	vmul.f32 v24, v23;
	v18 =	vmul.f32 v22, v21;
	v9 =	vld [tilespmem:s30+$0x190]  }
0x29a: {  	v20 =	vmul.f32 v28, v27;
	v10 =	vld [tilespmem:s31+$0x200]  }
0x29b: {  	v14 =	vperm.xlane v11, v0;
	v15 =	vperm.xlane v7, v0;
	v21 =	vadd.f32 v19, v18;
	v18 =	vld [tilespmem:s31+$0x290]  }
0x29c: {  	v27 =	vmul.f32 v32, v31;
	v19 =	vld [tilespmem:s30+$0x290];
	v16 =	vperm.xlane v12, v0  }
0x29d: {  	v17 =	vadd.f32 v14, v11;
	v7 =	vadd.f32 v15, v7;
	v15 =	vperm.xlane v13, v0;
	v11 =	vld [tilespmem:s30+$0x200]  }
0x29e: {  	v28 =	vmul.f32 v34, v33;
	v14 =	vld [tilespmem:s31+$0x210];
	v12 =	vadd.f32 v16, v12;
	v16 =	vmul.f32 v26, v25  }
0x29f: {  	v31 =	vmul.f32 v38, v37;
	v23 =	vperm.xlane v21, v0;
	v13 =	vadd.f32 v15, v13;
	v15 =	vld [tilespmem:s30+$0x210]  }
0x2a0: {  	v59 =	vmul.f32 v40, v39;
	v7 =	vsel vm3, v17, v7;
	v17 =	vld [tilespmem:s30+$0x280];
	v22 =	vadd.f32 v20, v16  }
0x2a1: {  	v60 =	vmul.f32 v42, v41;
	v26 =	vmul.f32 v30, v29;
	v30 =	vadd.f32 v23, v21;
	v21 =	vld [tilespmem:s30+$0x300]  }
0x2a2: {  	v61 =	vmul.f32 v44, v43;
	v23 =	vld [tilespmem:s30+$0x310];
	v25 =	vperm.xlane v22, v0  }
0x2a3: {  	v33 =	vmul.f32 v46, v45;
	v29 =	vmul.f32 v36, v35;
	v16 =	vld [tilespmem:s31+$0x280];
	v12 =	vsel vm3, v12, v13  }
0x2a4: {  	v13 =	vperm.xlane v7, v1;
	v20 =	vld [tilespmem:s31+$0x300];
	v62 =	vadd.f32 v27, v26;
	v25 =	vadd.f32 v25, v22  }
0x2a5: {  	v36 =	vmul.f32 v48, v47;
	v29 =	vadd.f32 v29, v28;
	v27 =	vadd.f32 v61, v60;
	v26 =	vld [tilespmem:s30+$0x380]  }
0x2a6: {  	v28 =	vld [tilespmem:s31+$0x390];
	v24 =	vperm.xlane v12, v1;
	v7 =	vadd.f32 v13, v7;
	v13 =	vsel vm3, v30, v25  }
0x2a7: {  	v63 =	vperm.xlane v62, v0;
	v22 =	vld [tilespmem:s31+$0x310];
	v30 =	vadd.f32 v59, v31;
	v31 =	vperm.xlane v13, v1  }
0x2a8: {  	v34 =	vperm.xlane v29, v0;
	v32 =	vperm.xlane v27, v0;
	v12 =	vadd.f32 v24, v12;
	v25 =	vld [tilespmem:s31+$0x380]  }
0x2a9: {  	s3 =	simm.s32 $0x40;
	s2 =	simm.s32 $0x0;
	v24 =	vadd.f32 v63, v62;
	v35 =	vperm.xlane v30, v0;
	v13 =	vadd.f32 v31, v13;
	v31 =	vld [tilespmem:s30+$0x390]  }
.LBB2_8:
0x2aa: {  	p0 =	sne.s32 s3, $0x3C0;
	v5 =	vmul.f32 v6, v5;
	v6 =	vmul.f32 v9, v8;
	v8 =	vadd.f32 v34, v29  }
0x2ab: {  	v9 =	vmul.f32 v11, v10;
	v10 =	vmul.f32 v15, v14;
	v11 =	vadd.f32 v35, v30  }
0x2ac: {  	v14 =	vmul.f32 v17, v16;
	v15 =	vmul.f32 v19, v18;
	v16 =	vadd.f32 v32, v27  }
0x2ad: {  	v18 =	vmul.f32 v21, v20;
	v19 =	vmul.f32 v23, v22;
	v17 =	vadd.f32 v36, v33  }
0x2ae: {  	v5 =	vadd.f32 v6, v5;
	v6 =	vmul.f32 v26, v25;
	v20 =	vmul.f32 v31, v28  }
0x2af: {  	v9 =	vadd.f32 v10, v9;
	v10 =	vadd.f32 v15, v14;
	v14 =	vperm.xlane v17, v0  }
0x2b0: {  	v15 =	vadd.f32 v19, v18;
	v18 =	vperm.xlane v5, v0;
	v6 =	vadd.f32 v20, v6  }
0x2b1: {  	v19 =	vperm.xlane v10, v0;
	v14 =	vadd.f32 v14, v17;
	v17 =	vperm.xlane v9, v0  }
0x2b2: {  	v5 =	vadd.f32 v18, v5;
	v18 =	vperm.xlane v15, v0;
	v20 =	vperm.xlane v6, v0  }
0x2b3: {  	v8 =	vsel vm3, v24, v8;
	v10 =	vadd.f32 v19, v10;
	v9 =	vadd.f32 v17, v9  }
0x2b4: {  	v11 =	vsel vm3, v11, v16;
	v15 =	vadd.f32 v18, v15;
	v6 =	vadd.f32 v20, v6  }
0x2b5: {  	v16 =	vperm.xlane v11, v1;
	v5 =	vsel vm3, v14, v5;
	v14 =	vperm.xlane v8, v1  }
0x2b6: {  	v9 =	vsel vm3, v9, v10;
	v10 =	vperm.xlane v5, v1;
	v6 =	vsel vm3, v15, v6  }
0x2b7: {  	v8 =	vadd.f32 v14, v8;
	v14 =	vperm.xlane v9, v1;
	v15 =	vperm.xlane v6, v1  }
0x2b8: {  	v11 =	vadd.f32 v16, v11;
	v5 =	vadd.f32 v10, v5  }
0x2b9: {  	v7 =	vsel vm0, v7, v12;
	v9 =	vadd.f32 v14, v9;
	v6 =	vadd.f32 v15, v6  }
0x2ba: {  	v10 =	vperm.xlane v7, v2;
	v8 =	vsel vm0, v13, v8  }
0x2bb: {  	v5 =	vsel vm0, v11, v5;
	v6 =	vsel vm0, v9, v6;
	v9 =	vperm.xlane v8, v2  }
0x2bc: {  	v11 =	vperm.xlane v5, v2;
	v12 =	vperm.xlane v6, v2  }
0x2bd: {  	v7 =	vadd.f32 v10, v7;
	v8 =	vadd.f32 v9, v8  }
0x2be: {  	v5 =	vadd.f32 v11, v5;
	v6 =	vadd.f32 v12, v6;
	_ =	sdelay $0x1  }
0x2bf: {  	v7 =	vsel vm1, v7, v8;
	v5 =	vsel vm1, v5, v6  }
0x2c0: {  	v6 =	vperm.xlane v7, v3;
	v8 =	vperm.xlane v5, v3  }
0x2c1: {  	s0 =	sshra.s32 s2, $0x2;
	s2 =	smov.u32 s3  }
0x2c2: {  	v6 =	vadd.f32 v6, v7;
	v5 =	vadd.f32 v8, v5;
	v7 =	vld [tilespmem:s0+$0x10500];
	_ =	sdelay $0x1  }
0x2c3: {  	v5 =	vsel vm2, v6, v5;
	v6 =	vld [tilespmem:s0+$0x10700]  }
0x2c4: {  	v5 =	vperm.xlane v5, v4;
	_ =	sdelay $0x1  }
0x2c5: {  	v5 =	vadd.f32 v7, v5;
	_ =	sdelay $0x1  }
0x2c6: {  	v5 =	vadd.f32 v6, v5;
	_ =	sdelay $0x1  }
0x2c7: {  	v5 =	vadd.f32 $7.142857310e-01, v5;
	_ =	sdelay $0x1  }
0x2c8: {  	s30 =	sadd.s32 $0x800, s30;
	[tilespmem:s0+$0x10900] =	vst v5  }
0x2c9: {  	s31 =	sadd.s32 $0x800, s31;
	v5 =	vld [tilespmem:s30+$0xFFFFFC00]  }
0x2ca: {  	v6 =	vld [tilespmem:s31+$0xFFFFFC00]  }
0x2cb: {  	v7 =	vld [tilespmem:s31+$0xFFFFFC10]  }
0x2cc: {  	v8 =	vld [tilespmem:s30+$0xFFFFFC10]  }
0x2cd: {  	v9 =	vld [tilespmem:s31+$0xFFFFFC80]  }
0x2ce: {  	v10 =	vld [tilespmem:s30+$0xFFFFFC80]  }
0x2cf: {  	v11 =	vld [tilespmem:s31+$0xFFFFFC90]  }
0x2d0: {  	v12 =	vld [tilespmem:s30+$0xFFFFFC90]  }
0x2d1: {  	v13 =	vld [tilespmem:s31+$0xFFFFFD00]  }
0x2d2: {  	v14 =	vld [tilespmem:s30+$0xFFFFFD00]  }
0x2d3: {  	v15 =	vld [tilespmem:s31+$0xFFFFFD10]  }
0x2d4: {  	v16 =	vld [tilespmem:s30+$0xFFFFFD10]  }
0x2d5: {  	v17 =	vld [tilespmem:s31+$0xFFFFFD80]  }
0x2d6: {  	v18 =	vld [tilespmem:s30+$0xFFFFFD80]  }
0x2d7: {  	v19 =	vld [tilespmem:s31+$0xFFFFFD90]  }
0x2d8: {  	v20 =	vld [tilespmem:s30+$0xFFFFFD90]  }
0x2d9: {  	v21 =	vld [tilespmem:s31+$0xFFFFFE00]  }
0x2da: {  	v22 =	vld [tilespmem:s30+$0xFFFFFE00]  }
0x2db: {  	v23 =	vld [tilespmem:s31+$0xFFFFFE10]  }
0x2dc: {  	v24 =	vld [tilespmem:s30+$0xFFFFFE10]  }
0x2dd: {  	v25 =	vld [tilespmem:s31+$0xFFFFFE80]  }
0x2de: {  	v26 =	vld [tilespmem:s30+$0xFFFFFE80]  }
0x2df: {  	v27 =	vld [tilespmem:s31+$0xFFFFFE90]  }
0x2e0: {  	v28 =	vld [tilespmem:s30+$0xFFFFFE90]  }
0x2e1: {  	v29 =	vld [tilespmem:s31+$0xFFFFFF00]  }
0x2e2: {  	v30 =	vld [tilespmem:s30+$0xFFFFFF00]  }
0x2e3: {  	v31 =	vld [tilespmem:s31+$0xFFFFFF10]  }
0x2e4: {  	v32 =	vld [tilespmem:s30+$0xFFFFFF10]  }
0x2e5: {  	v33 =	vld [tilespmem:s31+$0xFFFFFF80]  }
0x2e6: {  	v34 =	vld [tilespmem:s30+$0xFFFFFF80]  }
0x2e7: {  	v35 =	vld [tilespmem:s31+$0xFFFFFF90]  }
0x2e8: {  	v36 =	vld [tilespmem:s30+$0xFFFFFF90]  }
0x2e9: {  	v37 =	vld [tilespmem:s31+$0x0]  }
0x2ea: {  	v38 =	vld [tilespmem:s30+$0x0]  }
0x2eb: {  	v39 =	vld [tilespmem:s31+$0x10]  }
0x2ec: {  	v40 =	vld [tilespmem:s30+$0x10]  }
0x2ed: {  	v41 =	vld [tilespmem:s31+$0x80]  }
0x2ee: {  	v42 =	vld [tilespmem:s30+$0x80]  }
0x2ef: {  	v43 =	vld [tilespmem:s31+$0x90]  }
0x2f0: {  	v44 =	vld [tilespmem:s30+$0x90]  }
0x2f1: {  	v45 =	vld [tilespmem:s31+$0x100]  }
0x2f2: {  	v5 =	vmul.f32 v5, v6;
	v6 =	vmul.f32 v8, v7;
	v46 =	vld [tilespmem:s30+$0x100]  }
0x2f3: {  	v7 =	vmul.f32 v10, v9;
	v8 =	vmul.f32 v12, v11;
	v47 =	vld [tilespmem:s31+$0x110]  }
0x2f4: {  	v11 =	vadd.f32 v6, v5;
	v6 =	vmul.f32 v14, v13;
	v9 =	vmul.f32 v16, v15;
	v48 =	vld [tilespmem:s30+$0x110]  }
0x2f5: {  	v7 =	vadd.f32 v8, v7;
	v8 =	vmul.f32 v18, v17;
	v10 =	vmul.f32 v20, v19;
	v5 =	vld [tilespmem:s31+$0x180]  }
0x2f6: {  	v12 =	vadd.f32 v9, v6;
	v6 =	vld [tilespmem:s30+$0x180]  }
0x2f7: {  	v14 =	vperm.xlane v11, v0;
	v15 =	vperm.xlane v7, v0;
	v13 =	vadd.f32 v10, v8;
	v8 =	vld [tilespmem:s31+$0x190]  }
0x2f8: {  	v16 =	vperm.xlane v12, v0;
	v9 =	vld [tilespmem:s30+$0x190]  }
0x2f9: {  	v17 =	vadd.f32 v14, v11;
	v7 =	vadd.f32 v15, v7;
	v15 =	vperm.xlane v13, v0;
	v10 =	vld [tilespmem:s31+$0x200]  }
0x2fa: {  	v18 =	vmul.f32 v22, v21;
	v12 =	vadd.f32 v16, v12;
	v19 =	vmul.f32 v24, v23;
	v11 =	vld [tilespmem:s30+$0x200]  }
0x2fb: {  	v16 =	vmul.f32 v26, v25;
	v13 =	vadd.f32 v15, v13;
	v20 =	vmul.f32 v28, v27;
	v14 =	vld [tilespmem:s31+$0x210]  }
0x2fc: {  	v7 =	vsel vm3, v17, v7;
	v15 =	vld [tilespmem:s30+$0x210]  }
0x2fd: {  	v21 =	vadd.f32 v19, v18;
	v12 =	vsel vm3, v12, v13;
	v22 =	vadd.f32 v20, v16;
	v16 =	vld [tilespmem:s31+$0x280]  }
0x2fe: {  	v13 =	vperm.xlane v7, v1;
	v24 =	vperm.xlane v12, v1;
	v17 =	vld [tilespmem:s30+$0x280]  }
0x2ff: {  	v23 =	vperm.xlane v21, v0;
	v25 =	vperm.xlane v22, v0;
	v18 =	vld [tilespmem:s31+$0x290]  }
0x300: {  	v26 =	vmul.f32 v30, v29;
	v27 =	vmul.f32 v32, v31;
	v19 =	vld [tilespmem:s30+$0x290]  }
0x301: {  	v30 =	vadd.f32 v23, v21;
	v28 =	vmul.f32 v34, v33;
	v29 =	vmul.f32 v36, v35;
	v20 =	vld [tilespmem:s31+$0x300]  }
0x302: {  	v25 =	vadd.f32 v25, v22;
	v31 =	vmul.f32 v38, v37;
	v32 =	vmul.f32 v40, v39;
	v21 =	vld [tilespmem:s30+$0x300]  }
0x303: {  	v7 =	vadd.f32 v13, v7;
	v33 =	vmul.f32 v42, v41;
	v34 =	vmul.f32 v44, v43;
	v22 =	vld [tilespmem:s31+$0x310]  }
.Ltmp3:
0x304: {  	v13 =	vsel vm3, v30, v25;
	v37 =	vadd.f32 v27, v26;
	v29 =	vadd.f32 v29, v28;
	v23 =	vld [tilespmem:s30+$0x310];
	(pc) =	sbr.rel @p0 .LBB2_8-.Ltmp3, $4  }
0x305: {  	v30 =	vadd.f32 v32, v31;
	v31 =	vperm.xlane v13, v1;
	v27 =	vadd.f32 v34, v33;
	v25 =	vld [tilespmem:s31+$0x380]  }
0x306: {  	v12 =	vadd.f32 v24, v12;
	v38 =	vperm.xlane v37, v0;
	v34 =	vperm.xlane v29, v0;
	v26 =	vld [tilespmem:s30+$0x380]  }
0x307: {  	v35 =	vperm.xlane v30, v0;
	v13 =	vadd.f32 v31, v13;
	v32 =	vperm.xlane v27, v0;
	v28 =	vld [tilespmem:s31+$0x390]  }
0x308: {  	s3 =	sadd.s32 $0x40, s3;
	v24 =	vadd.f32 v38, v37;
	v33 =	vmul.f32 v46, v45;
	v36 =	vmul.f32 v48, v47;
	v31 =	vld [tilespmem:s30+$0x390]  }
0x309: {  	v5 =	vmul.f32 v6, v5  }
0x30a: {  	v6 =	vmul.f32 v9, v8;
	v40 =	vmul.f32 v11, v10  }
0x30b: {  	v39 =	vadd.f32 v34, v29;
	v41 =	vmul.f32 v15, v14;
	v43 =	vmul.f32 v17, v16  }
0x30c: {  	v42 =	vadd.f32 v35, v30;
	v44 =	vmul.f32 v19, v18;
	v47 =	vmul.f32 v21, v20  }
0x30d: {  	v48 =	vmul.f32 v23, v22;
	v46 =	vadd.f32 v36, v33;
	v5 =	vadd.f32 v6, v5  }
0x30e: {  	v6 =	vmul.f32 v26, v25;
	v9 =	vadd.f32 v41, v40;
	v49 =	vmul.f32 v31, v28  }
0x30f: {  	v50 =	vadd.f32 v44, v43;
	v52 =	vadd.f32 v48, v47;
	v51 =	vperm.xlane v46, v0  }
0x310: {  	v53 =	vperm.xlane v5, v0;
	v54 =	vperm.xlane v9, v0;
	v6 =	vadd.f32 v49, v6  }
0x311: {  	v45 =	vadd.f32 v32, v27;
	v55 =	vperm.xlane v50, v0;
	v56 =	vperm.xlane v52, v0  }
0x312: {  	v14 =	vadd.f32 v51, v46;
	v5 =	vadd.f32 v53, v5;
	v20 =	vperm.xlane v6, v0  }
0x313: {  	v8 =	vsel vm3, v24, v39;
	v9 =	vadd.f32 v54, v9;
	v10 =	vadd.f32 v55, v50  }
0x314: {  	v11 =	vsel vm3, v42, v45;
	v15 =	vadd.f32 v56, v52;
	v6 =	vadd.f32 v20, v6  }
0x315: {  	v57 =	vperm.xlane v8, v1;
	v16 =	vperm.xlane v11, v1;
	v5 =	vsel vm3, v14, v5  }
0x316: {  	v9 =	vsel vm3, v9, v10;
	v58 =	vperm.xlane v5, v1;
	v6 =	vsel vm3, v15, v6  }
0x317: {  	v8 =	vadd.f32 v57, v8;
	v59 =	vperm.xlane v9, v1;
	v15 =	vperm.xlane v6, v1  }
0x318: {  	v11 =	vadd.f32 v16, v11;
	v5 =	vadd.f32 v58, v5  }
0x319: {  	v7 =	vsel vm0, v7, v12;
	v9 =	vadd.f32 v59, v9;
	v6 =	vadd.f32 v15, v6  }
0x31a: {  	v60 =	vperm.xlane v7, v2;
	v8 =	vsel vm0, v13, v8  }
0x31b: {  	v61 =	vperm.xlane v8, v2;
	v5 =	vsel vm0, v11, v5;
	v6 =	vsel vm0, v9, v6  }
0x31c: {  	v11 =	vperm.xlane v5, v2;
	v62 =	vperm.xlane v6, v2  }
0x31d: {  	v7 =	vadd.f32 v60, v7;
	v8 =	vadd.f32 v61, v8  }
0x31e: {  	v5 =	vadd.f32 v11, v5;
	v6 =	vadd.f32 v62, v6;
	_ =	sdelay $0x1  }
0x31f: {  	v7 =	vsel vm1, v7, v8;
	v5 =	vsel vm1, v5, v6  }
0x320: {  	v6 =	vperm.xlane v7, v3;
	v63 =	vperm.xlane v5, v3  }
0x321: {  	s0 =	sshra.s32 s2, $0x2  }
0x322: {  	v6 =	vadd.f32 v6, v7;
	v7 =	vld [tilespmem:s0+$0x10500];
	v5 =	vadd.f32 v63, v5;
	_ =	sdelay $0x1  }
0x323: {  	v5 =	vsel vm2, v6, v5;
	v6 =	vld [tilespmem:s0+$0x10700]  }
0x324: {  	v5 =	vperm.xlane v5, v4;
	_ =	sdelay $0x1  }
0x325: {  	v5 =	vadd.f32 v7, v5;
	_ =	sdelay $0x1  }
0x326: {  	v5 =	vadd.f32 v6, v5;
	_ =	sdelay $0x1  }
0x327: {  	v5 =	vadd.f32 $7.142857310e-01, v5;
	_ =	sdelay $0x1  }
0x328: {  	s29 =	rddreg [dreg:$0x19];
	s1 =	simm.s32 $0x10800;
	s2 =	simm.s32 $0x2;
	[tilespmem:s0+$0x10900] =	vst v5  }
0x329: {  	[hbm4b:s29+s4] =	stream.linear.scatter [tilespmem:s1], [sflag:$0x2], $0x200, $0x38;
	[tilespmem:$0x10A00] =	vst v63  }
0x32a: {  	_ =	swait.ge [sflag:s2], $0x200  }
0x32b: {  	s30 =	rddreg [dreg:$0x1b]  }
0x32c: {  	s31 =	rddreg [dreg:$0x1a];
	s1 =	sadd.s32 $0x1, s30  }
0x32d: {  	p0 =	sne.s32 s1, s31  }
.Ltmp4:
0x32e: {  	_ = 	snop;
	(pc) =	sbr.rel @p0 .LBB2_1-.Ltmp4, $3  }
0x32f: {  	_ =	sdelay $0x1  }
0x330: {  	[sflag:s2] =	ssyncset.done $0x0  }
0x331: {  	[sflag:s2] =	ssyncadd.s32 $0xFFFFFE00  }
0x332: {  	_ =	sfence.sel $0x180000  }
0x333: {  	[bflag:$0x0] =	sbarrier.arrive $0xFFFF  }
0x334: {  	_ =	strace $0x90000047  }
0x335: {  	s0 =	stileid.u32;
	[bflag:$0x2] =	sbarrier.arrive $0xFFFF  }
0x336: {  	p0 =	sne.s32 s0, $0x0;
	s0 =	rddreg [dreg:$0x4]  }
0x337: {  	s0 =	sadd.s32 @!p0 $0x100000, s0  }
0x338: {  	[sflag:s0] =	ssyncadd.tile.s32 @!p0 $0x1;
	_ =	shalt  }
.Lfunc_end2:
_tile_overlayer_lowered:
.L_overlay_start_2:
0x339: {  	(tag) =	ssettag $0x2  }
0x33a: {  	s0 =	rddreg [dreg:$0x0];
	s2 =	stileid.u32  }
0x33b: {  	s1 =	rddreg [dreg:$0x1];
	p0 =	sne.s32 s2, $0x0  }
0x33c: {  	s3 =	rddreg [dreg:$0x2];
	[bflag:$0x3] =	sbarrier.arrive $0xFFFF;
	s2 =	simm.s32 @!p0 $0x1C02  }
0x33d: {  	[timem:s3], [sflag:s2] =	dma.local @!p0 [hbm:s0], s1  }
0x33e: {  	s0 =	simm.s32 @!p0 $0x2  }
0x33f: {  	_ =	swait.ge @!p0 [sflag:s0], s1  }
0x340: {  	s1 =	ssub.s32 @!p0 $0x0, s1;
	[sflag:s0] =	ssyncset.done @!p0 $0x0  }
0x341: {  	[sflag:s0] =	ssyncadd.s32 @!p0 s1  }
0x342: {  	[bflag:$0x3] =	sbarrier.arrive $0xFFFF  }
0x343: {  	_ =	shalt  }

</sc_bundles>
